<compile_context>
chip_gen: v7x
topology: tpu7x:2x2x1
jax: 0.10.2.dev20260603
libtpu: 0.0.44.dev20260713+nightly
codegen_flags: <defaults>
</compile_context>

<pallas_src>
import functools

import jax
import jax.numpy as jnp
from jax import lax
from jax.experimental import pallas as pl
from jax.experimental.pallas import tpu as pltpu
from jax.experimental.pallas import tpu_sc as plsc

IN_CH = 256
OUT_CH = 256
N = 10000
E = 160000
NEG = 0.2

HALF = 128
NTILES = 16
CH = 128
HC = 64
NCH = 80
EPT = NCH * CH
EPT_REAL = E // NTILES
N_PAD = 10112
ROWS_PT = N_PAD // NTILES
BM = 1000
NEG_BIG = -1e30


def _tc_body(x_ref, w_ref, a_ref, h2_ref, s_ref):
    xb = x_ref[...]
    w = w_ref[...]
    hb = lax.dot_general(xb, w, (((1,), (0,)), ((), ())),
                         preferred_element_type=jnp.float32,
                         precision=lax.Precision.HIGHEST)
    h2_ref[0, ...] = hb[:, :HALF]
    h2_ref[1, ...] = hb[:, HALF:]
    wa = lax.dot_general(w, a_ref[...], (((1,), (0,)), ((), ())),
                         preferred_element_type=jnp.float32,
                         precision=lax.Precision.HIGHEST)
    s_ref[...] = lax.dot_general(xb, wa, (((1,), (0,)), ((), ())),
                                 preferred_element_type=jnp.float32,
                                 precision=lax.Precision.HIGHEST)


_tc_mm = pl.pallas_call(
    _tc_body,
    grid=(N // BM,),
    in_specs=[
        pl.BlockSpec((BM, IN_CH), lambda i: (i, 0)),
        pl.BlockSpec((IN_CH, OUT_CH), lambda i: (0, 0)),
        pl.BlockSpec((OUT_CH, HALF), lambda i: (0, 0)),
    ],
    out_specs=[
        pl.BlockSpec((2, BM, HALF), lambda i: (0, i, 0)),
        pl.BlockSpec((BM, HALF), lambda i: (i, 0)),
    ],
    out_shape=[
        jax.ShapeDtypeStruct((2, N, HALF), jnp.float32),
        jax.ShapeDtypeStruct((N, HALF), jnp.float32),
    ],
)


def _i16(v):
    return jnp.full((16,), v, jnp.int32)


@functools.partial(
    pl.kernel,
    mesh=plsc.VectorSubcoreMesh(core_axis_name="c", subcore_axis_name="s"),
    compiler_params=pltpu.CompilerParams(needs_layout_passes=False),
    out_type=jax.ShapeDtypeStruct((N, 2 * HALF), jnp.float32),
    scratch_types=[
        pltpu.VMEM((EPT,), jnp.int32),
        pltpu.VMEM((EPT,), jnp.int32),
        pltpu.VMEM((EPT,), jnp.float32),
        pltpu.VMEM((CH, HALF), jnp.float32),
        pltpu.VMEM((HC,), jnp.int32),
        pltpu.VMEM((HC,), jnp.int32),
        pltpu.VMEM((HC,), jnp.int32),
        pltpu.VMEM((HC,), jnp.int32),
        pltpu.VMEM((16,), jnp.float32),
        pltpu.VMEM((NTILES * 16,), jnp.float32),
        pltpu.VMEM_SHARED((N_PAD, HALF), jnp.float32),
        pltpu.VMEM_SHARED((NTILES * 16,), jnp.float32),
        pltpu.VMEM_SHARED((NTILES * 16,), jnp.float32),
        pltpu.SemaphoreType.DMA,
        pltpu.SemaphoreType.DMA,
        pltpu.SemaphoreType.DMA,
        pltpu.SemaphoreType.DMA,
        pltpu.SemaphoreType.DMA,
    ],
)
def _sc_gat(h_hbm, sd_hbm, ss_hbm, dst_hbm, src_hbm, out_hbm,
            dst_v, src_v, coef_v, buf, dst0, dst1, src0, src1, pub, redv,
            acc, redm, reds, asem, gsem0, gsem1, ssem0, ssem1):
    c = lax.axis_index("c")
    t = lax.axis_index("s")

    pltpu.sync_copy(dst_hbm.at[pl.ds(t * EPT_REAL, EPT_REAL)],
                    dst_v.at[pl.ds(0, EPT_REAL)])
    pltpu.sync_copy(src_hbm.at[pl.ds(t * EPT_REAL, EPT_REAL)],
                    src_v.at[pl.ds(0, EPT_REAL)])
    for w in range((EPT - EPT_REAL) // 16):
        dst_v[pl.ds(EPT_REAL + w * 16, 16)] = _i16(N_PAD - 1)
        src_v[pl.ds(EPT_REAL + w * 16, 16)] = _i16(0)

    zf = jnp.full((16,), 0.0, jnp.float32)

    def _zero_buf(k, _):
        for q in range(HALF // 16):
            buf[k, pl.ds(q * 16, 16)] = zf
        return 0

    lax.fori_loop(0, CH, _zero_buf, 0)

    base = t * ROWS_PT
    nfull = ROWS_PT // CH
    rem = ROWS_PT % CH

    def _zero_acc(k, _):
        pltpu.sync_copy(buf, acc.at[pl.ds(base + k * CH, CH)])
        return 0

    lax.fori_loop(0, nfull, _zero_acc, 0)
    if rem:
        pltpu.sync_copy(buf.at[pl.ds(0, rem)],
                        acc.at[pl.ds(base + nfull * CH, rem)])

    lanes = lax.iota(jnp.int32, 16)
    gbase = t * EPT

    def _fire_scores(j, _):
        pltpu.async_copy(sd_hbm.at[dst_v.at[pl.ds(j * CH, CH)]],
                         coef_v.at[pl.ds(j * CH, CH)], asem)
        pltpu.async_copy(ss_hbm.at[src_v.at[pl.ds(j * CH, CH)]],
                         buf.at[j], asem)
        return 0

    lax.fori_loop(0, NCH, _fire_scores, 0)

    def _drain_scores(j, _):
        pltpu.make_async_copy(sd_hbm.at[pl.ds(0, CH)],
                              coef_v.at[pl.ds(j * CH, CH)], asem).wait()
        pltpu.make_async_copy(ss_hbm.at[pl.ds(0, CH)], buf.at[j],
                              asem).wait()
        return 0

    lax.fori_loop(0, NCH, _drain_scores, 0)

    def _score_chunk(j, mx):
        for i in range(CH // 16):
            a = (coef_v[pl.ds(j * CH + i * 16, 16)] +
                 buf[j, pl.ds(i * 16, 16)])
            a = jnp.where(a >= 0.0, a, NEG * a)
            gid = _i16(j * CH + i * 16) + lanes
            a = jnp.where(gid < EPT_REAL, a, NEG_BIG)
            coef_v[pl.ds(j * CH + i * 16, 16)] = a
            mx = jnp.maximum(mx, a)
        return mx

    mx = lax.fori_loop(0, NCH, _score_chunk,
                       jnp.full((16,), NEG_BIG, jnp.float32))

    pub[...] = mx
    pltpu.sync_copy(pub, redm.at[pl.ds(t * 16, 16)])
    plsc.subcore_barrier()
    pltpu.sync_copy(redm, redv)
    m16 = redv[pl.ds(0, 16)]
    for i in range(1, NTILES):
        m16 = jnp.maximum(m16, redv[pl.ds(i * 16, 16)])
    mvec = jnp.full((16,), jnp.max(m16))

    def _exp_chunk(j, sm):
        for i in range(CH // 16):
            e = jnp.exp(coef_v[pl.ds(j * CH + i * 16, 16)] - mvec)
            coef_v[pl.ds(j * CH + i * 16, 16)] = e
            sm = sm + e
        return sm

    sm = lax.fori_loop(0, NCH, _exp_chunk, jnp.full((16,), 0.0, jnp.float32))

    pub[...] = sm
    pltpu.sync_copy(pub, reds.at[pl.ds(t * 16, 16)])
    plsc.subcore_barrier()
    pltpu.sync_copy(reds, redv)
    s16 = redv[pl.ds(0, 16)]
    for i in range(1, NTILES):
        s16 = s16 + redv[pl.ds(i * 16, 16)]
    ivec = jnp.full((16,), 1.0, jnp.float32) / jnp.full((16,), jnp.sum(s16))

    offv = _i16(c * N)

    def _fix_chunk(j, _):
        for i in range(CH // 16):
            o = j * CH + i * 16
            coef_v[pl.ds(o, 16)] = coef_v[pl.ds(o, 16)] * ivec
            src_v[pl.ds(o, 16)] = src_v[pl.ds(o, 16)] + offv
        return 0

    lax.fori_loop(0, NCH, _fix_chunk, 0)

    def _prep_idx(p, half, dstX, srcX):
        for v in range(HC // 16):
            o = p * CH + half * HC + v * 16
            dstX[pl.ds(v * 16, 16)] = dst_v[pl.ds(o, 16)]
            srcX[pl.ds(v * 16, 16)] = src_v[pl.ds(o, 16)]

    def _slot(s):
        return buf.at[pl.ds(s * HC, HC)]

    def _wait_gather(s, gsem):
        pltpu.make_async_copy(h_hbm.at[pl.ds(0, HC)], _slot(s), gsem).wait()

    def _wait_scatter(ssem):
        pltpu.make_async_copy(h_hbm.at[pl.ds(0, HC)], _slot(0), ssem).wait()

    def _scale(p, half, s):
        def _row4(k4, _):
            k = k4 * 4
            for d in range(4):
                bc = plsc.load_gather(coef_v,
                                      [_i16(p * CH + half * HC + k + d)])
                r = s * HC + k + d
                for q in range(HALF // 16):
                    buf[r, pl.ds(q * 16, 16)] = buf[r, pl.ds(q * 16, 16)] * bc
            return 0

        lax.fori_loop(0, HC // 4, _row4, 0)

    _prep_idx(0, 0, dst0, src0)
    pltpu.async_copy(h_hbm.at[src0], _slot(0), gsem0)

    def _pair(p, _):
        @pl.when(p > 0)
        def _():
            _wait_scatter(ssem1)
        _prep_idx(p, 1, dst1, src1)
        pltpu.async_copy(h_hbm.at[src1], _slot(1), gsem1)

        _wait_gather(0, gsem0)
        _scale(p, 0, 0)
        pltpu.async_copy(_slot(0), acc.at[dst0], ssem0, add=True)

        _wait_gather(1, gsem1)
        _scale(p, 1, 1)
        pltpu.async_copy(_slot(1), acc.at[dst1], ssem1, add=True)

        _wait_scatter(ssem0)

        @pl.when(p + 1 < NCH)
        def _():
            _prep_idx(p + 1, 0, dst0, src0)
            pltpu.async_copy(h_hbm.at[src0], _slot(0), gsem0)

        return 0

    lax.fori_loop(0, NCH, _pair, 0)
    _wait_scatter(ssem1)

    plsc.subcore_barrier()
    base_w = jnp.minimum(base, N - ROWS_PT)
    pltpu.sync_copy(acc.at[pl.ds(base_w, ROWS_PT)],
                    out_hbm.at[pl.ds(base_w, ROWS_PT), pl.ds(c * HALF, HALF)])


def kernel(x, edge_index, weight, att):
    a = att.reshape(-1)
    a_pad = (jnp.zeros((OUT_CH, HALF), jnp.float32)
             .at[:, 0].set(a[:OUT_CH])
             .at[:, 1].set(a[OUT_CH:]))
    h2, s_pad = _tc_mm(x, weight, a_pad)
    h_flat = h2.reshape(2 * N, HALF)
    sd = jnp.pad(s_pad[:, 0], (0, N_PAD - N))
    ss = jnp.pad(s_pad[:, 1], (0, N_PAD - N))
    return _sc_gat(h_flat, sd, ss, edge_index[0], edge_index[1])

# --- scband reference (transcript-rebuilt; emitter-appended) ---
"""Pipeline reference for scband-gatconv-37924561224133 (READ-ONLY COPY).

The authoritative reference and input builder live on the scoring server;
editing this copy changes nothing except your own understanding.
"""

import jax, jax.numpy as jnp
import numpy as np

IN_CHANNELS = 256
OUT_CHANNELS = 256
HEADS = 1
NEG_SLOPE = 0.2
N_NODES = 10000
N_EDGES = 160000


def setup_inputs(seed: int = 0) -> dict:
    key = jax.random.key(seed)
    k1, k2, k3, k4 = jax.random.split(key, 4)
    x = jax.random.normal(k1, (N_NODES, IN_CHANNELS), dtype=jnp.float32)
    edge_index = jax.random.randint(k2, (2, N_EDGES), 0, N_NODES, dtype=jnp.int32)
    # xavier_uniform for weight [in, heads*out]
    limit_w = float(np.sqrt(6.0 / (IN_CHANNELS + HEADS * OUT_CHANNELS)))
    weight = jax.random.uniform(k3, (IN_CHANNELS, HEADS * OUT_CHANNELS), minval=-limit_w, maxval=limit_w, dtype=jnp.float32)
    # xavier_uniform for att [1, heads, 2*out] (torch treats last dim as fan_in, second-to-last as fan_out)
    limit_a = float(np.sqrt(6.0 / (HEADS + 2 * OUT_CHANNELS)))
    att = jax.random.uniform(k4, (1, HEADS, 2 * OUT_CHANNELS), minval=-limit_a, maxval=limit_a, dtype=jnp.float32)
    return {"x": x, "edge_index": edge_index, "weight": weight, "att": att}


def reference(x, edge_index, weight, att):
    num_nodes = x.shape[0]
    h = jnp.dot(x, weight)                       # [N, H*O]
    h = h.reshape(-1, HEADS, OUT_CHANNELS)       # [N, H, O]
    x_i = h[edge_index[0]]                       # gather dst  [E, H, O]
    x_j = h[edge_index[1]]                       # gather src  [E, H, O]
    alpha = jnp.concatenate([x_i, x_j], axis=-1) # [E, H, 2O]
    alpha = (alpha * att).sum(axis=-1)           # [E, H]
    alpha = jnp.where(alpha >= 0, alpha, NEG_SLOPE * alpha)  # leaky_relu
    alpha = alpha.reshape(-1, HEADS)
    alpha = jax.nn.softmax(alpha, axis=0)        # global softmax over edges (as in original, dim=0)
    # dropout p=0.0 -> identity
    msgs = alpha[:, :, None] * x_j               # [E, H, O]
    out = jax.ops.segment_sum(msgs, edge_index[0], num_segments=num_nodes)  # scatter-add to dst
    out = out.reshape(num_nodes, HEADS * OUT_CHANNELS)  # concat=True
    return out

if __name__ == "__main__":
    import jax
    _d = setup_inputs()
    print(jax.jit(kernel)(*tuple(_d.values())))

</pallas_src>

<mosaic_0001>
#map = affine_map<(d0, d1) -> (0, 0)>
#map1 = affine_map<(d0, d1) -> (0)>
module attributes {stable_mosaic.version = 14 : i64} {
  func.func @_sc_gat(%arg0: i32, %arg1: i32, %arg2: memref<20000x128xf32, #tpu.memory_space<hbm>>, %arg3: memref<10112xf32, #tpu.memory_space<hbm>>, %arg4: memref<10112xf32, #tpu.memory_space<hbm>>, %arg5: memref<160000xi32, #tpu.memory_space<hbm>>, %arg6: memref<160000xi32, #tpu.memory_space<hbm>>, %arg7: memref<10000x256xf32, #tpu.memory_space<hbm>>, %arg8: memref<10240xi32, #tpu.memory_space<vmem>>, %arg9: memref<10240xi32, #tpu.memory_space<vmem>>, %arg10: memref<10240xf32, #tpu.memory_space<vmem>>, %arg11: memref<128x128xf32, #tpu.memory_space<vmem>>, %arg12: memref<64xi32, #tpu.memory_space<vmem>>, %arg13: memref<64xi32, #tpu.memory_space<vmem>>, %arg14: memref<64xi32, #tpu.memory_space<vmem>>, %arg15: memref<64xi32, #tpu.memory_space<vmem>>, %arg16: memref<16xf32, #tpu.memory_space<vmem>>, %arg17: memref<256xf32, #tpu.memory_space<vmem>>, %arg18: memref<10112x128xf32, #tpu.memory_space<vmem_shared>>, %arg19: memref<256xf32, #tpu.memory_space<vmem_shared>>, %arg20: memref<256xf32, #tpu.memory_space<vmem_shared>>, %arg21: memref<!tpu.dma_semaphore, #tpu.memory_space<semaphore_mem>>, %arg22: memref<!tpu.dma_semaphore, #tpu.memory_space<semaphore_mem>>, %arg23: memref<!tpu.dma_semaphore, #tpu.memory_space<semaphore_mem>>, %arg24: memref<!tpu.dma_semaphore, #tpu.memory_space<semaphore_mem>>, %arg25: memref<!tpu.dma_semaphore, #tpu.memory_space<semaphore_mem>>) attributes {dimension_semantics = [#tpu.dimension_semantics<core_parallel>, #tpu.dimension_semantics<subcore_parallel>], iteration_bounds = array<i64: 2, 16>, scalar_prefetch = 0 : i64, scratch_operands = 18 : i64, tpu.core_type = #tpu.core_type<sc_vector_subcore>, window_params = [{transform_indices = #map}, {transform_indices = #map1}, {transform_indices = #map1}, {transform_indices = #map1}, {transform_indices = #map1}, {transform_indices = #map}]} {
    %mul3A = arith.constant 10000 : i32
    %mul3A_0 = arith.muli %arg1, %mul3A : i32
    "tpu.region"() ({
      %run_scoped3A = tpu.sem_alloc : memref<!tpu.dma_semaphore, #tpu.memory_space<semaphore_mem>>
      %dma_start3A_351 = arith.constant 0 : i32
      %dma_start3A_352 = tpu.memref_slice %arg8[%dma_start3A_351] : memref<10240xi32, #tpu.memory_space<vmem>> -> memref<10000xi32, #tpu.memory_space<vmem>>
      %dma_start3A_353 = tpu.memref_slice %arg5[%mul3A_0] : memref<160000xi32, #tpu.memory_space<hbm>> -> memref<10000xi32, #tpu.memory_space<hbm>>
      %dma_start3A_354 = arith.constant 0 : i32
      %dma_start3A_355 = tpu.memref_slice %arg8[%dma_start3A_354] : memref<10240xi32, #tpu.memory_space<vmem>> -> memref<10000xi32, #tpu.memory_space<vmem>>
      %dma_start3A_356 = tpu.memref_slice %arg5[%mul3A_0] : memref<160000xi32, #tpu.memory_space<hbm>> -> memref<10000xi32, #tpu.memory_space<hbm>>
      tpu.enqueue_dma source(%dma_start3A_356 : memref<10000xi32, #tpu.memory_space<hbm>>) target(%dma_start3A_355 : memref<10000xi32, #tpu.memory_space<vmem>>) target_semaphore(%run_scoped3A : memref<!tpu.dma_semaphore, #tpu.memory_space<semaphore_mem>>)
      %dma_wait3A_357 = arith.constant 0 : i32
      %dma_wait3A_358 = tpu.memref_slice %arg8[%dma_wait3A_357] : memref<10240xi32, #tpu.memory_space<vmem>> -> memref<10000xi32, #tpu.memory_space<vmem>>
      %dma_wait3A_359 = tpu.memref_slice %arg5[%mul3A_0] : memref<160000xi32, #tpu.memory_space<hbm>> -> memref<10000xi32, #tpu.memory_space<hbm>>
      %dma_wait3A_360 = arith.constant 0 : i32
      %dma_wait3A_361 = tpu.memref_slice %arg8[%dma_wait3A_360] : memref<10240xi32, #tpu.memory_space<vmem>> -> memref<10000xi32, #tpu.memory_space<vmem>>
      %dma_wait3A_362 = tpu.memref_slice %arg5[%mul3A_0] : memref<160000xi32, #tpu.memory_space<hbm>> -> memref<10000xi32, #tpu.memory_space<hbm>>
      tpu.wait_dma2 semaphore(%run_scoped3A : memref<!tpu.dma_semaphore, #tpu.memory_space<semaphore_mem>>) src(%dma_wait3A_362 : memref<10000xi32, #tpu.memory_space<hbm>>) dst(%dma_wait3A_361 : memref<10000xi32, #tpu.memory_space<vmem>>)
      tpu.yield
    }) : () -> ()
    %mul3A_1 = arith.constant 10000 : i32
    %mul3A_2 = arith.muli %arg1, %mul3A_1 : i32
    "tpu.region"() ({
      %run_scoped3A = tpu.sem_alloc : memref<!tpu.dma_semaphore, #tpu.memory_space<semaphore_mem>>
      %dma_start3A_351 = arith.constant 0 : i32
      %dma_start3A_352 = tpu.memref_slice %arg9[%dma_start3A_351] : memref<10240xi32, #tpu.memory_space<vmem>> -> memref<10000xi32, #tpu.memory_space<vmem>>
      %dma_start3A_353 = tpu.memref_slice %arg6[%mul3A_2] : memref<160000xi32, #tpu.memory_space<hbm>> -> memref<10000xi32, #tpu.memory_space<hbm>>
      %dma_start3A_354 = arith.constant 0 : i32
      %dma_start3A_355 = tpu.memref_slice %arg9[%dma_start3A_354] : memref<10240xi32, #tpu.memory_space<vmem>> -> memref<10000xi32, #tpu.memory_space<vmem>>
      %dma_start3A_356 = tpu.memref_slice %arg6[%mul3A_2] : memref<160000xi32, #tpu.memory_space<hbm>> -> memref<10000xi32, #tpu.memory_space<hbm>>
      tpu.enqueue_dma source(%dma_start3A_356 : memref<10000xi32, #tpu.memory_space<hbm>>) target(%dma_start3A_355 : memref<10000xi32, #tpu.memory_space<vmem>>) target_semaphore(%run_scoped3A : memref<!tpu.dma_semaphore, #tpu.memory_space<semaphore_mem>>)
      %dma_wait3A_357 = arith.constant 0 : i32
      %dma_wait3A_358 = tpu.memref_slice %arg9[%dma_wait3A_357] : memref<10240xi32, #tpu.memory_space<vmem>> -> memref<10000xi32, #tpu.memory_space<vmem>>
      %dma_wait3A_359 = tpu.memref_slice %arg6[%mul3A_2] : memref<160000xi32, #tpu.memory_space<hbm>> -> memref<10000xi32, #tpu.memory_space<hbm>>
      %dma_wait3A_360 = arith.constant 0 : i32
      %dma_wait3A_361 = tpu.memref_slice %arg9[%dma_wait3A_360] : memref<10240xi32, #tpu.memory_space<vmem>> -> memref<10000xi32, #tpu.memory_space<vmem>>
      %dma_wait3A_362 = tpu.memref_slice %arg6[%mul3A_2] : memref<160000xi32, #tpu.memory_space<hbm>> -> memref<10000xi32, #tpu.memory_space<hbm>>
      tpu.wait_dma2 semaphore(%run_scoped3A : memref<!tpu.dma_semaphore, #tpu.memory_space<semaphore_mem>>) src(%dma_wait3A_362 : memref<10000xi32, #tpu.memory_space<hbm>>) dst(%dma_wait3A_361 : memref<10000xi32, #tpu.memory_space<vmem>>)
      tpu.yield
    }) : () -> ()
    %broadcast_in_dim3A = arith.constant 10111 : i32
    %broadcast_in_dim3A_3 = vector.broadcast %broadcast_in_dim3A : i32 to vector<16xi32>
    %swap3A = arith.constant 10000 : index
    %swap3A_4 = tpu.vector_load %arg8[%swap3A] {strides = array<i32>} : memref<10240xi32, #tpu.memory_space<vmem>>, vector<16xi32>,
    tpu.vector_store %arg8[%swap3A], %broadcast_in_dim3A_3 {strides = array<i32>} : memref<10240xi32, #tpu.memory_space<vmem>>, vector<16xi32>,
    %broadcast_in_dim3A_5 = arith.constant 0 : i32
    %broadcast_in_dim3A_6 = vector.broadcast %broadcast_in_dim3A_5 : i32 to vector<16xi32>
    %swap3A_7 = arith.constant 10000 : index
    %swap3A_8 = tpu.vector_load %arg9[%swap3A_7] {strides = array<i32>} : memref<10240xi32, #tpu.memory_space<vmem>>, vector<16xi32>,
    tpu.vector_store %arg9[%swap3A_7], %broadcast_in_dim3A_6 {strides = array<i32>} : memref<10240xi32, #tpu.memory_space<vmem>>, vector<16xi32>,
    %broadcast_in_dim3A_9 = arith.constant 10111 : i32
    %broadcast_in_dim3A_10 = vector.broadcast %broadcast_in_dim3A_9 : i32 to vector<16xi32>
    %swap3A_11 = arith.constant 10016 : index
    %swap3A_12 = tpu.vector_load %arg8[%swap3A_11] {strides = array<i32>} : memref<10240xi32, #tpu.memory_space<vmem>>, vector<16xi32>,
    tpu.vector_store %arg8[%swap3A_11], %broadcast_in_dim3A_10 {strides = array<i32>} : memref<10240xi32, #tpu.memory_space<vmem>>, vector<16xi32>,
    %broadcast_in_dim3A_13 = arith.constant 0 : i32
    %broadcast_in_dim3A_14 = vector.broadcast %broadcast_in_dim3A_13 : i32 to vector<16xi32>
    %swap3A_15 = arith.constant 10016 : index
    %swap3A_16 = tpu.vector_load %arg9[%swap3A_15] {strides = array<i32>} : memref<10240xi32, #tpu.memory_space<vmem>>, vector<16xi32>,
    tpu.vector_store %arg9[%swap3A_15], %broadcast_in_dim3A_14 {strides = array<i32>} : memref<10240xi32, #tpu.memory_space<vmem>>, vector<16xi32>,
    %broadcast_in_dim3A_17 = arith.constant 10111 : i32
    %broadcast_in_dim3A_18 = vector.broadcast %broadcast_in_dim3A_17 : i32 to vector<16xi32>
    %swap3A_19 = arith.constant 10032 : index
    %swap3A_20 = tpu.vector_load %arg8[%swap3A_19] {strides = array<i32>} : memref<10240xi32, #tpu.memory_space<vmem>>, vector<16xi32>,
    tpu.vector_store %arg8[%swap3A_19], %broadcast_in_dim3A_18 {strides = array<i32>} : memref<10240xi32, #tpu.memory_space<vmem>>, vector<16xi32>,
    %broadcast_in_dim3A_21 = arith.constant 0 : i32
    %broadcast_in_dim3A_22 = vector.broadcast %broadcast_in_dim3A_21 : i32 to vector<16xi32>
    %swap3A_23 = arith.constant 10032 : index
    %swap3A_24 = tpu.vector_load %arg9[%swap3A_23] {strides = array<i32>} : memref<10240xi32, #tpu.memory_space<vmem>>, vector<16xi32>,
    tpu.vector_store %arg9[%swap3A_23], %broadcast_in_dim3A_22 {strides = array<i32>} : memref<10240xi32, #tpu.memory_space<vmem>>, vector<16xi32>,
    %broadcast_in_dim3A_25 = arith.constant 10111 : i32
    %broadcast_in_dim3A_26 = vector.broadcast %broadcast_in_dim3A_25 : i32 to vector<16xi32>
    %swap3A_27 = arith.constant 10048 : index
    %swap3A_28 = tpu.vector_load %arg8[%swap3A_27] {strides = array<i32>} : memref<10240xi32, #tpu.memory_space<vmem>>, vector<16xi32>,
    tpu.vector_store %arg8[%swap3A_27], %broadcast_in_dim3A_26 {strides = array<i32>} : memref<10240xi32, #tpu.memory_space<vmem>>, vector<16xi32>,
    %broadcast_in_dim3A_29 = arith.constant 0 : i32
    %broadcast_in_dim3A_30 = vector.broadcast %broadcast_in_dim3A_29 : i32 to vector<16xi32>
    %swap3A_31 = arith.constant 10048 : index
    %swap3A_32 = tpu.vector_load %arg9[%swap3A_31] {strides = array<i32>} : memref<10240xi32, #tpu.memory_space<vmem>>, vector<16xi32>,
    tpu.vector_store %arg9[%swap3A_31], %broadcast_in_dim3A_30 {strides = array<i32>} : memref<10240xi32, #tpu.memory_space<vmem>>, vector<16xi32>,
    %broadcast_in_dim3A_33 = arith.constant 10111 : i32
    %broadcast_in_dim3A_34 = vector.broadcast %broadcast_in_dim3A_33 : i32 to vector<16xi32>
    %swap3A_35 = arith.constant 10064 : index
    %swap3A_36 = tpu.vector_load %arg8[%swap3A_35] {strides = array<i32>} : memref<10240xi32, #tpu.memory_space<vmem>>, vector<16xi32>,
    tpu.vector_store %arg8[%swap3A_35], %broadcast_in_dim3A_34 {strides = array<i32>} : memref<10240xi32, #tpu.memory_space<vmem>>, vector<16xi32>,
    %broadcast_in_dim3A_37 = arith.constant 0 : i32
    %broadcast_in_dim3A_38 = vector.broadcast %broadcast_in_dim3A_37 : i32 to vector<16xi32>
    %swap3A_39 = arith.constant 10064 : index
    %swap3A_40 = tpu.vector_load %arg9[%swap3A_39] {strides = array<i32>} : memref<10240xi32, #tpu.memory_space<vmem>>, vector<16xi32>,
    tpu.vector_store %arg9[%swap3A_39], %broadcast_in_dim3A_38 {strides = array<i32>} : memref<10240xi32, #tpu.memory_space<vmem>>, vector<16xi32>,
    %broadcast_in_dim3A_41 = arith.constant 10111 : i32
    %broadcast_in_dim3A_42 = vector.broadcast %broadcast_in_dim3A_41 : i32 to vector<16xi32>
    %swap3A_43 = arith.constant 10080 : index
    %swap3A_44 = tpu.vector_load %arg8[%swap3A_43] {strides = array<i32>} : memref<10240xi32, #tpu.memory_space<vmem>>, vector<16xi32>,
    tpu.vector_store %arg8[%swap3A_43], %broadcast_in_dim3A_42 {strides = array<i32>} : memref<10240xi32, #tpu.memory_space<vmem>>, vector<16xi32>,
    %broadcast_in_dim3A_45 = arith.constant 0 : i32
    %broadcast_in_dim3A_46 = vector.broadcast %broadcast_in_dim3A_45 : i32 to vector<16xi32>
    %swap3A_47 = arith.constant 10080 : index
    %swap3A_48 = tpu.vector_load %arg9[%swap3A_47] {strides = array<i32>} : memref<10240xi32, #tpu.memory_space<vmem>>, vector<16xi32>,
    tpu.vector_store %arg9[%swap3A_47], %broadcast_in_dim3A_46 {strides = array<i32>} : memref<10240xi32, #tpu.memory_space<vmem>>, vector<16xi32>,
    %broadcast_in_dim3A_49 = arith.constant 10111 : i32
    %broadcast_in_dim3A_50 = vector.broadcast %broadcast_in_dim3A_49 : i32 to vector<16xi32>
    %swap3A_51 = arith.constant 10096 : index
    %swap3A_52 = tpu.vector_load %arg8[%swap3A_51] {strides = array<i32>} : memref<10240xi32, #tpu.memory_space<vmem>>, vector<16xi32>,
    tpu.vector_store %arg8[%swap3A_51], %broadcast_in_dim3A_50 {strides = array<i32>} : memref<10240xi32, #tpu.memory_space<vmem>>, vector<16xi32>,
    %broadcast_in_dim3A_53 = arith.constant 0 : i32
    %broadcast_in_dim3A_54 = vector.broadcast %broadcast_in_dim3A_53 : i32 to vector<16xi32>
    %swap3A_55 = arith.constant 10096 : index
    %swap3A_56 = tpu.vector_load %arg9[%swap3A_55] {strides = array<i32>} : memref<10240xi32, #tpu.memory_space<vmem>>, vector<16xi32>,
    tpu.vector_store %arg9[%swap3A_55], %broadcast_in_dim3A_54 {strides = array<i32>} : memref<10240xi32, #tpu.memory_space<vmem>>, vector<16xi32>,
    %broadcast_in_dim3A_57 = arith.constant 10111 : i32
    %broadcast_in_dim3A_58 = vector.broadcast %broadcast_in_dim3A_57 : i32 to vector<16xi32>
    %swap3A_59 = arith.constant 10112 : index
    %swap3A_60 = tpu.vector_load %arg8[%swap3A_59] {strides = array<i32>} : memref<10240xi32, #tpu.memory_space<vmem>>, vector<16xi32>,
    tpu.vector_store %arg8[%swap3A_59], %broadcast_in_dim3A_58 {strides = array<i32>} : memref<10240xi32, #tpu.memory_space<vmem>>, vector<16xi32>,
    %broadcast_in_dim3A_61 = arith.constant 0 : i32
    %broadcast_in_dim3A_62 = vector.broadcast %broadcast_in_dim3A_61 : i32 to vector<16xi32>
    %swap3A_63 = arith.constant 10112 : index
    %swap3A_64 = tpu.vector_load %arg9[%swap3A_63] {strides = array<i32>} : memref<10240xi32, #tpu.memory_space<vmem>>, vector<16xi32>,
    tpu.vector_store %arg9[%swap3A_63], %broadcast_in_dim3A_62 {strides = array<i32>} : memref<10240xi32, #tpu.memory_space<vmem>>, vector<16xi32>,
    %broadcast_in_dim3A_65 = arith.constant 10111 : i32
    %broadcast_in_dim3A_66 = vector.broadcast %broadcast_in_dim3A_65 : i32 to vector<16xi32>
    %swap3A_67 = arith.constant 10128 : index
    %swap3A_68 = tpu.vector_load %arg8[%swap3A_67] {strides = array<i32>} : memref<10240xi32, #tpu.memory_space<vmem>>, vector<16xi32>,
    tpu.vector_store %arg8[%swap3A_67], %broadcast_in_dim3A_66 {strides = array<i32>} : memref<10240xi32, #tpu.memory_space<vmem>>, vector<16xi32>,
    %broadcast_in_dim3A_69 = arith.constant 0 : i32
    %broadcast_in_dim3A_70 = vector.broadcast %broadcast_in_dim3A_69 : i32 to vector<16xi32>
    %swap3A_71 = arith.constant 10128 : index
    %swap3A_72 = tpu.vector_load %arg9[%swap3A_71] {strides = array<i32>} : memref<10240xi32, #tpu.memory_space<vmem>>, vector<16xi32>,
    tpu.vector_store %arg9[%swap3A_71], %broadcast_in_dim3A_70 {strides = array<i32>} : memref<10240xi32, #tpu.memory_space<vmem>>, vector<16xi32>,
    %broadcast_in_dim3A_73 = arith.constant 10111 : i32
    %broadcast_in_dim3A_74 = vector.broadcast %broadcast_in_dim3A_73 : i32 to vector<16xi32>
    %swap3A_75 = arith.constant 10144 : index
    %swap3A_76 = tpu.vector_load %arg8[%swap3A_75] {strides = array<i32>} : memref<10240xi32, #tpu.memory_space<vmem>>, vector<16xi32>,
    tpu.vector_store %arg8[%swap3A_75], %broadcast_in_dim3A_74 {strides = array<i32>} : memref<10240xi32, #tpu.memory_space<vmem>>, vector<16xi32>,
    %broadcast_in_dim3A_77 = arith.constant 0 : i32
    %broadcast_in_dim3A_78 = vector.broadcast %broadcast_in_dim3A_77 : i32 to vector<16xi32>
    %swap3A_79 = arith.constant 10144 : index
    %swap3A_80 = tpu.vector_load %arg9[%swap3A_79] {strides = array<i32>} : memref<10240xi32, #tpu.memory_space<vmem>>, vector<16xi32>,
    tpu.vector_store %arg9[%swap3A_79], %broadcast_in_dim3A_78 {strides = array<i32>} : memref<10240xi32, #tpu.memory_space<vmem>>, vector<16xi32>,
    %broadcast_in_dim3A_81 = arith.constant 10111 : i32
    %broadcast_in_dim3A_82 = vector.broadcast %broadcast_in_dim3A_81 : i32 to vector<16xi32>
    %swap3A_83 = arith.constant 10160 : index
    %swap3A_84 = tpu.vector_load %arg8[%swap3A_83] {strides = array<i32>} : memref<10240xi32, #tpu.memory_space<vmem>>, vector<16xi32>,
    tpu.vector_store %arg8[%swap3A_83], %broadcast_in_dim3A_82 {strides = array<i32>} : memref<10240xi32, #tpu.memory_space<vmem>>, vector<16xi32>,
    %broadcast_in_dim3A_85 = arith.constant 0 : i32
    %broadcast_in_dim3A_86 = vector.broadcast %broadcast_in_dim3A_85 : i32 to vector<16xi32>
    %swap3A_87 = arith.constant 10160 : index
    %swap3A_88 = tpu.vector_load %arg9[%swap3A_87] {strides = array<i32>} : memref<10240xi32, #tpu.memory_space<vmem>>, vector<16xi32>,
    tpu.vector_store %arg9[%swap3A_87], %broadcast_in_dim3A_86 {strides = array<i32>} : memref<10240xi32, #tpu.memory_space<vmem>>, vector<16xi32>,
    %broadcast_in_dim3A_89 = arith.constant 10111 : i32
    %broadcast_in_dim3A_90 = vector.broadcast %broadcast_in_dim3A_89 : i32 to vector<16xi32>
    %swap3A_91 = arith.constant 10176 : index
    %swap3A_92 = tpu.vector_load %arg8[%swap3A_91] {strides = array<i32>} : memref<10240xi32, #tpu.memory_space<vmem>>, vector<16xi32>,
    tpu.vector_store %arg8[%swap3A_91], %broadcast_in_dim3A_90 {strides = array<i32>} : memref<10240xi32, #tpu.memory_space<vmem>>, vector<16xi32>,
    %broadcast_in_dim3A_93 = arith.constant 0 : i32
    %broadcast_in_dim3A_94 = vector.broadcast %broadcast_in_dim3A_93 : i32 to vector<16xi32>
    %swap3A_95 = arith.constant 10176 : index
    %swap3A_96 = tpu.vector_load %arg9[%swap3A_95] {strides = array<i32>} : memref<10240xi32, #tpu.memory_space<vmem>>, vector<16xi32>,
    tpu.vector_store %arg9[%swap3A_95], %broadcast_in_dim3A_94 {strides = array<i32>} : memref<10240xi32, #tpu.memory_space<vmem>>, vector<16xi32>,
    %broadcast_in_dim3A_97 = arith.constant 10111 : i32
    %broadcast_in_dim3A_98 = vector.broadcast %broadcast_in_dim3A_97 : i32 to vector<16xi32>
    %swap3A_99 = arith.constant 10192 : index
    %swap3A_100 = tpu.vector_load %arg8[%swap3A_99] {strides = array<i32>} : memref<10240xi32, #tpu.memory_space<vmem>>, vector<16xi32>,
    tpu.vector_store %arg8[%swap3A_99], %broadcast_in_dim3A_98 {strides = array<i32>} : memref<10240xi32, #tpu.memory_space<vmem>>, vector<16xi32>,
    %broadcast_in_dim3A_101 = arith.constant 0 : i32
    %broadcast_in_dim3A_102 = vector.broadcast %broadcast_in_dim3A_101 : i32 to vector<16xi32>
    %swap3A_103 = arith.constant 10192 : index
    %swap3A_104 = tpu.vector_load %arg9[%swap3A_103] {strides = array<i32>} : memref<10240xi32, #tpu.memory_space<vmem>>, vector<16xi32>,
    tpu.vector_store %arg9[%swap3A_103], %broadcast_in_dim3A_102 {strides = array<i32>} : memref<10240xi32, #tpu.memory_space<vmem>>, vector<16xi32>,
    %broadcast_in_dim3A_105 = arith.constant 10111 : i32
    %broadcast_in_dim3A_106 = vector.broadcast %broadcast_in_dim3A_105 : i32 to vector<16xi32>
    %swap3A_107 = arith.constant 10208 : index
    %swap3A_108 = tpu.vector_load %arg8[%swap3A_107] {strides = array<i32>} : memref<10240xi32, #tpu.memory_space<vmem>>, vector<16xi32>,
    tpu.vector_store %arg8[%swap3A_107], %broadcast_in_dim3A_106 {strides = array<i32>} : memref<10240xi32, #tpu.memory_space<vmem>>, vector<16xi32>,
    %broadcast_in_dim3A_109 = arith.constant 0 : i32
    %broadcast_in_dim3A_110 = vector.broadcast %broadcast_in_dim3A_109 : i32 to vector<16xi32>
    %swap3A_111 = arith.constant 10208 : index
    %swap3A_112 = tpu.vector_load %arg9[%swap3A_111] {strides = array<i32>} : memref<10240xi32, #tpu.memory_space<vmem>>, vector<16xi32>,
    tpu.vector_store %arg9[%swap3A_111], %broadcast_in_dim3A_110 {strides = array<i32>} : memref<10240xi32, #tpu.memory_space<vmem>>, vector<16xi32>,
    %broadcast_in_dim3A_113 = arith.constant 10111 : i32
    %broadcast_in_dim3A_114 = vector.broadcast %broadcast_in_dim3A_113 : i32 to vector<16xi32>
    %swap3A_115 = arith.constant 10224 : index
    %swap3A_116 = tpu.vector_load %arg8[%swap3A_115] {strides = array<i32>} : memref<10240xi32, #tpu.memory_space<vmem>>, vector<16xi32>,
    tpu.vector_store %arg8[%swap3A_115], %broadcast_in_dim3A_114 {strides = array<i32>} : memref<10240xi32, #tpu.memory_space<vmem>>, vector<16xi32>,
    %broadcast_in_dim3A_117 = arith.constant 0 : i32
    %broadcast_in_dim3A_118 = vector.broadcast %broadcast_in_dim3A_117 : i32 to vector<16xi32>
    %swap3A_119 = arith.constant 10224 : index
    %swap3A_120 = tpu.vector_load %arg9[%swap3A_119] {strides = array<i32>} : memref<10240xi32, #tpu.memory_space<vmem>>, vector<16xi32>,
    tpu.vector_store %arg9[%swap3A_119], %broadcast_in_dim3A_118 {strides = array<i32>} : memref<10240xi32, #tpu.memory_space<vmem>>, vector<16xi32>,
    %broadcast_in_dim3A_121 = arith.constant 0.000000e+00 : f32
    %broadcast_in_dim3A_122 = vector.broadcast %broadcast_in_dim3A_121 : f32 to vector<16xf32>
    %scan3A = arith.constant 0 : i32
    %scan3A_123 = arith.constant 0 : i32
    %scan3A_124 = arith.constant 128 : i32
    %scan3A_125 = arith.addi %scan3A_123, %scan3A_124 : i32
    %scan3A_126 = arith.constant 1 : i32
    %scan3A_127 = scf.for %scan3A_351 = %scan3A_123 to %scan3A_125 step %scan3A_126 iter_args(%scan3A_352 = %scan3A) -> (i32)  : i32 {
      %swap3A_353 = arith.index_cast %scan3A_351 : i32 to index
      %swap3A_354 = arith.constant 0 : index
      %swap3A_355 = tpu.vector_load %arg11[%swap3A_353, %swap3A_354] {strides = array<i32>} : memref<128x128xf32, #tpu.memory_space<vmem>>, vector<16xf32>,
      tpu.vector_store %arg11[%swap3A_353, %swap3A_354], %broadcast_in_dim3A_122 {strides = array<i32>} : memref<128x128xf32, #tpu.memory_space<vmem>>, vector<16xf32>,
      %swap3A_356 = arith.index_cast %scan3A_351 : i32 to index
      %swap3A_357 = arith.constant 16 : index
      %swap3A_358 = tpu.vector_load %arg11[%swap3A_356, %swap3A_357] {strides = array<i32>} : memref<128x128xf32, #tpu.memory_space<vmem>>, vector<16xf32>,
      tpu.vector_store %arg11[%swap3A_356, %swap3A_357], %broadcast_in_dim3A_122 {strides = array<i32>} : memref<128x128xf32, #tpu.memory_space<vmem>>, vector<16xf32>,
      %swap3A_359 = arith.index_cast %scan3A_351 : i32 to index
      %swap3A_360 = arith.constant 32 : index
      %swap3A_361 = tpu.vector_load %arg11[%swap3A_359, %swap3A_360] {strides = array<i32>} : memref<128x128xf32, #tpu.memory_space<vmem>>, vector<16xf32>,
      tpu.vector_store %arg11[%swap3A_359, %swap3A_360], %broadcast_in_dim3A_122 {strides = array<i32>} : memref<128x128xf32, #tpu.memory_space<vmem>>, vector<16xf32>,
      %swap3A_362 = arith.index_cast %scan3A_351 : i32 to index
      %swap3A_363 = arith.constant 48 : index
      %swap3A_364 = tpu.vector_load %arg11[%swap3A_362, %swap3A_363] {strides = array<i32>} : memref<128x128xf32, #tpu.memory_space<vmem>>, vector<16xf32>,
      tpu.vector_store %arg11[%swap3A_362, %swap3A_363], %broadcast_in_dim3A_122 {strides = array<i32>} : memref<128x128xf32, #tpu.memory_space<vmem>>, vector<16xf32>,
      %swap3A_365 = arith.index_cast %scan3A_351 : i32 to index
      %swap3A_366 = arith.constant 64 : index
      %swap3A_367 = tpu.vector_load %arg11[%swap3A_365, %swap3A_366] {strides = array<i32>} : memref<128x128xf32, #tpu.memory_space<vmem>>, vector<16xf32>,
      tpu.vector_store %arg11[%swap3A_365, %swap3A_366], %broadcast_in_dim3A_122 {strides = array<i32>} : memref<128x128xf32, #tpu.memory_space<vmem>>, vector<16xf32>,
      %swap3A_368 = arith.index_cast %scan3A_351 : i32 to index
      %swap3A_369 = arith.constant 80 : index
      %swap3A_370 = tpu.vector_load %arg11[%swap3A_368, %swap3A_369] {strides = array<i32>} : memref<128x128xf32, #tpu.memory_space<vmem>>, vector<16xf32>,
      tpu.vector_store %arg11[%swap3A_368, %swap3A_369], %broadcast_in_dim3A_122 {strides = array<i32>} : memref<128x128xf32, #tpu.memory_space<vmem>>, vector<16xf32>,
      %swap3A_371 = arith.index_cast %scan3A_351 : i32 to index
      %swap3A_372 = arith.constant 96 : index
      %swap3A_373 = tpu.vector_load %arg11[%swap3A_371, %swap3A_372] {strides = array<i32>} : memref<128x128xf32, #tpu.memory_space<vmem>>, vector<16xf32>,
      tpu.vector_store %arg11[%swap3A_371, %swap3A_372], %broadcast_in_dim3A_122 {strides = array<i32>} : memref<128x128xf32, #tpu.memory_space<vmem>>, vector<16xf32>,
      %swap3A_374 = arith.index_cast %scan3A_351 : i32 to index
      %swap3A_375 = arith.constant 112 : index
      %swap3A_376 = tpu.vector_load %arg11[%swap3A_374, %swap3A_375] {strides = array<i32>} : memref<128x128xf32, #tpu.memory_space<vmem>>, vector<16xf32>,
      tpu.vector_store %arg11[%swap3A_374, %swap3A_375], %broadcast_in_dim3A_122 {strides = array<i32>} : memref<128x128xf32, #tpu.memory_space<vmem>>, vector<16xf32>,
      %scan3A_377 = arith.constant 0 : i32
      scf.yield %scan3A_377 : i32
    }
    %scan3A_128 = arith.constant 128 : i32
    %mul3A_129 = arith.constant 632 : i32
    %mul3A_130 = arith.muli %arg1, %mul3A_129 : i32
    %scan3A_131 = arith.constant 0 : i32
    %scan3A_132 = arith.constant 0 : i32
    %scan3A_133 = arith.constant 4 : i32
    %scan3A_134 = arith.addi %scan3A_132, %scan3A_133 : i32
    %scan3A_135 = arith.constant 1 : i32
    %scan3A_136 = scf.for %scan3A_351 = %scan3A_132 to %scan3A_134 step %scan3A_135 iter_args(%scan3A_352 = %scan3A_131) -> (i32)  : i32 {
      %mul3A_353 = arith.constant 128 : i32
      %mul3A_354 = arith.muli %scan3A_351, %mul3A_353 : i32
      %add3A_355 = arith.addi %mul3A_130, %mul3A_354 : i32
      "tpu.region"() ({
        %run_scoped3A = tpu.sem_alloc : memref<!tpu.dma_semaphore, #tpu.memory_space<semaphore_mem>>
        %dma_start3A_357 = arith.constant 0 : i32
        %dma_start3A_358 = tpu.memref_slice %arg18[%add3A_355, %dma_start3A_357] : memref<10112x128xf32, #tpu.memory_space<vmem_shared>> -> memref<128x128xf32, #tpu.memory_space<vmem_shared>>
        %dma_start3A_359 = arith.constant 0 : i32
        %dma_start3A_360 = tpu.memref_slice %arg18[%add3A_355, %dma_start3A_359] : memref<10112x128xf32, #tpu.memory_space<vmem_shared>> -> memref<128x128xf32, #tpu.memory_space<vmem_shared>>
        tpu.enqueue_dma source(%arg11 : memref<128x128xf32, #tpu.memory_space<vmem>>) target(%dma_start3A_360 : memref<128x128xf32, #tpu.memory_space<vmem_shared>>) target_semaphore(%run_scoped3A : memref<!tpu.dma_semaphore, #tpu.memory_space<semaphore_mem>>)
        %dma_wait3A_361 = arith.constant 0 : i32
        %dma_wait3A_362 = tpu.memref_slice %arg18[%add3A_355, %dma_wait3A_361] : memref<10112x128xf32, #tpu.memory_space<vmem_shared>> -> memref<128x128xf32, #tpu.memory_space<vmem_shared>>
        %dma_wait3A_363 = arith.constant 0 : i32
        %dma_wait3A_364 = tpu.memref_slice %arg18[%add3A_355, %dma_wait3A_363] : memref<10112x128xf32, #tpu.memory_space<vmem_shared>> -> memref<128x128xf32, #tpu.memory_space<vmem_shared>>
        tpu.wait_dma2 semaphore(%run_scoped3A : memref<!tpu.dma_semaphore, #tpu.memory_space<semaphore_mem>>) src(%arg11 : memref<128x128xf32, #tpu.memory_space<vmem>>) dst(%dma_wait3A_364 : memref<128x128xf32, #tpu.memory_space<vmem_shared>>)
        tpu.yield
      }) : () -> ()
      %scan3A_356 = arith.constant 0 : i32
      scf.yield %scan3A_356 : i32
    }
    %scan3A_137 = arith.constant 4 : i32
    %add3A = arith.constant 512 : i32
    %add3A_138 = arith.addi %mul3A_130, %add3A : i32
    "tpu.region"() ({
      %run_scoped3A = tpu.sem_alloc : memref<!tpu.dma_semaphore, #tpu.memory_space<semaphore_mem>>
      %dma_start3A_351 = arith.constant 0 : i32
      %dma_start3A_352 = arith.constant 0 : i32
      %dma_start3A_353 = tpu.memref_slice %arg11[%dma_start3A_351, %dma_start3A_352] : memref<128x128xf32, #tpu.memory_space<vmem>> -> memref<120x128xf32, #tpu.memory_space<vmem>>
      %dma_start3A_354 = arith.constant 0 : i32
      %dma_start3A_355 = tpu.memref_slice %arg18[%add3A_138, %dma_start3A_354] : memref<10112x128xf32, #tpu.memory_space<vmem_shared>> -> memref<120x128xf32, #tpu.memory_space<vmem_shared>>
      %dma_start3A_356 = arith.constant 0 : i32
      %dma_start3A_357 = tpu.memref_slice %arg18[%add3A_138, %dma_start3A_356] : memref<10112x128xf32, #tpu.memory_space<vmem_shared>> -> memref<120x128xf32, #tpu.memory_space<vmem_shared>>
      %dma_start3A_358 = arith.constant 0 : i32
      %dma_start3A_359 = arith.constant 0 : i32
      %dma_start3A_360 = tpu.memref_slice %arg11[%dma_start3A_358, %dma_start3A_359] : memref<128x128xf32, #tpu.memory_space<vmem>> -> memref<120x128xf32, #tpu.memory_space<vmem>>
      tpu.enqueue_dma source(%dma_start3A_360 : memref<120x128xf32, #tpu.memory_space<vmem>>) target(%dma_start3A_357 : memref<120x128xf32, #tpu.memory_space<vmem_shared>>) target_semaphore(%run_scoped3A : memref<!tpu.dma_semaphore, #tpu.memory_space<semaphore_mem>>)
      %dma_wait3A_361 = arith.constant 0 : i32
      %dma_wait3A_362 = arith.constant 0 : i32
      %dma_wait3A_363 = tpu.memref_slice %arg11[%dma_wait3A_361, %dma_wait3A_362] : memref<128x128xf32, #tpu.memory_space<vmem>> -> memref<120x128xf32, #tpu.memory_space<vmem>>
      %dma_wait3A_364 = arith.constant 0 : i32
      %dma_wait3A_365 = tpu.memref_slice %arg18[%add3A_138, %dma_wait3A_364] : memref<10112x128xf32, #tpu.memory_space<vmem_shared>> -> memref<120x128xf32, #tpu.memory_space<vmem_shared>>
      %dma_wait3A_366 = arith.constant 0 : i32
      %dma_wait3A_367 = tpu.memref_slice %arg18[%add3A_138, %dma_wait3A_366] : memref<10112x128xf32, #tpu.memory_space<vmem_shared>> -> memref<120x128xf32, #tpu.memory_space<vmem_shared>>
      %dma_wait3A_368 = arith.constant 0 : i32
      %dma_wait3A_369 = arith.constant 0 : i32
      %dma_wait3A_370 = tpu.memref_slice %arg11[%dma_wait3A_368, %dma_wait3A_369] : memref<128x128xf32, #tpu.memory_space<vmem>> -> memref<120x128xf32, #tpu.memory_space<vmem>>
      tpu.wait_dma2 semaphore(%run_scoped3A : memref<!tpu.dma_semaphore, #tpu.memory_space<semaphore_mem>>) src(%dma_wait3A_370 : memref<120x128xf32, #tpu.memory_space<vmem>>) dst(%dma_wait3A_367 : memref<120x128xf32, #tpu.memory_space<vmem_shared>>)
      tpu.yield
    }) : () -> ()
    %iota3A = tpu.iota {dimensions = array<i32: 0>} : vector<16xi32>
    %mul3A_139 = arith.constant 10240 : i32
    %mul3A_140 = arith.muli %arg1, %mul3A_139 : i32
    %scan3A_141 = arith.constant 0 : i32
    %scan3A_142 = arith.constant 0 : i32
    %scan3A_143 = arith.constant 80 : i32
    %scan3A_144 = arith.addi %scan3A_142, %scan3A_143 : i32
    %scan3A_145 = arith.constant 1 : i32
    %scan3A_146 = scf.for %scan3A_351 = %scan3A_142 to %scan3A_144 step %scan3A_145 iter_args(%scan3A_352 = %scan3A_141) -> (i32)  : i32 {
      %mul3A_353 = arith.constant 128 : i32
      %mul3A_354 = arith.muli %scan3A_351, %mul3A_353 : i32
      %mul3A_355 = arith.constant 128 : i32
      %mul3A_356 = arith.muli %scan3A_351, %mul3A_355 : i32
      %dma_start3A_357 = tpu.memref_slice %arg10[%mul3A_356] : memref<10240xf32, #tpu.memory_space<vmem>> -> memref<128xf32, #tpu.memory_space<vmem>>
      %dma_start3A_358 = tpu.memref_slice %arg8[%mul3A_354] : memref<10240xi32, #tpu.memory_space<vmem>> -> memref<128xi32, #tpu.memory_space<vmem>>
      %dma_start3A_359 = arith.constant 0 : i32
      %dma_start3A_360 = tpu.memref_slice %arg3[%dma_start3A_359] : memref<10112xf32, #tpu.memory_space<hbm>> -> memref<10112xf32, #tpu.memory_space<hbm>>
      tpu.enqueue_indirect_dma source(%dma_start3A_360 : memref<10112xf32, #tpu.memory_space<hbm>>) target(%dma_start3A_357 : memref<128xf32, #tpu.memory_space<vmem>>) offsets(%dma_start3A_358 : memref<128xi32, #tpu.memory_space<vmem>>) semaphore(%arg21 : memref<!tpu.dma_semaphore, #tpu.memory_space<semaphore_mem>>)
      %mul3A_361 = arith.constant 128 : i32
      %mul3A_362 = arith.muli %scan3A_351, %mul3A_361 : i32
      %dma_start3A_363 = arith.constant 0 : i32
      %dma_start3A_364 = tpu.memref_slice %arg11[%scan3A_351, %dma_start3A_363] : memref<128x128xf32, #tpu.memory_space<vmem>> -> memref<1x128xf32, #tpu.memory_space<vmem>>
      %dma_start3A_365 = tpu.memref_squeeze %dma_start3A_364 : memref<1x128xf32, #tpu.memory_space<vmem>> -> memref<128xf32, #tpu.memory_space<vmem>>
      %dma_start3A_366 = tpu.memref_slice %arg9[%mul3A_362] : memref<10240xi32, #tpu.memory_space<vmem>> -> memref<128xi32, #tpu.memory_space<vmem>>
      %dma_start3A_367 = arith.constant 0 : i32
      %dma_start3A_368 = tpu.memref_slice %arg4[%dma_start3A_367] : memref<10112xf32, #tpu.memory_space<hbm>> -> memref<10112xf32, #tpu.memory_space<hbm>>
      tpu.enqueue_indirect_dma source(%dma_start3A_368 : memref<10112xf32, #tpu.memory_space<hbm>>) target(%dma_start3A_365 : memref<128xf32, #tpu.memory_space<vmem>>) offsets(%dma_start3A_366 : memref<128xi32, #tpu.memory_space<vmem>>) semaphore(%arg21 : memref<!tpu.dma_semaphore, #tpu.memory_space<semaphore_mem>>)
      %scan3A_369 = arith.constant 0 : i32
      scf.yield %scan3A_369 : i32
    }
    %scan3A_147 = arith.constant 80 : i32
    %scan3A_148 = arith.constant 0 : i32
    %scan3A_149 = arith.constant 0 : i32
    %scan3A_150 = arith.constant 80 : i32
    %scan3A_151 = arith.addi %scan3A_149, %scan3A_150 : i32
    %scan3A_152 = arith.constant 1 : i32
    %scan3A_153 = scf.for %scan3A_351 = %scan3A_149 to %scan3A_151 step %scan3A_152 iter_args(%scan3A_352 = %scan3A_148) -> (i32)  : i32 {
      %mul3A_353 = arith.constant 128 : i32
      %mul3A_354 = arith.muli %scan3A_351, %mul3A_353 : i32
      %dma_wait3A_355 = tpu.memref_slice %arg10[%mul3A_354] : memref<10240xf32, #tpu.memory_space<vmem>> -> memref<128xf32, #tpu.memory_space<vmem>>
      %dma_wait3A_356 = arith.constant 0 : i32
      %dma_wait3A_357 = tpu.memref_slice %arg3[%dma_wait3A_356] : memref<10112xf32, #tpu.memory_space<hbm>> -> memref<128xf32, #tpu.memory_space<hbm>>
      %dma_wait3A_358 = tpu.memref_slice %arg10[%mul3A_354] : memref<10240xf32, #tpu.memory_space<vmem>> -> memref<128xf32, #tpu.memory_space<vmem>>
      %dma_wait3A_359 = arith.constant 0 : i32
      %dma_wait3A_360 = tpu.memref_slice %arg3[%dma_wait3A_359] : memref<10112xf32, #tpu.memory_space<hbm>> -> memref<128xf32, #tpu.memory_space<hbm>>
      tpu.wait_dma2 semaphore(%arg21 : memref<!tpu.dma_semaphore, #tpu.memory_space<semaphore_mem>>) src(%dma_wait3A_360 : memref<128xf32, #tpu.memory_space<hbm>>) dst(%dma_wait3A_358 : memref<128xf32, #tpu.memory_space<vmem>>)
      %dma_wait3A_361 = arith.constant 0 : i32
      %dma_wait3A_362 = tpu.memref_slice %arg11[%scan3A_351, %dma_wait3A_361] : memref<128x128xf32, #tpu.memory_space<vmem>> -> memref<1x128xf32, #tpu.memory_space<vmem>>
      %dma_wait3A_363 = tpu.memref_squeeze %dma_wait3A_362 : memref<1x128xf32, #tpu.memory_space<vmem>> -> memref<128xf32, #tpu.memory_space<vmem>>
      %dma_wait3A_364 = arith.constant 0 : i32
      %dma_wait3A_365 = tpu.memref_slice %arg4[%dma_wait3A_364] : memref<10112xf32, #tpu.memory_space<hbm>> -> memref<128xf32, #tpu.memory_space<hbm>>
      %dma_wait3A_366 = arith.constant 0 : i32
      %dma_wait3A_367 = tpu.memref_slice %arg11[%scan3A_351, %dma_wait3A_366] : memref<128x128xf32, #tpu.memory_space<vmem>> -> memref<1x128xf32, #tpu.memory_space<vmem>>
      %dma_wait3A_368 = tpu.memref_squeeze %dma_wait3A_367 : memref<1x128xf32, #tpu.memory_space<vmem>> -> memref<128xf32, #tpu.memory_space<vmem>>
      %dma_wait3A_369 = arith.constant 0 : i32
      %dma_wait3A_370 = tpu.memref_slice %arg4[%dma_wait3A_369] : memref<10112xf32, #tpu.memory_space<hbm>> -> memref<128xf32, #tpu.memory_space<hbm>>
      tpu.wait_dma2 semaphore(%arg21 : memref<!tpu.dma_semaphore, #tpu.memory_space<semaphore_mem>>) src(%dma_wait3A_370 : memref<128xf32, #tpu.memory_space<hbm>>) dst(%dma_wait3A_368 : memref<128xf32, #tpu.memory_space<vmem>>)
      %scan3A_371 = arith.constant 0 : i32
      scf.yield %scan3A_371 : i32
    }
    %scan3A_154 = arith.constant 80 : i32
    %broadcast_in_dim3A_155 = arith.constant -1.000000e+30 : f32
    %broadcast_in_dim3A_156 = vector.broadcast %broadcast_in_dim3A_155 : f32 to vector<16xf32>
    %scan3A_157 = arith.constant 0 : i32
    %scan3A_158 = arith.constant 80 : i32
    %scan3A_159 = arith.addi %scan3A_157, %scan3A_158 : i32
    %scan3A_160 = arith.constant 1 : i32
    %scan3A_161 = scf.for %scan3A_351 = %scan3A_157 to %scan3A_159 step %scan3A_160 iter_args(%scan3A_352 = %broadcast_in_dim3A_156) -> (vector<16xf32>)  : i32 {
      %mul3A_353 = arith.constant 128 : i32
      %mul3A_354 = arith.muli %scan3A_351, %mul3A_353 : i32
      %add3A_355 = arith.constant 0 : i32
      %add3A_356 = arith.addi %mul3A_354, %add3A_355 : i32
      %get3A_357 = arith.index_cast %add3A_356 : i32 to index
      %get3A_358 = tpu.vector_load %arg10[%get3A_357] {strides = array<i32>} : memref<10240xf32, #tpu.memory_space<vmem>>, vector<16xf32>,
      %get3A_359 = arith.index_cast %scan3A_351 : i32 to index
      %get3A_360 = arith.constant 0 : index
      %get3A_361 = tpu.vector_load %arg11[%get3A_359, %get3A_360] {strides = array<i32>} : memref<128x128xf32, #tpu.memory_space<vmem>>, vector<16xf32>,
      %add3A_362 = arith.addf %get3A_358, %get3A_361 : vector<16xf32>
      %ge3A = arith.constant 0.000000e+00 : f32
      %ge3A_363 = vector.broadcast %ge3A : f32 to vector<16xf32>
      %ge3A_364 = arith.cmpf oge, %add3A_362, %ge3A_363 : vector<16xf32>
      %mul3A_365 = arith.constant 2.000000e-01 : f32
      %mul3A_366 = vector.broadcast %mul3A_365 : f32 to vector<16xf32>
      %mul3A_367 = arith.mulf %mul3A_366, %add3A_362 : vector<16xf32>
      %select_n3A = arith.select %ge3A_364, %add3A_362, %mul3A_367 : vector<16xi1>, vector<16xf32>
      %mul3A_368 = arith.constant 128 : i32
      %mul3A_369 = arith.muli %scan3A_351, %mul3A_368 : i32
      %add3A_370 = arith.constant 0 : i32
      %add3A_371 = arith.addi %mul3A_369, %add3A_370 : i32
      %broadcast_in_dim3A_372 = vector.broadcast %add3A_371 : i32 to vector<16xi32>
      %add3A_373 = arith.addi %broadcast_in_dim3A_372, %iota3A : vector<16xi32>
      %lt3A = arith.constant 10000 : i32
      %lt3A_374 = vector.broadcast %lt3A : i32 to vector<16xi32>
      %lt3A_375 = arith.cmpi slt, %add3A_373, %lt3A_374 : vector<16xi32>
      %jit3A = arith.constant -1.000000e+30 : f32
      %broadcast_in_dim3A_376 = vector.broadcast %jit3A : f32 to vector<16xf32>
      %select_n3A_377 = arith.select %lt3A_375, %select_n3A, %broadcast_in_dim3A_376 : vector<16xi1>, vector<16xf32>
      %mul3A_378 = arith.constant 128 : i32
      %mul3A_379 = arith.muli %scan3A_351, %mul3A_378 : i32
      %add3A_380 = arith.constant 0 : i32
      %add3A_381 = arith.addi %mul3A_379, %add3A_380 : i32
      %swap3A_382 = arith.index_cast %add3A_381 : i32 to index
      %swap3A_383 = tpu.vector_load %arg10[%swap3A_382] {strides = array<i32>} : memref<10240xf32, #tpu.memory_space<vmem>>, vector<16xf32>,
      tpu.vector_store %arg10[%swap3A_382], %select_n3A_377 {strides = array<i32>} : memref<10240xf32, #tpu.memory_space<vmem>>, vector<16xf32>,
      %max3A_384 = arith.maximumf %scan3A_352, %select_n3A_377 : vector<16xf32>
      %mul3A_385 = arith.constant 128 : i32
      %mul3A_386 = arith.muli %scan3A_351, %mul3A_385 : i32
      %add3A_387 = arith.constant 16 : i32
      %add3A_388 = arith.addi %mul3A_386, %add3A_387 : i32
      %get3A_389 = arith.index_cast %add3A_388 : i32 to index
      %get3A_390 = tpu.vector_load %arg10[%get3A_389] {strides = array<i32>} : memref<10240xf32, #tpu.memory_space<vmem>>, vector<16xf32>,
      %get3A_391 = arith.index_cast %scan3A_351 : i32 to index
      %get3A_392 = arith.constant 16 : index
      %get3A_393 = tpu.vector_load %arg11[%get3A_391, %get3A_392] {strides = array<i32>} : memref<128x128xf32, #tpu.memory_space<vmem>>, vector<16xf32>,
      %add3A_394 = arith.addf %get3A_390, %get3A_393 : vector<16xf32>
      %ge3A_395 = arith.constant 0.000000e+00 : f32
      %ge3A_396 = vector.broadcast %ge3A_395 : f32 to vector<16xf32>
      %ge3A_397 = arith.cmpf oge, %add3A_394, %ge3A_396 : vector<16xf32>
      %mul3A_398 = arith.constant 2.000000e-01 : f32
      %mul3A_399 = vector.broadcast %mul3A_398 : f32 to vector<16xf32>
      %mul3A_400 = arith.mulf %mul3A_399, %add3A_394 : vector<16xf32>
      %select_n3A_401 = arith.select %ge3A_397, %add3A_394, %mul3A_400 : vector<16xi1>, vector<16xf32>
      %mul3A_402 = arith.constant 128 : i32
      %mul3A_403 = arith.muli %scan3A_351, %mul3A_402 : i32
      %add3A_404 = arith.constant 16 : i32
      %add3A_405 = arith.addi %mul3A_403, %add3A_404 : i32
      %broadcast_in_dim3A_406 = vector.broadcast %add3A_405 : i32 to vector<16xi32>
      %add3A_407 = arith.addi %broadcast_in_dim3A_406, %iota3A : vector<16xi32>
      %lt3A_408 = arith.constant 10000 : i32
      %lt3A_409 = vector.broadcast %lt3A_408 : i32 to vector<16xi32>
      %lt3A_410 = arith.cmpi slt, %add3A_407, %lt3A_409 : vector<16xi32>
      %jit3A_411 = arith.constant -1.000000e+30 : f32
      %broadcast_in_dim3A_412 = vector.broadcast %jit3A_411 : f32 to vector<16xf32>
      %select_n3A_413 = arith.select %lt3A_410, %select_n3A_401, %broadcast_in_dim3A_412 : vector<16xi1>, vector<16xf32>
      %mul3A_414 = arith.constant 128 : i32
      %mul3A_415 = arith.muli %scan3A_351, %mul3A_414 : i32
      %add3A_416 = arith.constant 16 : i32
      %add3A_417 = arith.addi %mul3A_415, %add3A_416 : i32
      %swap3A_418 = arith.index_cast %add3A_417 : i32 to index
      %swap3A_419 = tpu.vector_load %arg10[%swap3A_418] {strides = array<i32>} : memref<10240xf32, #tpu.memory_space<vmem>>, vector<16xf32>,
      tpu.vector_store %arg10[%swap3A_418], %select_n3A_413 {strides = array<i32>} : memref<10240xf32, #tpu.memory_space<vmem>>, vector<16xf32>,
      %max3A_420 = arith.maximumf %max3A_384, %select_n3A_413 : vector<16xf32>
      %mul3A_421 = arith.constant 128 : i32
      %mul3A_422 = arith.muli %scan3A_351, %mul3A_421 : i32
      %add3A_423 = arith.constant 32 : i32
      %add3A_424 = arith.addi %mul3A_422, %add3A_423 : i32
      %get3A_425 = arith.index_cast %add3A_424 : i32 to index
      %get3A_426 = tpu.vector_load %arg10[%get3A_425] {strides = array<i32>} : memref<10240xf32, #tpu.memory_space<vmem>>, vector<16xf32>,
      %get3A_427 = arith.index_cast %scan3A_351 : i32 to index
      %get3A_428 = arith.constant 32 : index
      %get3A_429 = tpu.vector_load %arg11[%get3A_427, %get3A_428] {strides = array<i32>} : memref<128x128xf32, #tpu.memory_space<vmem>>, vector<16xf32>,
      %add3A_430 = arith.addf %get3A_426, %get3A_429 : vector<16xf32>
      %ge3A_431 = arith.constant 0.000000e+00 : f32
      %ge3A_432 = vector.broadcast %ge3A_431 : f32 to vector<16xf32>
      %ge3A_433 = arith.cmpf oge, %add3A_430, %ge3A_432 : vector<16xf32>
      %mul3A_434 = arith.constant 2.000000e-01 : f32
      %mul3A_435 = vector.broadcast %mul3A_434 : f32 to vector<16xf32>
      %mul3A_436 = arith.mulf %mul3A_435, %add3A_430 : vector<16xf32>
      %select_n3A_437 = arith.select %ge3A_433, %add3A_430, %mul3A_436 : vector<16xi1>, vector<16xf32>
      %mul3A_438 = arith.constant 128 : i32
      %mul3A_439 = arith.muli %scan3A_351, %mul3A_438 : i32
      %add3A_440 = arith.constant 32 : i32
      %add3A_441 = arith.addi %mul3A_439, %add3A_440 : i32
      %broadcast_in_dim3A_442 = vector.broadcast %add3A_441 : i32 to vector<16xi32>
      %add3A_443 = arith.addi %broadcast_in_dim3A_442, %iota3A : vector<16xi32>
      %lt3A_444 = arith.constant 10000 : i32
      %lt3A_445 = vector.broadcast %lt3A_444 : i32 to vector<16xi32>
      %lt3A_446 = arith.cmpi slt, %add3A_443, %lt3A_445 : vector<16xi32>
      %jit3A_447 = arith.constant -1.000000e+30 : f32
      %broadcast_in_dim3A_448 = vector.broadcast %jit3A_447 : f32 to vector<16xf32>
      %select_n3A_449 = arith.select %lt3A_446, %select_n3A_437, %broadcast_in_dim3A_448 : vector<16xi1>, vector<16xf32>
      %mul3A_450 = arith.constant 128 : i32
      %mul3A_451 = arith.muli %scan3A_351, %mul3A_450 : i32
      %add3A_452 = arith.constant 32 : i32
      %add3A_453 = arith.addi %mul3A_451, %add3A_452 : i32
      %swap3A_454 = arith.index_cast %add3A_453 : i32 to index
      %swap3A_455 = tpu.vector_load %arg10[%swap3A_454] {strides = array<i32>} : memref<10240xf32, #tpu.memory_space<vmem>>, vector<16xf32>,
      tpu.vector_store %arg10[%swap3A_454], %select_n3A_449 {strides = array<i32>} : memref<10240xf32, #tpu.memory_space<vmem>>, vector<16xf32>,
      %max3A_456 = arith.maximumf %max3A_420, %select_n3A_449 : vector<16xf32>
      %mul3A_457 = arith.constant 128 : i32
      %mul3A_458 = arith.muli %scan3A_351, %mul3A_457 : i32
      %add3A_459 = arith.constant 48 : i32
      %add3A_460 = arith.addi %mul3A_458, %add3A_459 : i32
      %get3A_461 = arith.index_cast %add3A_460 : i32 to index
      %get3A_462 = tpu.vector_load %arg10[%get3A_461] {strides = array<i32>} : memref<10240xf32, #tpu.memory_space<vmem>>, vector<16xf32>,
      %get3A_463 = arith.index_cast %scan3A_351 : i32 to index
      %get3A_464 = arith.constant 48 : index
      %get3A_465 = tpu.vector_load %arg11[%get3A_463, %get3A_464] {strides = array<i32>} : memref<128x128xf32, #tpu.memory_space<vmem>>, vector<16xf32>,
      %add3A_466 = arith.addf %get3A_462, %get3A_465 : vector<16xf32>
      %ge3A_467 = arith.constant 0.000000e+00 : f32
      %ge3A_468 = vector.broadcast %ge3A_467 : f32 to vector<16xf32>
      %ge3A_469 = arith.cmpf oge, %add3A_466, %ge3A_468 : vector<16xf32>
      %mul3A_470 = arith.constant 2.000000e-01 : f32
      %mul3A_471 = vector.broadcast %mul3A_470 : f32 to vector<16xf32>
      %mul3A_472 = arith.mulf %mul3A_471, %add3A_466 : vector<16xf32>
      %select_n3A_473 = arith.select %ge3A_469, %add3A_466, %mul3A_472 : vector<16xi1>, vector<16xf32>
      %mul3A_474 = arith.constant 128 : i32
      %mul3A_475 = arith.muli %scan3A_351, %mul3A_474 : i32
      %add3A_476 = arith.constant 48 : i32
      %add3A_477 = arith.addi %mul3A_475, %add3A_476 : i32
      %broadcast_in_dim3A_478 = vector.broadcast %add3A_477 : i32 to vector<16xi32>
      %add3A_479 = arith.addi %broadcast_in_dim3A_478, %iota3A : vector<16xi32>
      %lt3A_480 = arith.constant 10000 : i32
      %lt3A_481 = vector.broadcast %lt3A_480 : i32 to vector<16xi32>
      %lt3A_482 = arith.cmpi slt, %add3A_479, %lt3A_481 : vector<16xi32>
      %jit3A_483 = arith.constant -1.000000e+30 : f32
      %broadcast_in_dim3A_484 = vector.broadcast %jit3A_483 : f32 to vector<16xf32>
      %select_n3A_485 = arith.select %lt3A_482, %select_n3A_473, %broadcast_in_dim3A_484 : vector<16xi1>, vector<16xf32>
      %mul3A_486 = arith.constant 128 : i32
      %mul3A_487 = arith.muli %scan3A_351, %mul3A_486 : i32
      %add3A_488 = arith.constant 48 : i32
      %add3A_489 = arith.addi %mul3A_487, %add3A_488 : i32
      %swap3A_490 = arith.index_cast %add3A_489 : i32 to index
      %swap3A_491 = tpu.vector_load %arg10[%swap3A_490] {strides = array<i32>} : memref<10240xf32, #tpu.memory_space<vmem>>, vector<16xf32>,
      tpu.vector_store %arg10[%swap3A_490], %select_n3A_485 {strides = array<i32>} : memref<10240xf32, #tpu.memory_space<vmem>>, vector<16xf32>,
      %max3A_492 = arith.maximumf %max3A_456, %select_n3A_485 : vector<16xf32>
      %mul3A_493 = arith.constant 128 : i32
      %mul3A_494 = arith.muli %scan3A_351, %mul3A_493 : i32
      %add3A_495 = arith.constant 64 : i32
      %add3A_496 = arith.addi %mul3A_494, %add3A_495 : i32
      %get3A_497 = arith.index_cast %add3A_496 : i32 to index
      %get3A_498 = tpu.vector_load %arg10[%get3A_497] {strides = array<i32>} : memref<10240xf32, #tpu.memory_space<vmem>>, vector<16xf32>,
      %get3A_499 = arith.index_cast %scan3A_351 : i32 to index
      %get3A_500 = arith.constant 64 : index
      %get3A_501 = tpu.vector_load %arg11[%get3A_499, %get3A_500] {strides = array<i32>} : memref<128x128xf32, #tpu.memory_space<vmem>>, vector<16xf32>,
      %add3A_502 = arith.addf %get3A_498, %get3A_501 : vector<16xf32>
      %ge3A_503 = arith.constant 0.000000e+00 : f32
      %ge3A_504 = vector.broadcast %ge3A_503 : f32 to vector<16xf32>
      %ge3A_505 = arith.cmpf oge, %add3A_502, %ge3A_504 : vector<16xf32>
      %mul3A_506 = arith.constant 2.000000e-01 : f32
      %mul3A_507 = vector.broadcast %mul3A_506 : f32 to vector<16xf32>
      %mul3A_508 = arith.mulf %mul3A_507, %add3A_502 : vector<16xf32>
      %select_n3A_509 = arith.select %ge3A_505, %add3A_502, %mul3A_508 : vector<16xi1>, vector<16xf32>
      %mul3A_510 = arith.constant 128 : i32
      %mul3A_511 = arith.muli %scan3A_351, %mul3A_510 : i32
      %add3A_512 = arith.constant 64 : i32
      %add3A_513 = arith.addi %mul3A_511, %add3A_512 : i32
      %broadcast_in_dim3A_514 = vector.broadcast %add3A_513 : i32 to vector<16xi32>
      %add3A_515 = arith.addi %broadcast_in_dim3A_514, %iota3A : vector<16xi32>
      %lt3A_516 = arith.constant 10000 : i32
      %lt3A_517 = vector.broadcast %lt3A_516 : i32 to vector<16xi32>
      %lt3A_518 = arith.cmpi slt, %add3A_515, %lt3A_517 : vector<16xi32>
      %jit3A_519 = arith.constant -1.000000e+30 : f32
      %broadcast_in_dim3A_520 = vector.broadcast %jit3A_519 : f32 to vector<16xf32>
      %select_n3A_521 = arith.select %lt3A_518, %select_n3A_509, %broadcast_in_dim3A_520 : vector<16xi1>, vector<16xf32>
      %mul3A_522 = arith.constant 128 : i32
      %mul3A_523 = arith.muli %scan3A_351, %mul3A_522 : i32
      %add3A_524 = arith.constant 64 : i32
      %add3A_525 = arith.addi %mul3A_523, %add3A_524 : i32
      %swap3A_526 = arith.index_cast %add3A_525 : i32 to index
      %swap3A_527 = tpu.vector_load %arg10[%swap3A_526] {strides = array<i32>} : memref<10240xf32, #tpu.memory_space<vmem>>, vector<16xf32>,
      tpu.vector_store %arg10[%swap3A_526], %select_n3A_521 {strides = array<i32>} : memref<10240xf32, #tpu.memory_space<vmem>>, vector<16xf32>,
      %max3A_528 = arith.maximumf %max3A_492, %select_n3A_521 : vector<16xf32>
      %mul3A_529 = arith.constant 128 : i32
      %mul3A_530 = arith.muli %scan3A_351, %mul3A_529 : i32
      %add3A_531 = arith.constant 80 : i32
      %add3A_532 = arith.addi %mul3A_530, %add3A_531 : i32
      %get3A_533 = arith.index_cast %add3A_532 : i32 to index
      %get3A_534 = tpu.vector_load %arg10[%get3A_533] {strides = array<i32>} : memref<10240xf32, #tpu.memory_space<vmem>>, vector<16xf32>,
      %get3A_535 = arith.index_cast %scan3A_351 : i32 to index
      %get3A_536 = arith.constant 80 : index
      %get3A_537 = tpu.vector_load %arg11[%get3A_535, %get3A_536] {strides = array<i32>} : memref<128x128xf32, #tpu.memory_space<vmem>>, vector<16xf32>,
      %add3A_538 = arith.addf %get3A_534, %get3A_537 : vector<16xf32>
      %ge3A_539 = arith.constant 0.000000e+00 : f32
      %ge3A_540 = vector.broadcast %ge3A_539 : f32 to vector<16xf32>
      %ge3A_541 = arith.cmpf oge, %add3A_538, %ge3A_540 : vector<16xf32>
      %mul3A_542 = arith.constant 2.000000e-01 : f32
      %mul3A_543 = vector.broadcast %mul3A_542 : f32 to vector<16xf32>
      %mul3A_544 = arith.mulf %mul3A_543, %add3A_538 : vector<16xf32>
      %select_n3A_545 = arith.select %ge3A_541, %add3A_538, %mul3A_544 : vector<16xi1>, vector<16xf32>
      %mul3A_546 = arith.constant 128 : i32
      %mul3A_547 = arith.muli %scan3A_351, %mul3A_546 : i32
      %add3A_548 = arith.constant 80 : i32
      %add3A_549 = arith.addi %mul3A_547, %add3A_548 : i32
      %broadcast_in_dim3A_550 = vector.broadcast %add3A_549 : i32 to vector<16xi32>
      %add3A_551 = arith.addi %broadcast_in_dim3A_550, %iota3A : vector<16xi32>
      %lt3A_552 = arith.constant 10000 : i32
      %lt3A_553 = vector.broadcast %lt3A_552 : i32 to vector<16xi32>
      %lt3A_554 = arith.cmpi slt, %add3A_551, %lt3A_553 : vector<16xi32>
      %jit3A_555 = arith.constant -1.000000e+30 : f32
      %broadcast_in_dim3A_556 = vector.broadcast %jit3A_555 : f32 to vector<16xf32>
      %select_n3A_557 = arith.select %lt3A_554, %select_n3A_545, %broadcast_in_dim3A_556 : vector<16xi1>, vector<16xf32>
      %mul3A_558 = arith.constant 128 : i32
      %mul3A_559 = arith.muli %scan3A_351, %mul3A_558 : i32
      %add3A_560 = arith.constant 80 : i32
      %add3A_561 = arith.addi %mul3A_559, %add3A_560 : i32
      %swap3A_562 = arith.index_cast %add3A_561 : i32 to index
      %swap3A_563 = tpu.vector_load %arg10[%swap3A_562] {strides = array<i32>} : memref<10240xf32, #tpu.memory_space<vmem>>, vector<16xf32>,
      tpu.vector_store %arg10[%swap3A_562], %select_n3A_557 {strides = array<i32>} : memref<10240xf32, #tpu.memory_space<vmem>>, vector<16xf32>,
      %max3A_564 = arith.maximumf %max3A_528, %select_n3A_557 : vector<16xf32>
      %mul3A_565 = arith.constant 128 : i32
      %mul3A_566 = arith.muli %scan3A_351, %mul3A_565 : i32
      %add3A_567 = arith.constant 96 : i32
      %add3A_568 = arith.addi %mul3A_566, %add3A_567 : i32
      %get3A_569 = arith.index_cast %add3A_568 : i32 to index
      %get3A_570 = tpu.vector_load %arg10[%get3A_569] {strides = array<i32>} : memref<10240xf32, #tpu.memory_space<vmem>>, vector<16xf32>,
      %get3A_571 = arith.index_cast %scan3A_351 : i32 to index
      %get3A_572 = arith.constant 96 : index
      %get3A_573 = tpu.vector_load %arg11[%get3A_571, %get3A_572] {strides = array<i32>} : memref<128x128xf32, #tpu.memory_space<vmem>>, vector<16xf32>,
      %add3A_574 = arith.addf %get3A_570, %get3A_573 : vector<16xf32>
      %ge3A_575 = arith.constant 0.000000e+00 : f32
      %ge3A_576 = vector.broadcast %ge3A_575 : f32 to vector<16xf32>
      %ge3A_577 = arith.cmpf oge, %add3A_574, %ge3A_576 : vector<16xf32>
      %mul3A_578 = arith.constant 2.000000e-01 : f32
      %mul3A_579 = vector.broadcast %mul3A_578 : f32 to vector<16xf32>
      %mul3A_580 = arith.mulf %mul3A_579, %add3A_574 : vector<16xf32>
      %select_n3A_581 = arith.select %ge3A_577, %add3A_574, %mul3A_580 : vector<16xi1>, vector<16xf32>
      %mul3A_582 = arith.constant 128 : i32
      %mul3A_583 = arith.muli %scan3A_351, %mul3A_582 : i32
      %add3A_584 = arith.constant 96 : i32
      %add3A_585 = arith.addi %mul3A_583, %add3A_584 : i32
      %broadcast_in_dim3A_586 = vector.broadcast %add3A_585 : i32 to vector<16xi32>
      %add3A_587 = arith.addi %broadcast_in_dim3A_586, %iota3A : vector<16xi32>
      %lt3A_588 = arith.constant 10000 : i32
      %lt3A_589 = vector.broadcast %lt3A_588 : i32 to vector<16xi32>
      %lt3A_590 = arith.cmpi slt, %add3A_587, %lt3A_589 : vector<16xi32>
      %jit3A_591 = arith.constant -1.000000e+30 : f32
      %broadcast_in_dim3A_592 = vector.broadcast %jit3A_591 : f32 to vector<16xf32>
      %select_n3A_593 = arith.select %lt3A_590, %select_n3A_581, %broadcast_in_dim3A_592 : vector<16xi1>, vector<16xf32>
      %mul3A_594 = arith.constant 128 : i32
      %mul3A_595 = arith.muli %scan3A_351, %mul3A_594 : i32
      %add3A_596 = arith.constant 96 : i32
      %add3A_597 = arith.addi %mul3A_595, %add3A_596 : i32
      %swap3A_598 = arith.index_cast %add3A_597 : i32 to index
      %swap3A_599 = tpu.vector_load %arg10[%swap3A_598] {strides = array<i32>} : memref<10240xf32, #tpu.memory_space<vmem>>, vector<16xf32>,
      tpu.vector_store %arg10[%swap3A_598], %select_n3A_593 {strides = array<i32>} : memref<10240xf32, #tpu.memory_space<vmem>>, vector<16xf32>,
      %max3A_600 = arith.maximumf %max3A_564, %select_n3A_593 : vector<16xf32>
      %mul3A_601 = arith.constant 128 : i32
      %mul3A_602 = arith.muli %scan3A_351, %mul3A_601 : i32
      %add3A_603 = arith.constant 112 : i32
      %add3A_604 = arith.addi %mul3A_602, %add3A_603 : i32
      %get3A_605 = arith.index_cast %add3A_604 : i32 to index
      %get3A_606 = tpu.vector_load %arg10[%get3A_605] {strides = array<i32>} : memref<10240xf32, #tpu.memory_space<vmem>>, vector<16xf32>,
      %get3A_607 = arith.index_cast %scan3A_351 : i32 to index
      %get3A_608 = arith.constant 112 : index
      %get3A_609 = tpu.vector_load %arg11[%get3A_607, %get3A_608] {strides = array<i32>} : memref<128x128xf32, #tpu.memory_space<vmem>>, vector<16xf32>,
      %add3A_610 = arith.addf %get3A_606, %get3A_609 : vector<16xf32>
      %ge3A_611 = arith.constant 0.000000e+00 : f32
      %ge3A_612 = vector.broadcast %ge3A_611 : f32 to vector<16xf32>
      %ge3A_613 = arith.cmpf oge, %add3A_610, %ge3A_612 : vector<16xf32>
      %mul3A_614 = arith.constant 2.000000e-01 : f32
      %mul3A_615 = vector.broadcast %mul3A_614 : f32 to vector<16xf32>
      %mul3A_616 = arith.mulf %mul3A_615, %add3A_610 : vector<16xf32>
      %select_n3A_617 = arith.select %ge3A_613, %add3A_610, %mul3A_616 : vector<16xi1>, vector<16xf32>
      %mul3A_618 = arith.constant 128 : i32
      %mul3A_619 = arith.muli %scan3A_351, %mul3A_618 : i32
      %add3A_620 = arith.constant 112 : i32
      %add3A_621 = arith.addi %mul3A_619, %add3A_620 : i32
      %broadcast_in_dim3A_622 = vector.broadcast %add3A_621 : i32 to vector<16xi32>
      %add3A_623 = arith.addi %broadcast_in_dim3A_622, %iota3A : vector<16xi32>
      %lt3A_624 = arith.constant 10000 : i32
      %lt3A_625 = vector.broadcast %lt3A_624 : i32 to vector<16xi32>
      %lt3A_626 = arith.cmpi slt, %add3A_623, %lt3A_625 : vector<16xi32>
      %jit3A_627 = arith.constant -1.000000e+30 : f32
      %broadcast_in_dim3A_628 = vector.broadcast %jit3A_627 : f32 to vector<16xf32>
      %select_n3A_629 = arith.select %lt3A_626, %select_n3A_617, %broadcast_in_dim3A_628 : vector<16xi1>, vector<16xf32>
      %mul3A_630 = arith.constant 128 : i32
      %mul3A_631 = arith.muli %scan3A_351, %mul3A_630 : i32
      %add3A_632 = arith.constant 112 : i32
      %add3A_633 = arith.addi %mul3A_631, %add3A_632 : i32
      %swap3A_634 = arith.index_cast %add3A_633 : i32 to index
      %swap3A_635 = tpu.vector_load %arg10[%swap3A_634] {strides = array<i32>} : memref<10240xf32, #tpu.memory_space<vmem>>, vector<16xf32>,
      tpu.vector_store %arg10[%swap3A_634], %select_n3A_629 {strides = array<i32>} : memref<10240xf32, #tpu.memory_space<vmem>>, vector<16xf32>,
      %max3A_636 = arith.maximumf %max3A_600, %select_n3A_629 : vector<16xf32>
      scf.yield %max3A_636 : vector<16xf32>
    }
    %scan3A_162 = arith.constant 80 : i32
    %swap3A_163 = arith.constant 0 : index
    %swap3A_164 = tpu.vector_load %arg16[%swap3A_163] {strides = array<i32>} : memref<16xf32, #tpu.memory_space<vmem>>, vector<16xf32>,
    tpu.vector_store %arg16[%swap3A_163], %scan3A_161 {strides = array<i32>} : memref<16xf32, #tpu.memory_space<vmem>>, vector<16xf32>,
    %mul3A_165 = arith.constant 16 : i32
    %mul3A_166 = arith.muli %arg1, %mul3A_165 : i32
    "tpu.region"() ({
      %run_scoped3A = tpu.sem_alloc : memref<!tpu.dma_semaphore, #tpu.memory_space<semaphore_mem>>
      %dma_start3A_351 = tpu.memref_slice %arg19[%mul3A_166] : memref<256xf32, #tpu.memory_space<vmem_shared>> -> memref<16xf32, #tpu.memory_space<vmem_shared>>
      %dma_start3A_352 = tpu.memref_slice %arg19[%mul3A_166] : memref<256xf32, #tpu.memory_space<vmem_shared>> -> memref<16xf32, #tpu.memory_space<vmem_shared>>
      tpu.enqueue_dma source(%arg16 : memref<16xf32, #tpu.memory_space<vmem>>) target(%dma_start3A_352 : memref<16xf32, #tpu.memory_space<vmem_shared>>) target_semaphore(%run_scoped3A : memref<!tpu.dma_semaphore, #tpu.memory_space<semaphore_mem>>)
      %dma_wait3A_353 = tpu.memref_slice %arg19[%mul3A_166] : memref<256xf32, #tpu.memory_space<vmem_shared>> -> memref<16xf32, #tpu.memory_space<vmem_shared>>
      %dma_wait3A_354 = tpu.memref_slice %arg19[%mul3A_166] : memref<256xf32, #tpu.memory_space<vmem_shared>> -> memref<16xf32, #tpu.memory_space<vmem_shared>>
      tpu.wait_dma2 semaphore(%run_scoped3A : memref<!tpu.dma_semaphore, #tpu.memory_space<semaphore_mem>>) src(%arg16 : memref<16xf32, #tpu.memory_space<vmem>>) dst(%dma_wait3A_354 : memref<16xf32, #tpu.memory_space<vmem_shared>>)
      tpu.yield
    }) : () -> ()
    %barrier3A = arith.constant 0 : index
    tpu.barrier barrier_id(%barrier3A)
    "tpu.region"() ({
      %run_scoped3A = tpu.sem_alloc : memref<!tpu.dma_semaphore, #tpu.memory_space<semaphore_mem>>
      tpu.enqueue_dma source(%arg19 : memref<256xf32, #tpu.memory_space<vmem_shared>>) target(%arg17 : memref<256xf32, #tpu.memory_space<vmem>>) target_semaphore(%run_scoped3A : memref<!tpu.dma_semaphore, #tpu.memory_space<semaphore_mem>>)
      tpu.wait_dma2 semaphore(%run_scoped3A : memref<!tpu.dma_semaphore, #tpu.memory_space<semaphore_mem>>) src(%arg19 : memref<256xf32, #tpu.memory_space<vmem_shared>>) dst(%arg17 : memref<256xf32, #tpu.memory_space<vmem>>)
      tpu.yield
    }) : () -> ()
    %get3A = arith.constant 0 : index
    %get3A_167 = tpu.vector_load %arg17[%get3A] {strides = array<i32>} : memref<256xf32, #tpu.memory_space<vmem>>, vector<16xf32>,
    %get3A_168 = arith.constant 16 : index
    %get3A_169 = tpu.vector_load %arg17[%get3A_168] {strides = array<i32>} : memref<256xf32, #tpu.memory_space<vmem>>, vector<16xf32>,
    %max3A = arith.maximumf %get3A_167, %get3A_169 : vector<16xf32>
    %get3A_170 = arith.constant 32 : index
    %get3A_171 = tpu.vector_load %arg17[%get3A_170] {strides = array<i32>} : memref<256xf32, #tpu.memory_space<vmem>>, vector<16xf32>,
    %max3A_172 = arith.maximumf %max3A, %get3A_171 : vector<16xf32>
    %get3A_173 = arith.constant 48 : index
    %get3A_174 = tpu.vector_load %arg17[%get3A_173] {strides = array<i32>} : memref<256xf32, #tpu.memory_space<vmem>>, vector<16xf32>,
    %max3A_175 = arith.maximumf %max3A_172, %get3A_174 : vector<16xf32>
    %get3A_176 = arith.constant 64 : index
    %get3A_177 = tpu.vector_load %arg17[%get3A_176] {strides = array<i32>} : memref<256xf32, #tpu.memory_space<vmem>>, vector<16xf32>,
    %max3A_178 = arith.maximumf %max3A_175, %get3A_177 : vector<16xf32>
    %get3A_179 = arith.constant 80 : index
    %get3A_180 = tpu.vector_load %arg17[%get3A_179] {strides = array<i32>} : memref<256xf32, #tpu.memory_space<vmem>>, vector<16xf32>,
    %max3A_181 = arith.maximumf %max3A_178, %get3A_180 : vector<16xf32>
    %get3A_182 = arith.constant 96 : index
    %get3A_183 = tpu.vector_load %arg17[%get3A_182] {strides = array<i32>} : memref<256xf32, #tpu.memory_space<vmem>>, vector<16xf32>,
    %max3A_184 = arith.maximumf %max3A_181, %get3A_183 : vector<16xf32>
    %get3A_185 = arith.constant 112 : index
    %get3A_186 = tpu.vector_load %arg17[%get3A_185] {strides = array<i32>} : memref<256xf32, #tpu.memory_space<vmem>>, vector<16xf32>,
    %max3A_187 = arith.maximumf %max3A_184, %get3A_186 : vector<16xf32>
    %get3A_188 = arith.constant 128 : index
    %get3A_189 = tpu.vector_load %arg17[%get3A_188] {strides = array<i32>} : memref<256xf32, #tpu.memory_space<vmem>>, vector<16xf32>,
    %max3A_190 = arith.maximumf %max3A_187, %get3A_189 : vector<16xf32>
    %get3A_191 = arith.constant 144 : index
    %get3A_192 = tpu.vector_load %arg17[%get3A_191] {strides = array<i32>} : memref<256xf32, #tpu.memory_space<vmem>>, vector<16xf32>,
    %max3A_193 = arith.maximumf %max3A_190, %get3A_192 : vector<16xf32>
    %get3A_194 = arith.constant 160 : index
    %get3A_195 = tpu.vector_load %arg17[%get3A_194] {strides = array<i32>} : memref<256xf32, #tpu.memory_space<vmem>>, vector<16xf32>,
    %max3A_196 = arith.maximumf %max3A_193, %get3A_195 : vector<16xf32>
    %get3A_197 = arith.constant 176 : index
    %get3A_198 = tpu.vector_load %arg17[%get3A_197] {strides = array<i32>} : memref<256xf32, #tpu.memory_space<vmem>>, vector<16xf32>,
    %max3A_199 = arith.maximumf %max3A_196, %get3A_198 : vector<16xf32>
    %get3A_200 = arith.constant 192 : index
    %get3A_201 = tpu.vector_load %arg17[%get3A_200] {strides = array<i32>} : memref<256xf32, #tpu.memory_space<vmem>>, vector<16xf32>,
    %max3A_202 = arith.maximumf %max3A_199, %get3A_201 : vector<16xf32>
    %get3A_203 = arith.constant 208 : index
    %get3A_204 = tpu.vector_load %arg17[%get3A_203] {strides = array<i32>} : memref<256xf32, #tpu.memory_space<vmem>>, vector<16xf32>,
    %max3A_205 = arith.maximumf %max3A_202, %get3A_204 : vector<16xf32>
    %get3A_206 = arith.constant 224 : index
    %get3A_207 = tpu.vector_load %arg17[%get3A_206] {strides = array<i32>} : memref<256xf32, #tpu.memory_space<vmem>>, vector<16xf32>,
    %max3A_208 = arith.maximumf %max3A_205, %get3A_207 : vector<16xf32>
    %get3A_209 = arith.constant 240 : index
    %get3A_210 = tpu.vector_load %arg17[%get3A_209] {strides = array<i32>} : memref<256xf32, #tpu.memory_space<vmem>>, vector<16xf32>,
    %max3A_211 = arith.maximumf %max3A_208, %get3A_210 : vector<16xf32>
    %reduce_max3A = arith.constant true
    %reduce_max3A_212 = vector.broadcast %reduce_max3A : i1 to vector<16xi1>
    %reduce_max3A_213 = tpu.scan <max>, %max3A_211 masked %reduce_max3A_212 : vector<16xf32>, vector<16xi1> -> vector<16xf32>
    %reduce_max3A_214 = vector.extract %reduce_max3A_213[15] : f32 from vector<16xf32>
    %broadcast_in_dim3A_215 = vector.broadcast %reduce_max3A_214 : f32 to vector<16xf32>
    %broadcast_in_dim3A_216 = arith.constant 0.000000e+00 : f32
    %broadcast_in_dim3A_217 = vector.broadcast %broadcast_in_dim3A_216 : f32 to vector<16xf32>
    %scan3A_218 = arith.constant 0 : i32
    %scan3A_219 = arith.constant 80 : i32
    %scan3A_220 = arith.addi %scan3A_218, %scan3A_219 : i32
    %scan3A_221 = arith.constant 1 : i32
    %scan3A_222 = scf.for %scan3A_351 = %scan3A_218 to %scan3A_220 step %scan3A_221 iter_args(%scan3A_352 = %broadcast_in_dim3A_217) -> (vector<16xf32>)  : i32 {
      %mul3A_353 = arith.constant 128 : i32
      %mul3A_354 = arith.muli %scan3A_351, %mul3A_353 : i32
      %add3A_355 = arith.constant 0 : i32
      %add3A_356 = arith.addi %mul3A_354, %add3A_355 : i32
      %get3A_357 = arith.index_cast %add3A_356 : i32 to index
      %get3A_358 = tpu.vector_load %arg10[%get3A_357] {strides = array<i32>} : memref<10240xf32, #tpu.memory_space<vmem>>, vector<16xf32>,
      %sub3A = arith.subf %get3A_358, %broadcast_in_dim3A_215 : vector<16xf32>
      %exp3A = math.exp %sub3A : vector<16xf32>
      %mul3A_359 = arith.constant 128 : i32
      %mul3A_360 = arith.muli %scan3A_351, %mul3A_359 : i32
      %add3A_361 = arith.constant 0 : i32
      %add3A_362 = arith.addi %mul3A_360, %add3A_361 : i32
      %swap3A_363 = arith.index_cast %add3A_362 : i32 to index
      %swap3A_364 = tpu.vector_load %arg10[%swap3A_363] {strides = array<i32>} : memref<10240xf32, #tpu.memory_space<vmem>>, vector<16xf32>,
      tpu.vector_store %arg10[%swap3A_363], %exp3A {strides = array<i32>} : memref<10240xf32, #tpu.memory_space<vmem>>, vector<16xf32>,
      %add3A_365 = arith.addf %scan3A_352, %exp3A : vector<16xf32>
      %mul3A_366 = arith.constant 128 : i32
      %mul3A_367 = arith.muli %scan3A_351, %mul3A_366 : i32
      %add3A_368 = arith.constant 16 : i32
      %add3A_369 = arith.addi %mul3A_367, %add3A_368 : i32
      %get3A_370 = arith.index_cast %add3A_369 : i32 to index
      %get3A_371 = tpu.vector_load %arg10[%get3A_370] {strides = array<i32>} : memref<10240xf32, #tpu.memory_space<vmem>>, vector<16xf32>,
      %sub3A_372 = arith.subf %get3A_371, %broadcast_in_dim3A_215 : vector<16xf32>
      %exp3A_373 = math.exp %sub3A_372 : vector<16xf32>
      %mul3A_374 = arith.constant 128 : i32
      %mul3A_375 = arith.muli %scan3A_351, %mul3A_374 : i32
      %add3A_376 = arith.constant 16 : i32
      %add3A_377 = arith.addi %mul3A_375, %add3A_376 : i32
      %swap3A_378 = arith.index_cast %add3A_377 : i32 to index
      %swap3A_379 = tpu.vector_load %arg10[%swap3A_378] {strides = array<i32>} : memref<10240xf32, #tpu.memory_space<vmem>>, vector<16xf32>,
      tpu.vector_store %arg10[%swap3A_378], %exp3A_373 {strides = array<i32>} : memref<10240xf32, #tpu.memory_space<vmem>>, vector<16xf32>,
      %add3A_380 = arith.addf %add3A_365, %exp3A_373 : vector<16xf32>
      %mul3A_381 = arith.constant 128 : i32
      %mul3A_382 = arith.muli %scan3A_351, %mul3A_381 : i32
      %add3A_383 = arith.constant 32 : i32
      %add3A_384 = arith.addi %mul3A_382, %add3A_383 : i32
      %get3A_385 = arith.index_cast %add3A_384 : i32 to index
      %get3A_386 = tpu.vector_load %arg10[%get3A_385] {strides = array<i32>} : memref<10240xf32, #tpu.memory_space<vmem>>, vector<16xf32>,
      %sub3A_387 = arith.subf %get3A_386, %broadcast_in_dim3A_215 : vector<16xf32>
      %exp3A_388 = math.exp %sub3A_387 : vector<16xf32>
      %mul3A_389 = arith.constant 128 : i32
      %mul3A_390 = arith.muli %scan3A_351, %mul3A_389 : i32
      %add3A_391 = arith.constant 32 : i32
      %add3A_392 = arith.addi %mul3A_390, %add3A_391 : i32
      %swap3A_393 = arith.index_cast %add3A_392 : i32 to index
      %swap3A_394 = tpu.vector_load %arg10[%swap3A_393] {strides = array<i32>} : memref<10240xf32, #tpu.memory_space<vmem>>, vector<16xf32>,
      tpu.vector_store %arg10[%swap3A_393], %exp3A_388 {strides = array<i32>} : memref<10240xf32, #tpu.memory_space<vmem>>, vector<16xf32>,
      %add3A_395 = arith.addf %add3A_380, %exp3A_388 : vector<16xf32>
      %mul3A_396 = arith.constant 128 : i32
      %mul3A_397 = arith.muli %scan3A_351, %mul3A_396 : i32
      %add3A_398 = arith.constant 48 : i32
      %add3A_399 = arith.addi %mul3A_397, %add3A_398 : i32
      %get3A_400 = arith.index_cast %add3A_399 : i32 to index
      %get3A_401 = tpu.vector_load %arg10[%get3A_400] {strides = array<i32>} : memref<10240xf32, #tpu.memory_space<vmem>>, vector<16xf32>,
      %sub3A_402 = arith.subf %get3A_401, %broadcast_in_dim3A_215 : vector<16xf32>
      %exp3A_403 = math.exp %sub3A_402 : vector<16xf32>
      %mul3A_404 = arith.constant 128 : i32
      %mul3A_405 = arith.muli %scan3A_351, %mul3A_404 : i32
      %add3A_406 = arith.constant 48 : i32
      %add3A_407 = arith.addi %mul3A_405, %add3A_406 : i32
      %swap3A_408 = arith.index_cast %add3A_407 : i32 to index
      %swap3A_409 = tpu.vector_load %arg10[%swap3A_408] {strides = array<i32>} : memref<10240xf32, #tpu.memory_space<vmem>>, vector<16xf32>,
      tpu.vector_store %arg10[%swap3A_408], %exp3A_403 {strides = array<i32>} : memref<10240xf32, #tpu.memory_space<vmem>>, vector<16xf32>,
      %add3A_410 = arith.addf %add3A_395, %exp3A_403 : vector<16xf32>
      %mul3A_411 = arith.constant 128 : i32
      %mul3A_412 = arith.muli %scan3A_351, %mul3A_411 : i32
      %add3A_413 = arith.constant 64 : i32
      %add3A_414 = arith.addi %mul3A_412, %add3A_413 : i32
      %get3A_415 = arith.index_cast %add3A_414 : i32 to index
      %get3A_416 = tpu.vector_load %arg10[%get3A_415] {strides = array<i32>} : memref<10240xf32, #tpu.memory_space<vmem>>, vector<16xf32>,
      %sub3A_417 = arith.subf %get3A_416, %broadcast_in_dim3A_215 : vector<16xf32>
      %exp3A_418 = math.exp %sub3A_417 : vector<16xf32>
      %mul3A_419 = arith.constant 128 : i32
      %mul3A_420 = arith.muli %scan3A_351, %mul3A_419 : i32
      %add3A_421 = arith.constant 64 : i32
      %add3A_422 = arith.addi %mul3A_420, %add3A_421 : i32
      %swap3A_423 = arith.index_cast %add3A_422 : i32 to index
      %swap3A_424 = tpu.vector_load %arg10[%swap3A_423] {strides = array<i32>} : memref<10240xf32, #tpu.memory_space<vmem>>, vector<16xf32>,
      tpu.vector_store %arg10[%swap3A_423], %exp3A_418 {strides = array<i32>} : memref<10240xf32, #tpu.memory_space<vmem>>, vector<16xf32>,
      %add3A_425 = arith.addf %add3A_410, %exp3A_418 : vector<16xf32>
      %mul3A_426 = arith.constant 128 : i32
      %mul3A_427 = arith.muli %scan3A_351, %mul3A_426 : i32
      %add3A_428 = arith.constant 80 : i32
      %add3A_429 = arith.addi %mul3A_427, %add3A_428 : i32
      %get3A_430 = arith.index_cast %add3A_429 : i32 to index
      %get3A_431 = tpu.vector_load %arg10[%get3A_430] {strides = array<i32>} : memref<10240xf32, #tpu.memory_space<vmem>>, vector<16xf32>,
      %sub3A_432 = arith.subf %get3A_431, %broadcast_in_dim3A_215 : vector<16xf32>
      %exp3A_433 = math.exp %sub3A_432 : vector<16xf32>
      %mul3A_434 = arith.constant 128 : i32
      %mul3A_435 = arith.muli %scan3A_351, %mul3A_434 : i32
      %add3A_436 = arith.constant 80 : i32
      %add3A_437 = arith.addi %mul3A_435, %add3A_436 : i32
      %swap3A_438 = arith.index_cast %add3A_437 : i32 to index
      %swap3A_439 = tpu.vector_load %arg10[%swap3A_438] {strides = array<i32>} : memref<10240xf32, #tpu.memory_space<vmem>>, vector<16xf32>,
      tpu.vector_store %arg10[%swap3A_438], %exp3A_433 {strides = array<i32>} : memref<10240xf32, #tpu.memory_space<vmem>>, vector<16xf32>,
      %add3A_440 = arith.addf %add3A_425, %exp3A_433 : vector<16xf32>
      %mul3A_441 = arith.constant 128 : i32
      %mul3A_442 = arith.muli %scan3A_351, %mul3A_441 : i32
      %add3A_443 = arith.constant 96 : i32
      %add3A_444 = arith.addi %mul3A_442, %add3A_443 : i32
      %get3A_445 = arith.index_cast %add3A_444 : i32 to index
      %get3A_446 = tpu.vector_load %arg10[%get3A_445] {strides = array<i32>} : memref<10240xf32, #tpu.memory_space<vmem>>, vector<16xf32>,
      %sub3A_447 = arith.subf %get3A_446, %broadcast_in_dim3A_215 : vector<16xf32>
      %exp3A_448 = math.exp %sub3A_447 : vector<16xf32>
      %mul3A_449 = arith.constant 128 : i32
      %mul3A_450 = arith.muli %scan3A_351, %mul3A_449 : i32
      %add3A_451 = arith.constant 96 : i32
      %add3A_452 = arith.addi %mul3A_450, %add3A_451 : i32
      %swap3A_453 = arith.index_cast %add3A_452 : i32 to index
      %swap3A_454 = tpu.vector_load %arg10[%swap3A_453] {strides = array<i32>} : memref<10240xf32, #tpu.memory_space<vmem>>, vector<16xf32>,
      tpu.vector_store %arg10[%swap3A_453], %exp3A_448 {strides = array<i32>} : memref<10240xf32, #tpu.memory_space<vmem>>, vector<16xf32>,
      %add3A_455 = arith.addf %add3A_440, %exp3A_448 : vector<16xf32>
      %mul3A_456 = arith.constant 128 : i32
      %mul3A_457 = arith.muli %scan3A_351, %mul3A_456 : i32
      %add3A_458 = arith.constant 112 : i32
      %add3A_459 = arith.addi %mul3A_457, %add3A_458 : i32
      %get3A_460 = arith.index_cast %add3A_459 : i32 to index
      %get3A_461 = tpu.vector_load %arg10[%get3A_460] {strides = array<i32>} : memref<10240xf32, #tpu.memory_space<vmem>>, vector<16xf32>,
      %sub3A_462 = arith.subf %get3A_461, %broadcast_in_dim3A_215 : vector<16xf32>
      %exp3A_463 = math.exp %sub3A_462 : vector<16xf32>
      %mul3A_464 = arith.constant 128 : i32
      %mul3A_465 = arith.muli %scan3A_351, %mul3A_464 : i32
      %add3A_466 = arith.constant 112 : i32
      %add3A_467 = arith.addi %mul3A_465, %add3A_466 : i32
      %swap3A_468 = arith.index_cast %add3A_467 : i32 to index
      %swap3A_469 = tpu.vector_load %arg10[%swap3A_468] {strides = array<i32>} : memref<10240xf32, #tpu.memory_space<vmem>>, vector<16xf32>,
      tpu.vector_store %arg10[%swap3A_468], %exp3A_463 {strides = array<i32>} : memref<10240xf32, #tpu.memory_space<vmem>>, vector<16xf32>,
      %add3A_470 = arith.addf %add3A_455, %exp3A_463 : vector<16xf32>
      scf.yield %add3A_470 : vector<16xf32>
    }
    %scan3A_223 = arith.constant 80 : i32
    %swap3A_224 = arith.constant 0 : index
    %swap3A_225 = tpu.vector_load %arg16[%swap3A_224] {strides = array<i32>} : memref<16xf32, #tpu.memory_space<vmem>>, vector<16xf32>,
    tpu.vector_store %arg16[%swap3A_224], %scan3A_222 {strides = array<i32>} : memref<16xf32, #tpu.memory_space<vmem>>, vector<16xf32>,
    %mul3A_226 = arith.constant 16 : i32
    %mul3A_227 = arith.muli %arg1, %mul3A_226 : i32
    "tpu.region"() ({
      %run_scoped3A = tpu.sem_alloc : memref<!tpu.dma_semaphore, #tpu.memory_space<semaphore_mem>>
      %dma_start3A_351 = tpu.memref_slice %arg20[%mul3A_227] : memref<256xf32, #tpu.memory_space<vmem_shared>> -> memref<16xf32, #tpu.memory_space<vmem_shared>>
      %dma_start3A_352 = tpu.memref_slice %arg20[%mul3A_227] : memref<256xf32, #tpu.memory_space<vmem_shared>> -> memref<16xf32, #tpu.memory_space<vmem_shared>>
      tpu.enqueue_dma source(%arg16 : memref<16xf32, #tpu.memory_space<vmem>>) target(%dma_start3A_352 : memref<16xf32, #tpu.memory_space<vmem_shared>>) target_semaphore(%run_scoped3A : memref<!tpu.dma_semaphore, #tpu.memory_space<semaphore_mem>>)
      %dma_wait3A_353 = tpu.memref_slice %arg20[%mul3A_227] : memref<256xf32, #tpu.memory_space<vmem_shared>> -> memref<16xf32, #tpu.memory_space<vmem_shared>>
      %dma_wait3A_354 = tpu.memref_slice %arg20[%mul3A_227] : memref<256xf32, #tpu.memory_space<vmem_shared>> -> memref<16xf32, #tpu.memory_space<vmem_shared>>
      tpu.wait_dma2 semaphore(%run_scoped3A : memref<!tpu.dma_semaphore, #tpu.memory_space<semaphore_mem>>) src(%arg16 : memref<16xf32, #tpu.memory_space<vmem>>) dst(%dma_wait3A_354 : memref<16xf32, #tpu.memory_space<vmem_shared>>)
      tpu.yield
    }) : () -> ()
    %barrier3A_228 = arith.constant 0 : index
    tpu.barrier barrier_id(%barrier3A_228)
    "tpu.region"() ({
      %run_scoped3A = tpu.sem_alloc : memref<!tpu.dma_semaphore, #tpu.memory_space<semaphore_mem>>
      tpu.enqueue_dma source(%arg20 : memref<256xf32, #tpu.memory_space<vmem_shared>>) target(%arg17 : memref<256xf32, #tpu.memory_space<vmem>>) target_semaphore(%run_scoped3A : memref<!tpu.dma_semaphore, #tpu.memory_space<semaphore_mem>>)
      tpu.wait_dma2 semaphore(%run_scoped3A : memref<!tpu.dma_semaphore, #tpu.memory_space<semaphore_mem>>) src(%arg20 : memref<256xf32, #tpu.memory_space<vmem_shared>>) dst(%arg17 : memref<256xf32, #tpu.memory_space<vmem>>)
      tpu.yield
    }) : () -> ()
    %get3A_229 = arith.constant 0 : index
    %get3A_230 = tpu.vector_load %arg17[%get3A_229] {strides = array<i32>} : memref<256xf32, #tpu.memory_space<vmem>>, vector<16xf32>,
    %get3A_231 = arith.constant 16 : index
    %get3A_232 = tpu.vector_load %arg17[%get3A_231] {strides = array<i32>} : memref<256xf32, #tpu.memory_space<vmem>>, vector<16xf32>,
    %add3A_233 = arith.addf %get3A_230, %get3A_232 : vector<16xf32>
    %get3A_234 = arith.constant 32 : index
    %get3A_235 = tpu.vector_load %arg17[%get3A_234] {strides = array<i32>} : memref<256xf32, #tpu.memory_space<vmem>>, vector<16xf32>,
    %add3A_236 = arith.addf %add3A_233, %get3A_235 : vector<16xf32>
    %get3A_237 = arith.constant 48 : index
    %get3A_238 = tpu.vector_load %arg17[%get3A_237] {strides = array<i32>} : memref<256xf32, #tpu.memory_space<vmem>>, vector<16xf32>,
    %add3A_239 = arith.addf %add3A_236, %get3A_238 : vector<16xf32>
    %get3A_240 = arith.constant 64 : index
    %get3A_241 = tpu.vector_load %arg17[%get3A_240] {strides = array<i32>} : memref<256xf32, #tpu.memory_space<vmem>>, vector<16xf32>,
    %add3A_242 = arith.addf %add3A_239, %get3A_241 : vector<16xf32>
    %get3A_243 = arith.constant 80 : index
    %get3A_244 = tpu.vector_load %arg17[%get3A_243] {strides = array<i32>} : memref<256xf32, #tpu.memory_space<vmem>>, vector<16xf32>,
    %add3A_245 = arith.addf %add3A_242, %get3A_244 : vector<16xf32>
    %get3A_246 = arith.constant 96 : index
    %get3A_247 = tpu.vector_load %arg17[%get3A_246] {strides = array<i32>} : memref<256xf32, #tpu.memory_space<vmem>>, vector<16xf32>,
    %add3A_248 = arith.addf %add3A_245, %get3A_247 : vector<16xf32>
    %get3A_249 = arith.constant 112 : index
    %get3A_250 = tpu.vector_load %arg17[%get3A_249] {strides = array<i32>} : memref<256xf32, #tpu.memory_space<vmem>>, vector<16xf32>,
    %add3A_251 = arith.addf %add3A_248, %get3A_250 : vector<16xf32>
    %get3A_252 = arith.constant 128 : index
    %get3A_253 = tpu.vector_load %arg17[%get3A_252] {strides = array<i32>} : memref<256xf32, #tpu.memory_space<vmem>>, vector<16xf32>,
    %add3A_254 = arith.addf %add3A_251, %get3A_253 : vector<16xf32>
    %get3A_255 = arith.constant 144 : index
    %get3A_256 = tpu.vector_load %arg17[%get3A_255] {strides = array<i32>} : memref<256xf32, #tpu.memory_space<vmem>>, vector<16xf32>,
    %add3A_257 = arith.addf %add3A_254, %get3A_256 : vector<16xf32>
    %get3A_258 = arith.constant 160 : index
    %get3A_259 = tpu.vector_load %arg17[%get3A_258] {strides = array<i32>} : memref<256xf32, #tpu.memory_space<vmem>>, vector<16xf32>,
    %add3A_260 = arith.addf %add3A_257, %get3A_259 : vector<16xf32>
    %get3A_261 = arith.constant 176 : index
    %get3A_262 = tpu.vector_load %arg17[%get3A_261] {strides = array<i32>} : memref<256xf32, #tpu.memory_space<vmem>>, vector<16xf32>,
    %add3A_263 = arith.addf %add3A_260, %get3A_262 : vector<16xf32>
    %get3A_264 = arith.constant 192 : index
    %get3A_265 = tpu.vector_load %arg17[%get3A_264] {strides = array<i32>} : memref<256xf32, #tpu.memory_space<vmem>>, vector<16xf32>,
    %add3A_266 = arith.addf %add3A_263, %get3A_265 : vector<16xf32>
    %get3A_267 = arith.constant 208 : index
    %get3A_268 = tpu.vector_load %arg17[%get3A_267] {strides = array<i32>} : memref<256xf32, #tpu.memory_space<vmem>>, vector<16xf32>,
    %add3A_269 = arith.addf %add3A_266, %get3A_268 : vector<16xf32>
    %get3A_270 = arith.constant 224 : index
    %get3A_271 = tpu.vector_load %arg17[%get3A_270] {strides = array<i32>} : memref<256xf32, #tpu.memory_space<vmem>>, vector<16xf32>,
    %add3A_272 = arith.addf %add3A_269, %get3A_271 : vector<16xf32>
    %get3A_273 = arith.constant 240 : index
    %get3A_274 = tpu.vector_load %arg17[%get3A_273] {strides = array<i32>} : memref<256xf32, #tpu.memory_space<vmem>>, vector<16xf32>,
    %add3A_275 = arith.addf %add3A_272, %get3A_274 : vector<16xf32>
    %broadcast_in_dim3A_276 = arith.constant 1.000000e+00 : f32
    %broadcast_in_dim3A_277 = vector.broadcast %broadcast_in_dim3A_276 : f32 to vector<16xf32>
    %reduce_sum3A = arith.constant true
    %reduce_sum3A_278 = vector.broadcast %reduce_sum3A : i1 to vector<16xi1>
    %reduce_sum3A_279 = tpu.scan <sum>, %add3A_275 masked %reduce_sum3A_278 : vector<16xf32>, vector<16xi1> -> vector<16xf32>
    %reduce_sum3A_280 = vector.extract %reduce_sum3A_279[15] : f32 from vector<16xf32>
    %broadcast_in_dim3A_281 = vector.broadcast %reduce_sum3A_280 : f32 to vector<16xf32>
    %div3A = arith.divf %broadcast_in_dim3A_277, %broadcast_in_dim3A_281 : vector<16xf32>
    %mul3A_282 = arith.constant 10000 : i32
    %mul3A_283 = arith.muli %arg0, %mul3A_282 : i32
    %broadcast_in_dim3A_284 = vector.broadcast %mul3A_283 : i32 to vector<16xi32>
    %scan3A_285 = arith.constant 0 : i32
    %scan3A_286 = arith.constant 0 : i32
    %scan3A_287 = arith.constant 80 : i32
    %scan3A_288 = arith.addi %scan3A_286, %scan3A_287 : i32
    %scan3A_289 = arith.constant 1 : i32
    %scan3A_290 = scf.for %scan3A_351 = %scan3A_286 to %scan3A_288 step %scan3A_289 iter_args(%scan3A_352 = %scan3A_285) -> (i32)  : i32 {
      %mul3A_353 = arith.constant 128 : i32
      %mul3A_354 = arith.muli %scan3A_351, %mul3A_353 : i32
      %add3A_355 = arith.constant 0 : i32
      %add3A_356 = arith.addi %mul3A_354, %add3A_355 : i32
      %get3A_357 = arith.index_cast %add3A_356 : i32 to index
      %get3A_358 = tpu.vector_load %arg10[%get3A_357] {strides = array<i32>} : memref<10240xf32, #tpu.memory_space<vmem>>, vector<16xf32>,
      %mul3A_359 = arith.mulf %get3A_358, %div3A : vector<16xf32>
      %swap3A_360 = arith.index_cast %add3A_356 : i32 to index
      %swap3A_361 = tpu.vector_load %arg10[%swap3A_360] {strides = array<i32>} : memref<10240xf32, #tpu.memory_space<vmem>>, vector<16xf32>,
      tpu.vector_store %arg10[%swap3A_360], %mul3A_359 {strides = array<i32>} : memref<10240xf32, #tpu.memory_space<vmem>>, vector<16xf32>,
      %get3A_362 = arith.index_cast %add3A_356 : i32 to index
      %get3A_363 = tpu.vector_load %arg9[%get3A_362] {strides = array<i32>} : memref<10240xi32, #tpu.memory_space<vmem>>, vector<16xi32>,
      %add3A_364 = arith.addi %get3A_363, %broadcast_in_dim3A_284 : vector<16xi32>
      %swap3A_365 = arith.index_cast %add3A_356 : i32 to index
      %swap3A_366 = tpu.vector_load %arg9[%swap3A_365] {strides = array<i32>} : memref<10240xi32, #tpu.memory_space<vmem>>, vector<16xi32>,
      tpu.vector_store %arg9[%swap3A_365], %add3A_364 {strides = array<i32>} : memref<10240xi32, #tpu.memory_space<vmem>>, vector<16xi32>,
      %mul3A_367 = arith.constant 128 : i32
      %mul3A_368 = arith.muli %scan3A_351, %mul3A_367 : i32
      %add3A_369 = arith.constant 16 : i32
      %add3A_370 = arith.addi %mul3A_368, %add3A_369 : i32
      %get3A_371 = arith.index_cast %add3A_370 : i32 to index
      %get3A_372 = tpu.vector_load %arg10[%get3A_371] {strides = array<i32>} : memref<10240xf32, #tpu.memory_space<vmem>>, vector<16xf32>,
      %mul3A_373 = arith.mulf %get3A_372, %div3A : vector<16xf32>
      %swap3A_374 = arith.index_cast %add3A_370 : i32 to index
      %swap3A_375 = tpu.vector_load %arg10[%swap3A_374] {strides = array<i32>} : memref<10240xf32, #tpu.memory_space<vmem>>, vector<16xf32>,
      tpu.vector_store %arg10[%swap3A_374], %mul3A_373 {strides = array<i32>} : memref<10240xf32, #tpu.memory_space<vmem>>, vector<16xf32>,
      %get3A_376 = arith.index_cast %add3A_370 : i32 to index
      %get3A_377 = tpu.vector_load %arg9[%get3A_376] {strides = array<i32>} : memref<10240xi32, #tpu.memory_space<vmem>>, vector<16xi32>,
      %add3A_378 = arith.addi %get3A_377, %broadcast_in_dim3A_284 : vector<16xi32>
      %swap3A_379 = arith.index_cast %add3A_370 : i32 to index
      %swap3A_380 = tpu.vector_load %arg9[%swap3A_379] {strides = array<i32>} : memref<10240xi32, #tpu.memory_space<vmem>>, vector<16xi32>,
      tpu.vector_store %arg9[%swap3A_379], %add3A_378 {strides = array<i32>} : memref<10240xi32, #tpu.memory_space<vmem>>, vector<16xi32>,
      %mul3A_381 = arith.constant 128 : i32
      %mul3A_382 = arith.muli %scan3A_351, %mul3A_381 : i32
      %add3A_383 = arith.constant 32 : i32
      %add3A_384 = arith.addi %mul3A_382, %add3A_383 : i32
      %get3A_385 = arith.index_cast %add3A_384 : i32 to index
      %get3A_386 = tpu.vector_load %arg10[%get3A_385] {strides = array<i32>} : memref<10240xf32, #tpu.memory_space<vmem>>, vector<16xf32>,
      %mul3A_387 = arith.mulf %get3A_386, %div3A : vector<16xf32>
      %swap3A_388 = arith.index_cast %add3A_384 : i32 to index
      %swap3A_389 = tpu.vector_load %arg10[%swap3A_388] {strides = array<i32>} : memref<10240xf32, #tpu.memory_space<vmem>>, vector<16xf32>,
      tpu.vector_store %arg10[%swap3A_388], %mul3A_387 {strides = array<i32>} : memref<10240xf32, #tpu.memory_space<vmem>>, vector<16xf32>,
      %get3A_390 = arith.index_cast %add3A_384 : i32 to index
      %get3A_391 = tpu.vector_load %arg9[%get3A_390] {strides = array<i32>} : memref<10240xi32, #tpu.memory_space<vmem>>, vector<16xi32>,
      %add3A_392 = arith.addi %get3A_391, %broadcast_in_dim3A_284 : vector<16xi32>
      %swap3A_393 = arith.index_cast %add3A_384 : i32 to index
      %swap3A_394 = tpu.vector_load %arg9[%swap3A_393] {strides = array<i32>} : memref<10240xi32, #tpu.memory_space<vmem>>, vector<16xi32>,
      tpu.vector_store %arg9[%swap3A_393], %add3A_392 {strides = array<i32>} : memref<10240xi32, #tpu.memory_space<vmem>>, vector<16xi32>,
      %mul3A_395 = arith.constant 128 : i32
      %mul3A_396 = arith.muli %scan3A_351, %mul3A_395 : i32
      %add3A_397 = arith.constant 48 : i32
      %add3A_398 = arith.addi %mul3A_396, %add3A_397 : i32
      %get3A_399 = arith.index_cast %add3A_398 : i32 to index
      %get3A_400 = tpu.vector_load %arg10[%get3A_399] {strides = array<i32>} : memref<10240xf32, #tpu.memory_space<vmem>>, vector<16xf32>,
      %mul3A_401 = arith.mulf %get3A_400, %div3A : vector<16xf32>
      %swap3A_402 = arith.index_cast %add3A_398 : i32 to index
      %swap3A_403 = tpu.vector_load %arg10[%swap3A_402] {strides = array<i32>} : memref<10240xf32, #tpu.memory_space<vmem>>, vector<16xf32>,
      tpu.vector_store %arg10[%swap3A_402], %mul3A_401 {strides = array<i32>} : memref<10240xf32, #tpu.memory_space<vmem>>, vector<16xf32>,
      %get3A_404 = arith.index_cast %add3A_398 : i32 to index
      %get3A_405 = tpu.vector_load %arg9[%get3A_404] {strides = array<i32>} : memref<10240xi32, #tpu.memory_space<vmem>>, vector<16xi32>,
      %add3A_406 = arith.addi %get3A_405, %broadcast_in_dim3A_284 : vector<16xi32>
      %swap3A_407 = arith.index_cast %add3A_398 : i32 to index
      %swap3A_408 = tpu.vector_load %arg9[%swap3A_407] {strides = array<i32>} : memref<10240xi32, #tpu.memory_space<vmem>>, vector<16xi32>,
      tpu.vector_store %arg9[%swap3A_407], %add3A_406 {strides = array<i32>} : memref<10240xi32, #tpu.memory_space<vmem>>, vector<16xi32>,
      %mul3A_409 = arith.constant 128 : i32
      %mul3A_410 = arith.muli %scan3A_351, %mul3A_409 : i32
      %add3A_411 = arith.constant 64 : i32
      %add3A_412 = arith.addi %mul3A_410, %add3A_411 : i32
      %get3A_413 = arith.index_cast %add3A_412 : i32 to index
      %get3A_414 = tpu.vector_load %arg10[%get3A_413] {strides = array<i32>} : memref<10240xf32, #tpu.memory_space<vmem>>, vector<16xf32>,
      %mul3A_415 = arith.mulf %get3A_414, %div3A : vector<16xf32>
      %swap3A_416 = arith.index_cast %add3A_412 : i32 to index
      %swap3A_417 = tpu.vector_load %arg10[%swap3A_416] {strides = array<i32>} : memref<10240xf32, #tpu.memory_space<vmem>>, vector<16xf32>,
      tpu.vector_store %arg10[%swap3A_416], %mul3A_415 {strides = array<i32>} : memref<10240xf32, #tpu.memory_space<vmem>>, vector<16xf32>,
      %get3A_418 = arith.index_cast %add3A_412 : i32 to index
      %get3A_419 = tpu.vector_load %arg9[%get3A_418] {strides = array<i32>} : memref<10240xi32, #tpu.memory_space<vmem>>, vector<16xi32>,
      %add3A_420 = arith.addi %get3A_419, %broadcast_in_dim3A_284 : vector<16xi32>
      %swap3A_421 = arith.index_cast %add3A_412 : i32 to index
      %swap3A_422 = tpu.vector_load %arg9[%swap3A_421] {strides = array<i32>} : memref<10240xi32, #tpu.memory_space<vmem>>, vector<16xi32>,
      tpu.vector_store %arg9[%swap3A_421], %add3A_420 {strides = array<i32>} : memref<10240xi32, #tpu.memory_space<vmem>>, vector<16xi32>,
      %mul3A_423 = arith.constant 128 : i32
      %mul3A_424 = arith.muli %scan3A_351, %mul3A_423 : i32
      %add3A_425 = arith.constant 80 : i32
      %add3A_426 = arith.addi %mul3A_424, %add3A_425 : i32
      %get3A_427 = arith.index_cast %add3A_426 : i32 to index
      %get3A_428 = tpu.vector_load %arg10[%get3A_427] {strides = array<i32>} : memref<10240xf32, #tpu.memory_space<vmem>>, vector<16xf32>,
      %mul3A_429 = arith.mulf %get3A_428, %div3A : vector<16xf32>
      %swap3A_430 = arith.index_cast %add3A_426 : i32 to index
      %swap3A_431 = tpu.vector_load %arg10[%swap3A_430] {strides = array<i32>} : memref<10240xf32, #tpu.memory_space<vmem>>, vector<16xf32>,
      tpu.vector_store %arg10[%swap3A_430], %mul3A_429 {strides = array<i32>} : memref<10240xf32, #tpu.memory_space<vmem>>, vector<16xf32>,
      %get3A_432 = arith.index_cast %add3A_426 : i32 to index
      %get3A_433 = tpu.vector_load %arg9[%get3A_432] {strides = array<i32>} : memref<10240xi32, #tpu.memory_space<vmem>>, vector<16xi32>,
      %add3A_434 = arith.addi %get3A_433, %broadcast_in_dim3A_284 : vector<16xi32>
      %swap3A_435 = arith.index_cast %add3A_426 : i32 to index
      %swap3A_436 = tpu.vector_load %arg9[%swap3A_435] {strides = array<i32>} : memref<10240xi32, #tpu.memory_space<vmem>>, vector<16xi32>,
      tpu.vector_store %arg9[%swap3A_435], %add3A_434 {strides = array<i32>} : memref<10240xi32, #tpu.memory_space<vmem>>, vector<16xi32>,
      %mul3A_437 = arith.constant 128 : i32
      %mul3A_438 = arith.muli %scan3A_351, %mul3A_437 : i32
      %add3A_439 = arith.constant 96 : i32
      %add3A_440 = arith.addi %mul3A_438, %add3A_439 : i32
      %get3A_441 = arith.index_cast %add3A_440 : i32 to index
      %get3A_442 = tpu.vector_load %arg10[%get3A_441] {strides = array<i32>} : memref<10240xf32, #tpu.memory_space<vmem>>, vector<16xf32>,
      %mul3A_443 = arith.mulf %get3A_442, %div3A : vector<16xf32>
      %swap3A_444 = arith.index_cast %add3A_440 : i32 to index
      %swap3A_445 = tpu.vector_load %arg10[%swap3A_444] {strides = array<i32>} : memref<10240xf32, #tpu.memory_space<vmem>>, vector<16xf32>,
      tpu.vector_store %arg10[%swap3A_444], %mul3A_443 {strides = array<i32>} : memref<10240xf32, #tpu.memory_space<vmem>>, vector<16xf32>,
      %get3A_446 = arith.index_cast %add3A_440 : i32 to index
      %get3A_447 = tpu.vector_load %arg9[%get3A_446] {strides = array<i32>} : memref<10240xi32, #tpu.memory_space<vmem>>, vector<16xi32>,
      %add3A_448 = arith.addi %get3A_447, %broadcast_in_dim3A_284 : vector<16xi32>
      %swap3A_449 = arith.index_cast %add3A_440 : i32 to index
      %swap3A_450 = tpu.vector_load %arg9[%swap3A_449] {strides = array<i32>} : memref<10240xi32, #tpu.memory_space<vmem>>, vector<16xi32>,
      tpu.vector_store %arg9[%swap3A_449], %add3A_448 {strides = array<i32>} : memref<10240xi32, #tpu.memory_space<vmem>>, vector<16xi32>,
      %mul3A_451 = arith.constant 128 : i32
      %mul3A_452 = arith.muli %scan3A_351, %mul3A_451 : i32
      %add3A_453 = arith.constant 112 : i32
      %add3A_454 = arith.addi %mul3A_452, %add3A_453 : i32
      %get3A_455 = arith.index_cast %add3A_454 : i32 to index
      %get3A_456 = tpu.vector_load %arg10[%get3A_455] {strides = array<i32>} : memref<10240xf32, #tpu.memory_space<vmem>>, vector<16xf32>,
      %mul3A_457 = arith.mulf %get3A_456, %div3A : vector<16xf32>
      %swap3A_458 = arith.index_cast %add3A_454 : i32 to index
      %swap3A_459 = tpu.vector_load %arg10[%swap3A_458] {strides = array<i32>} : memref<10240xf32, #tpu.memory_space<vmem>>, vector<16xf32>,
      tpu.vector_store %arg10[%swap3A_458], %mul3A_457 {strides = array<i32>} : memref<10240xf32, #tpu.memory_space<vmem>>, vector<16xf32>,
      %get3A_460 = arith.index_cast %add3A_454 : i32 to index
      %get3A_461 = tpu.vector_load %arg9[%get3A_460] {strides = array<i32>} : memref<10240xi32, #tpu.memory_space<vmem>>, vector<16xi32>,
      %add3A_462 = arith.addi %get3A_461, %broadcast_in_dim3A_284 : vector<16xi32>
      %swap3A_463 = arith.index_cast %add3A_454 : i32 to index
      %swap3A_464 = tpu.vector_load %arg9[%swap3A_463] {strides = array<i32>} : memref<10240xi32, #tpu.memory_space<vmem>>, vector<16xi32>,
      tpu.vector_store %arg9[%swap3A_463], %add3A_462 {strides = array<i32>} : memref<10240xi32, #tpu.memory_space<vmem>>, vector<16xi32>,
      %scan3A_465 = arith.constant 0 : i32
      scf.yield %scan3A_465 : i32
    }
    %scan3A_291 = arith.constant 80 : i32
    %get3A_292 = arith.constant 0 : index
    %get3A_293 = tpu.vector_load %arg8[%get3A_292] {strides = array<i32>} : memref<10240xi32, #tpu.memory_space<vmem>>, vector<16xi32>,
    %swap3A_294 = arith.constant 0 : index
    %swap3A_295 = tpu.vector_load %arg12[%swap3A_294] {strides = array<i32>} : memref<64xi32, #tpu.memory_space<vmem>>, vector<16xi32>,
    tpu.vector_store %arg12[%swap3A_294], %get3A_293 {strides = array<i32>} : memref<64xi32, #tpu.memory_space<vmem>>, vector<16xi32>,
    %get3A_296 = arith.constant 0 : index
    %get3A_297 = tpu.vector_load %arg9[%get3A_296] {strides = array<i32>} : memref<10240xi32, #tpu.memory_space<vmem>>, vector<16xi32>,
    %swap3A_298 = arith.constant 0 : index
    %swap3A_299 = tpu.vector_load %arg14[%swap3A_298] {strides = array<i32>} : memref<64xi32, #tpu.memory_space<vmem>>, vector<16xi32>,
    tpu.vector_store %arg14[%swap3A_298], %get3A_297 {strides = array<i32>} : memref<64xi32, #tpu.memory_space<vmem>>, vector<16xi32>,
    %get3A_300 = arith.constant 16 : index
    %get3A_301 = tpu.vector_load %arg8[%get3A_300] {strides = array<i32>} : memref<10240xi32, #tpu.memory_space<vmem>>, vector<16xi32>,
    %swap3A_302 = arith.constant 16 : index
    %swap3A_303 = tpu.vector_load %arg12[%swap3A_302] {strides = array<i32>} : memref<64xi32, #tpu.memory_space<vmem>>, vector<16xi32>,
    tpu.vector_store %arg12[%swap3A_302], %get3A_301 {strides = array<i32>} : memref<64xi32, #tpu.memory_space<vmem>>, vector<16xi32>,
    %get3A_304 = arith.constant 16 : index
    %get3A_305 = tpu.vector_load %arg9[%get3A_304] {strides = array<i32>} : memref<10240xi32, #tpu.memory_space<vmem>>, vector<16xi32>,
    %swap3A_306 = arith.constant 16 : index
    %swap3A_307 = tpu.vector_load %arg14[%swap3A_306] {strides = array<i32>} : memref<64xi32, #tpu.memory_space<vmem>>, vector<16xi32>,
    tpu.vector_store %arg14[%swap3A_306], %get3A_305 {strides = array<i32>} : memref<64xi32, #tpu.memory_space<vmem>>, vector<16xi32>,
    %get3A_308 = arith.constant 32 : index
    %get3A_309 = tpu.vector_load %arg8[%get3A_308] {strides = array<i32>} : memref<10240xi32, #tpu.memory_space<vmem>>, vector<16xi32>,
    %swap3A_310 = arith.constant 32 : index
    %swap3A_311 = tpu.vector_load %arg12[%swap3A_310] {strides = array<i32>} : memref<64xi32, #tpu.memory_space<vmem>>, vector<16xi32>,
    tpu.vector_store %arg12[%swap3A_310], %get3A_309 {strides = array<i32>} : memref<64xi32, #tpu.memory_space<vmem>>, vector<16xi32>,
    %get3A_312 = arith.constant 32 : index
    %get3A_313 = tpu.vector_load %arg9[%get3A_312] {strides = array<i32>} : memref<10240xi32, #tpu.memory_space<vmem>>, vector<16xi32>,
    %swap3A_314 = arith.constant 32 : index
    %swap3A_315 = tpu.vector_load %arg14[%swap3A_314] {strides = array<i32>} : memref<64xi32, #tpu.memory_space<vmem>>, vector<16xi32>,
    tpu.vector_store %arg14[%swap3A_314], %get3A_313 {strides = array<i32>} : memref<64xi32, #tpu.memory_space<vmem>>, vector<16xi32>,
    %get3A_316 = arith.constant 48 : index
    %get3A_317 = tpu.vector_load %arg8[%get3A_316] {strides = array<i32>} : memref<10240xi32, #tpu.memory_space<vmem>>, vector<16xi32>,
    %swap3A_318 = arith.constant 48 : index
    %swap3A_319 = tpu.vector_load %arg12[%swap3A_318] {strides = array<i32>} : memref<64xi32, #tpu.memory_space<vmem>>, vector<16xi32>,
    tpu.vector_store %arg12[%swap3A_318], %get3A_317 {strides = array<i32>} : memref<64xi32, #tpu.memory_space<vmem>>, vector<16xi32>,
    %get3A_320 = arith.constant 48 : index
    %get3A_321 = tpu.vector_load %arg9[%get3A_320] {strides = array<i32>} : memref<10240xi32, #tpu.memory_space<vmem>>, vector<16xi32>,
    %swap3A_322 = arith.constant 48 : index
    %swap3A_323 = tpu.vector_load %arg14[%swap3A_322] {strides = array<i32>} : memref<64xi32, #tpu.memory_space<vmem>>, vector<16xi32>,
    tpu.vector_store %arg14[%swap3A_322], %get3A_321 {strides = array<i32>} : memref<64xi32, #tpu.memory_space<vmem>>, vector<16xi32>,
    %dma_start3A = arith.constant 0 : i32
    %dma_start3A_324 = arith.constant 0 : i32
    %dma_start3A_325 = tpu.memref_slice %arg11[%dma_start3A, %dma_start3A_324] : memref<128x128xf32, #tpu.memory_space<vmem>> -> memref<64x128xf32, #tpu.memory_space<vmem>>
    %dma_start3A_326 = arith.constant 0 : i32
    %dma_start3A_327 = arith.constant 0 : i32
    %dma_start3A_328 = tpu.memref_slice %arg2[%dma_start3A_326, %dma_start3A_327] : memref<20000x128xf32, #tpu.memory_space<hbm>> -> memref<20000x128xf32, #tpu.memory_space<hbm>>
    tpu.enqueue_indirect_dma source(%dma_start3A_328 : memref<20000x128xf32, #tpu.memory_space<hbm>>) target(%dma_start3A_325 : memref<64x128xf32, #tpu.memory_space<vmem>>) offsets(%arg14 : memref<64xi32, #tpu.memory_space<vmem>>) semaphore(%arg22 : memref<!tpu.dma_semaphore, #tpu.memory_space<semaphore_mem>>)
    %scan3A_329 = arith.constant 0 : i32
    %scan3A_330 = arith.constant 0 : i32
    %scan3A_331 = arith.constant 80 : i32
    %scan3A_332 = arith.addi %scan3A_330, %scan3A_331 : i32
    %scan3A_333 = arith.constant 1 : i32
    %scan3A_334 = scf.for %scan3A_351 = %scan3A_330 to %scan3A_332 step %scan3A_333 iter_args(%scan3A_352 = %scan3A_329) -> (i32)  : i32 {
      %gt3A = arith.constant 0 : i32
      %gt3A_353 = arith.cmpi sgt, %scan3A_351, %gt3A : i32
      %convert_element_type3A = arith.extui %gt3A_353 : i1 to i32
      %cond3A = arith.constant 0 : i32
      %cond3A_354 = arith.cmpi ne, %convert_element_type3A, %cond3A : i32
      scf.if %cond3A_354 {
        %dma_wait3A_486 = arith.constant 0 : i32
        %dma_wait3A_487 = arith.constant 0 : i32
        %dma_wait3A_488 = tpu.memref_slice %arg11[%dma_wait3A_486, %dma_wait3A_487] : memref<128x128xf32, #tpu.memory_space<vmem>> -> memref<64x128xf32, #tpu.memory_space<vmem>>
        %dma_wait3A_489 = arith.constant 0 : i32
        %dma_wait3A_490 = arith.constant 0 : i32
        %dma_wait3A_491 = tpu.memref_slice %arg2[%dma_wait3A_489, %dma_wait3A_490] : memref<20000x128xf32, #tpu.memory_space<hbm>> -> memref<64x128xf32, #tpu.memory_space<hbm>>
        %dma_wait3A_492 = arith.constant 0 : i32
        %dma_wait3A_493 = arith.constant 0 : i32
        %dma_wait3A_494 = tpu.memref_slice %arg11[%dma_wait3A_492, %dma_wait3A_493] : memref<128x128xf32, #tpu.memory_space<vmem>> -> memref<64x128xf32, #tpu.memory_space<vmem>>
        %dma_wait3A_495 = arith.constant 0 : i32
        %dma_wait3A_496 = arith.constant 0 : i32
        %dma_wait3A_497 = tpu.memref_slice %arg2[%dma_wait3A_495, %dma_wait3A_496] : memref<20000x128xf32, #tpu.memory_space<hbm>> -> memref<64x128xf32, #tpu.memory_space<hbm>>
        tpu.wait_dma2 semaphore(%arg25 : memref<!tpu.dma_semaphore, #tpu.memory_space<semaphore_mem>>) src(%dma_wait3A_497 : memref<64x128xf32, #tpu.memory_space<hbm>>) dst(%dma_wait3A_494 : memref<64x128xf32, #tpu.memory_space<vmem>>)
      } else {
      }
      %mul3A_355 = arith.constant 128 : i32
      %mul3A_356 = arith.muli %scan3A_351, %mul3A_355 : i32
      %add3A_357 = arith.constant 64 : i32
      %add3A_358 = arith.addi %mul3A_356, %add3A_357 : i32
      %add3A_359 = arith.constant 0 : i32
      %add3A_360 = arith.addi %add3A_358, %add3A_359 : i32
      %get3A_361 = arith.index_cast %add3A_360 : i32 to index
      %get3A_362 = tpu.vector_load %arg8[%get3A_361] {strides = array<i32>} : memref<10240xi32, #tpu.memory_space<vmem>>, vector<16xi32>,
      %swap3A_363 = arith.constant 0 : index
      %swap3A_364 = tpu.vector_load %arg13[%swap3A_363] {strides = array<i32>} : memref<64xi32, #tpu.memory_space<vmem>>, vector<16xi32>,
      tpu.vector_store %arg13[%swap3A_363], %get3A_362 {strides = array<i32>} : memref<64xi32, #tpu.memory_space<vmem>>, vector<16xi32>,
      %get3A_365 = arith.index_cast %add3A_360 : i32 to index
      %get3A_366 = tpu.vector_load %arg9[%get3A_365] {strides = array<i32>} : memref<10240xi32, #tpu.memory_space<vmem>>, vector<16xi32>,
      %swap3A_367 = arith.constant 0 : index
      %swap3A_368 = tpu.vector_load %arg15[%swap3A_367] {strides = array<i32>} : memref<64xi32, #tpu.memory_space<vmem>>, vector<16xi32>,
      tpu.vector_store %arg15[%swap3A_367], %get3A_366 {strides = array<i32>} : memref<64xi32, #tpu.memory_space<vmem>>, vector<16xi32>,
      %mul3A_369 = arith.constant 128 : i32
      %mul3A_370 = arith.muli %scan3A_351, %mul3A_369 : i32
      %add3A_371 = arith.constant 64 : i32
      %add3A_372 = arith.addi %mul3A_370, %add3A_371 : i32
      %add3A_373 = arith.constant 16 : i32
      %add3A_374 = arith.addi %add3A_372, %add3A_373 : i32
      %get3A_375 = arith.index_cast %add3A_374 : i32 to index
      %get3A_376 = tpu.vector_load %arg8[%get3A_375] {strides = array<i32>} : memref<10240xi32, #tpu.memory_space<vmem>>, vector<16xi32>,
      %swap3A_377 = arith.constant 16 : index
      %swap3A_378 = tpu.vector_load %arg13[%swap3A_377] {strides = array<i32>} : memref<64xi32, #tpu.memory_space<vmem>>, vector<16xi32>,
      tpu.vector_store %arg13[%swap3A_377], %get3A_376 {strides = array<i32>} : memref<64xi32, #tpu.memory_space<vmem>>, vector<16xi32>,
      %get3A_379 = arith.index_cast %add3A_374 : i32 to index
      %get3A_380 = tpu.vector_load %arg9[%get3A_379] {strides = array<i32>} : memref<10240xi32, #tpu.memory_space<vmem>>, vector<16xi32>,
      %swap3A_381 = arith.constant 16 : index
      %swap3A_382 = tpu.vector_load %arg15[%swap3A_381] {strides = array<i32>} : memref<64xi32, #tpu.memory_space<vmem>>, vector<16xi32>,
      tpu.vector_store %arg15[%swap3A_381], %get3A_380 {strides = array<i32>} : memref<64xi32, #tpu.memory_space<vmem>>, vector<16xi32>,
      %mul3A_383 = arith.constant 128 : i32
      %mul3A_384 = arith.muli %scan3A_351, %mul3A_383 : i32
      %add3A_385 = arith.constant 64 : i32
      %add3A_386 = arith.addi %mul3A_384, %add3A_385 : i32
      %add3A_387 = arith.constant 32 : i32
      %add3A_388 = arith.addi %add3A_386, %add3A_387 : i32
      %get3A_389 = arith.index_cast %add3A_388 : i32 to index
      %get3A_390 = tpu.vector_load %arg8[%get3A_389] {strides = array<i32>} : memref<10240xi32, #tpu.memory_space<vmem>>, vector<16xi32>,
      %swap3A_391 = arith.constant 32 : index
      %swap3A_392 = tpu.vector_load %arg13[%swap3A_391] {strides = array<i32>} : memref<64xi32, #tpu.memory_space<vmem>>, vector<16xi32>,
      tpu.vector_store %arg13[%swap3A_391], %get3A_390 {strides = array<i32>} : memref<64xi32, #tpu.memory_space<vmem>>, vector<16xi32>,
      %get3A_393 = arith.index_cast %add3A_388 : i32 to index
      %get3A_394 = tpu.vector_load %arg9[%get3A_393] {strides = array<i32>} : memref<10240xi32, #tpu.memory_space<vmem>>, vector<16xi32>,
      %swap3A_395 = arith.constant 32 : index
      %swap3A_396 = tpu.vector_load %arg15[%swap3A_395] {strides = array<i32>} : memref<64xi32, #tpu.memory_space<vmem>>, vector<16xi32>,
      tpu.vector_store %arg15[%swap3A_395], %get3A_394 {strides = array<i32>} : memref<64xi32, #tpu.memory_space<vmem>>, vector<16xi32>,
      %mul3A_397 = arith.constant 128 : i32
      %mul3A_398 = arith.muli %scan3A_351, %mul3A_397 : i32
      %add3A_399 = arith.constant 64 : i32
      %add3A_400 = arith.addi %mul3A_398, %add3A_399 : i32
      %add3A_401 = arith.constant 48 : i32
      %add3A_402 = arith.addi %add3A_400, %add3A_401 : i32
      %get3A_403 = arith.index_cast %add3A_402 : i32 to index
      %get3A_404 = tpu.vector_load %arg8[%get3A_403] {strides = array<i32>} : memref<10240xi32, #tpu.memory_space<vmem>>, vector<16xi32>,
      %swap3A_405 = arith.constant 48 : index
      %swap3A_406 = tpu.vector_load %arg13[%swap3A_405] {strides = array<i32>} : memref<64xi32, #tpu.memory_space<vmem>>, vector<16xi32>,
      tpu.vector_store %arg13[%swap3A_405], %get3A_404 {strides = array<i32>} : memref<64xi32, #tpu.memory_space<vmem>>, vector<16xi32>,
      %get3A_407 = arith.index_cast %add3A_402 : i32 to index
      %get3A_408 = tpu.vector_load %arg9[%get3A_407] {strides = array<i32>} : memref<10240xi32, #tpu.memory_space<vmem>>, vector<16xi32>,
      %swap3A_409 = arith.constant 48 : index
      %swap3A_410 = tpu.vector_load %arg15[%swap3A_409] {strides = array<i32>} : memref<64xi32, #tpu.memory_space<vmem>>, vector<16xi32>,
      tpu.vector_store %arg15[%swap3A_409], %get3A_408 {strides = array<i32>} : memref<64xi32, #tpu.memory_space<vmem>>, vector<16xi32>,
      %dma_start3A_411 = arith.constant 64 : i32
      %dma_start3A_412 = arith.constant 0 : i32
      %dma_start3A_413 = tpu.memref_slice %arg11[%dma_start3A_411, %dma_start3A_412] : memref<128x128xf32, #tpu.memory_space<vmem>> -> memref<64x128xf32, #tpu.memory_space<vmem>>
      %dma_start3A_414 = arith.constant 0 : i32
      %dma_start3A_415 = arith.constant 0 : i32
      %dma_start3A_416 = tpu.memref_slice %arg2[%dma_start3A_414, %dma_start3A_415] : memref<20000x128xf32, #tpu.memory_space<hbm>> -> memref<20000x128xf32, #tpu.memory_space<hbm>>
      tpu.enqueue_indirect_dma source(%dma_start3A_416 : memref<20000x128xf32, #tpu.memory_space<hbm>>) target(%dma_start3A_413 : memref<64x128xf32, #tpu.memory_space<vmem>>) offsets(%arg15 : memref<64xi32, #tpu.memory_space<vmem>>) semaphore(%arg23 : memref<!tpu.dma_semaphore, #tpu.memory_space<semaphore_mem>>)
      %dma_wait3A_417 = arith.constant 0 : i32
      %dma_wait3A_418 = arith.constant 0 : i32
      %dma_wait3A_419 = tpu.memref_slice %arg11[%dma_wait3A_417, %dma_wait3A_418] : memref<128x128xf32, #tpu.memory_space<vmem>> -> memref<64x128xf32, #tpu.memory_space<vmem>>
      %dma_wait3A_420 = arith.constant 0 : i32
      %dma_wait3A_421 = arith.constant 0 : i32
      %dma_wait3A_422 = tpu.memref_slice %arg2[%dma_wait3A_420, %dma_wait3A_421] : memref<20000x128xf32, #tpu.memory_space<hbm>> -> memref<64x128xf32, #tpu.memory_space<hbm>>
      %dma_wait3A_423 = arith.constant 0 : i32
      %dma_wait3A_424 = arith.constant 0 : i32
      %dma_wait3A_425 = tpu.memref_slice %arg11[%dma_wait3A_423, %dma_wait3A_424] : memref<128x128xf32, #tpu.memory_space<vmem>> -> memref<64x128xf32, #tpu.memory_space<vmem>>
      %dma_wait3A_426 = arith.constant 0 : i32
      %dma_wait3A_427 = arith.constant 0 : i32
      %dma_wait3A_428 = tpu.memref_slice %arg2[%dma_wait3A_426, %dma_wait3A_427] : memref<20000x128xf32, #tpu.memory_space<hbm>> -> memref<64x128xf32, #tpu.memory_space<hbm>>
      tpu.wait_dma2 semaphore(%arg22 : memref<!tpu.dma_semaphore, #tpu.memory_space<semaphore_mem>>) src(%dma_wait3A_428 : memref<64x128xf32, #tpu.memory_space<hbm>>) dst(%dma_wait3A_425 : memref<64x128xf32, #tpu.memory_space<vmem>>)
      %scan3A_429 = arith.constant 0 : i32
      %scan3A_430 = arith.constant 0 : i32
      %scan3A_431 = arith.constant 16 : i32
      %scan3A_432 = arith.addi %scan3A_430, %scan3A_431 : i32
      %scan3A_433 = arith.constant 1 : i32
      %scan3A_434 = scf.for %scan3A_486 = %scan3A_430 to %scan3A_432 step %scan3A_433 iter_args(%scan3A_487 = %scan3A_429) -> (i32)  : i32 {
        %mul3A_488 = arith.constant 4 : i32
        %mul3A_489 = arith.muli %scan3A_486, %mul3A_488 : i32
        %mul3A_490 = arith.constant 128 : i32
        %mul3A_491 = arith.muli %scan3A_351, %mul3A_490 : i32
        %add3A_492 = arith.constant 0 : i32
        %add3A_493 = arith.addi %mul3A_491, %add3A_492 : i32
        %add3A_494 = arith.addi %add3A_493, %mul3A_489 : i32
        %add3A_495 = arith.constant 0 : i32
        %add3A_496 = arith.addi %add3A_494, %add3A_495 : i32
        %broadcast_in_dim3A_497 = vector.broadcast %add3A_496 : i32 to vector<16xi32>
        %gather3A = tpu.vector_load_idx %arg10[%broadcast_in_dim3A_497] : memref<10240xf32, #tpu.memory_space<vmem>>[vector<16xi32>], vector<16xf32>,
        %add3A_498 = arith.constant 0 : i32
        %add3A_499 = arith.addi %add3A_498, %mul3A_489 : i32
        %add3A_500 = arith.constant 0 : i32
        %add3A_501 = arith.addi %add3A_499, %add3A_500 : i32
        %get3A_502 = arith.index_cast %add3A_501 : i32 to index
        %get3A_503 = arith.constant 0 : index
        %get3A_504 = tpu.vector_load %arg11[%get3A_502, %get3A_503] {strides = array<i32>} : memref<128x128xf32, #tpu.memory_space<vmem>>, vector<16xf32>,
        %mul3A_505 = arith.mulf %get3A_504, %gather3A : vector<16xf32>
        %swap3A_506 = arith.index_cast %add3A_501 : i32 to index
        %swap3A_507 = arith.constant 0 : index
        %swap3A_508 = tpu.vector_load %arg11[%swap3A_506, %swap3A_507] {strides = array<i32>} : memref<128x128xf32, #tpu.memory_space<vmem>>, vector<16xf32>,
        tpu.vector_store %arg11[%swap3A_506, %swap3A_507], %mul3A_505 {strides = array<i32>} : memref<128x128xf32, #tpu.memory_space<vmem>>, vector<16xf32>,
        %get3A_509 = arith.index_cast %add3A_501 : i32 to index
        %get3A_510 = arith.constant 16 : index
        %get3A_511 = tpu.vector_load %arg11[%get3A_509, %get3A_510] {strides = array<i32>} : memref<128x128xf32, #tpu.memory_space<vmem>>, vector<16xf32>,
        %mul3A_512 = arith.mulf %get3A_511, %gather3A : vector<16xf32>
        %swap3A_513 = arith.index_cast %add3A_501 : i32 to index
        %swap3A_514 = arith.constant 16 : index
        %swap3A_515 = tpu.vector_load %arg11[%swap3A_513, %swap3A_514] {strides = array<i32>} : memref<128x128xf32, #tpu.memory_space<vmem>>, vector<16xf32>,
        tpu.vector_store %arg11[%swap3A_513, %swap3A_514], %mul3A_512 {strides = array<i32>} : memref<128x128xf32, #tpu.memory_space<vmem>>, vector<16xf32>,
        %get3A_516 = arith.index_cast %add3A_501 : i32 to index
        %get3A_517 = arith.constant 32 : index
        %get3A_518 = tpu.vector_load %arg11[%get3A_516, %get3A_517] {strides = array<i32>} : memref<128x128xf32, #tpu.memory_space<vmem>>, vector<16xf32>,
        %mul3A_519 = arith.mulf %get3A_518, %gather3A : vector<16xf32>
        %swap3A_520 = arith.index_cast %add3A_501 : i32 to index
        %swap3A_521 = arith.constant 32 : index
        %swap3A_522 = tpu.vector_load %arg11[%swap3A_520, %swap3A_521] {strides = array<i32>} : memref<128x128xf32, #tpu.memory_space<vmem>>, vector<16xf32>,
        tpu.vector_store %arg11[%swap3A_520, %swap3A_521], %mul3A_519 {strides = array<i32>} : memref<128x128xf32, #tpu.memory_space<vmem>>, vector<16xf32>,
        %get3A_523 = arith.index_cast %add3A_501 : i32 to index
        %get3A_524 = arith.constant 48 : index
        %get3A_525 = tpu.vector_load %arg11[%get3A_523, %get3A_524] {strides = array<i32>} : memref<128x128xf32, #tpu.memory_space<vmem>>, vector<16xf32>,
        %mul3A_526 = arith.mulf %get3A_525, %gather3A : vector<16xf32>
        %swap3A_527 = arith.index_cast %add3A_501 : i32 to index
        %swap3A_528 = arith.constant 48 : index
        %swap3A_529 = tpu.vector_load %arg11[%swap3A_527, %swap3A_528] {strides = array<i32>} : memref<128x128xf32, #tpu.memory_space<vmem>>, vector<16xf32>,
        tpu.vector_store %arg11[%swap3A_527, %swap3A_528], %mul3A_526 {strides = array<i32>} : memref<128x128xf32, #tpu.memory_space<vmem>>, vector<16xf32>,
        %get3A_530 = arith.index_cast %add3A_501 : i32 to index
        %get3A_531 = arith.constant 64 : index
        %get3A_532 = tpu.vector_load %arg11[%get3A_530, %get3A_531] {strides = array<i32>} : memref<128x128xf32, #tpu.memory_space<vmem>>, vector<16xf32>,
        %mul3A_533 = arith.mulf %get3A_532, %gather3A : vector<16xf32>
        %swap3A_534 = arith.index_cast %add3A_501 : i32 to index
        %swap3A_535 = arith.constant 64 : index
        %swap3A_536 = tpu.vector_load %arg11[%swap3A_534, %swap3A_535] {strides = array<i32>} : memref<128x128xf32, #tpu.memory_space<vmem>>, vector<16xf32>,
        tpu.vector_store %arg11[%swap3A_534, %swap3A_535], %mul3A_533 {strides = array<i32>} : memref<128x128xf32, #tpu.memory_space<vmem>>, vector<16xf32>,
        %get3A_537 = arith.index_cast %add3A_501 : i32 to index
        %get3A_538 = arith.constant 80 : index
        %get3A_539 = tpu.vector_load %arg11[%get3A_537, %get3A_538] {strides = array<i32>} : memref<128x128xf32, #tpu.memory_space<vmem>>, vector<16xf32>,
        %mul3A_540 = arith.mulf %get3A_539, %gather3A : vector<16xf32>
        %swap3A_541 = arith.index_cast %add3A_501 : i32 to index
        %swap3A_542 = arith.constant 80 : index
        %swap3A_543 = tpu.vector_load %arg11[%swap3A_541, %swap3A_542] {strides = array<i32>} : memref<128x128xf32, #tpu.memory_space<vmem>>, vector<16xf32>,
        tpu.vector_store %arg11[%swap3A_541, %swap3A_542], %mul3A_540 {strides = array<i32>} : memref<128x128xf32, #tpu.memory_space<vmem>>, vector<16xf32>,
        %get3A_544 = arith.index_cast %add3A_501 : i32 to index
        %get3A_545 = arith.constant 96 : index
        %get3A_546 = tpu.vector_load %arg11[%get3A_544, %get3A_545] {strides = array<i32>} : memref<128x128xf32, #tpu.memory_space<vmem>>, vector<16xf32>,
        %mul3A_547 = arith.mulf %get3A_546, %gather3A : vector<16xf32>
        %swap3A_548 = arith.index_cast %add3A_501 : i32 to index
        %swap3A_549 = arith.constant 96 : index
        %swap3A_550 = tpu.vector_load %arg11[%swap3A_548, %swap3A_549] {strides = array<i32>} : memref<128x128xf32, #tpu.memory_space<vmem>>, vector<16xf32>,
        tpu.vector_store %arg11[%swap3A_548, %swap3A_549], %mul3A_547 {strides = array<i32>} : memref<128x128xf32, #tpu.memory_space<vmem>>, vector<16xf32>,
        %get3A_551 = arith.index_cast %add3A_501 : i32 to index
        %get3A_552 = arith.constant 112 : index
        %get3A_553 = tpu.vector_load %arg11[%get3A_551, %get3A_552] {strides = array<i32>} : memref<128x128xf32, #tpu.memory_space<vmem>>, vector<16xf32>,
        %mul3A_554 = arith.mulf %get3A_553, %gather3A : vector<16xf32>
        %swap3A_555 = arith.index_cast %add3A_501 : i32 to index
        %swap3A_556 = arith.constant 112 : index
        %swap3A_557 = tpu.vector_load %arg11[%swap3A_555, %swap3A_556] {strides = array<i32>} : memref<128x128xf32, #tpu.memory_space<vmem>>, vector<16xf32>,
        tpu.vector_store %arg11[%swap3A_555, %swap3A_556], %mul3A_554 {strides = array<i32>} : memref<128x128xf32, #tpu.memory_space<vmem>>, vector<16xf32>,
        %mul3A_558 = arith.constant 128 : i32
        %mul3A_559 = arith.muli %scan3A_351, %mul3A_558 : i32
        %add3A_560 = arith.constant 0 : i32
        %add3A_561 = arith.addi %mul3A_559, %add3A_560 : i32
        %add3A_562 = arith.addi %add3A_561, %mul3A_489 : i32
        %add3A_563 = arith.constant 1 : i32
        %add3A_564 = arith.addi %add3A_562, %add3A_563 : i32
        %broadcast_in_dim3A_565 = vector.broadcast %add3A_564 : i32 to vector<16xi32>
        %gather3A_566 = tpu.vector_load_idx %arg10[%broadcast_in_dim3A_565] : memref<10240xf32, #tpu.memory_space<vmem>>[vector<16xi32>], vector<16xf32>,
        %add3A_567 = arith.constant 0 : i32
        %add3A_568 = arith.addi %add3A_567, %mul3A_489 : i32
        %add3A_569 = arith.constant 1 : i32
        %add3A_570 = arith.addi %add3A_568, %add3A_569 : i32
        %get3A_571 = arith.index_cast %add3A_570 : i32 to index
        %get3A_572 = arith.constant 0 : index
        %get3A_573 = tpu.vector_load %arg11[%get3A_571, %get3A_572] {strides = array<i32>} : memref<128x128xf32, #tpu.memory_space<vmem>>, vector<16xf32>,
        %mul3A_574 = arith.mulf %get3A_573, %gather3A_566 : vector<16xf32>
        %swap3A_575 = arith.index_cast %add3A_570 : i32 to index
        %swap3A_576 = arith.constant 0 : index
        %swap3A_577 = tpu.vector_load %arg11[%swap3A_575, %swap3A_576] {strides = array<i32>} : memref<128x128xf32, #tpu.memory_space<vmem>>, vector<16xf32>,
        tpu.vector_store %arg11[%swap3A_575, %swap3A_576], %mul3A_574 {strides = array<i32>} : memref<128x128xf32, #tpu.memory_space<vmem>>, vector<16xf32>,
        %get3A_578 = arith.index_cast %add3A_570 : i32 to index
        %get3A_579 = arith.constant 16 : index
        %get3A_580 = tpu.vector_load %arg11[%get3A_578, %get3A_579] {strides = array<i32>} : memref<128x128xf32, #tpu.memory_space<vmem>>, vector<16xf32>,
        %mul3A_581 = arith.mulf %get3A_580, %gather3A_566 : vector<16xf32>
        %swap3A_582 = arith.index_cast %add3A_570 : i32 to index
        %swap3A_583 = arith.constant 16 : index
        %swap3A_584 = tpu.vector_load %arg11[%swap3A_582, %swap3A_583] {strides = array<i32>} : memref<128x128xf32, #tpu.memory_space<vmem>>, vector<16xf32>,
        tpu.vector_store %arg11[%swap3A_582, %swap3A_583], %mul3A_581 {strides = array<i32>} : memref<128x128xf32, #tpu.memory_space<vmem>>, vector<16xf32>,
        %get3A_585 = arith.index_cast %add3A_570 : i32 to index
        %get3A_586 = arith.constant 32 : index
        %get3A_587 = tpu.vector_load %arg11[%get3A_585, %get3A_586] {strides = array<i32>} : memref<128x128xf32, #tpu.memory_space<vmem>>, vector<16xf32>,
        %mul3A_588 = arith.mulf %get3A_587, %gather3A_566 : vector<16xf32>
        %swap3A_589 = arith.index_cast %add3A_570 : i32 to index
        %swap3A_590 = arith.constant 32 : index
        %swap3A_591 = tpu.vector_load %arg11[%swap3A_589, %swap3A_590] {strides = array<i32>} : memref<128x128xf32, #tpu.memory_space<vmem>>, vector<16xf32>,
        tpu.vector_store %arg11[%swap3A_589, %swap3A_590], %mul3A_588 {strides = array<i32>} : memref<128x128xf32, #tpu.memory_space<vmem>>, vector<16xf32>,
        %get3A_592 = arith.index_cast %add3A_570 : i32 to index
        %get3A_593 = arith.constant 48 : index
        %get3A_594 = tpu.vector_load %arg11[%get3A_592, %get3A_593] {strides = array<i32>} : memref<128x128xf32, #tpu.memory_space<vmem>>, vector<16xf32>,
        %mul3A_595 = arith.mulf %get3A_594, %gather3A_566 : vector<16xf32>
        %swap3A_596 = arith.index_cast %add3A_570 : i32 to index
        %swap3A_597 = arith.constant 48 : index
        %swap3A_598 = tpu.vector_load %arg11[%swap3A_596, %swap3A_597] {strides = array<i32>} : memref<128x128xf32, #tpu.memory_space<vmem>>, vector<16xf32>,
        tpu.vector_store %arg11[%swap3A_596, %swap3A_597], %mul3A_595 {strides = array<i32>} : memref<128x128xf32, #tpu.memory_space<vmem>>, vector<16xf32>,
        %get3A_599 = arith.index_cast %add3A_570 : i32 to index
        %get3A_600 = arith.constant 64 : index
        %get3A_601 = tpu.vector_load %arg11[%get3A_599, %get3A_600] {strides = array<i32>} : memref<128x128xf32, #tpu.memory_space<vmem>>, vector<16xf32>,
        %mul3A_602 = arith.mulf %get3A_601, %gather3A_566 : vector<16xf32>
        %swap3A_603 = arith.index_cast %add3A_570 : i32 to index
        %swap3A_604 = arith.constant 64 : index
        %swap3A_605 = tpu.vector_load %arg11[%swap3A_603, %swap3A_604] {strides = array<i32>} : memref<128x128xf32, #tpu.memory_space<vmem>>, vector<16xf32>,
        tpu.vector_store %arg11[%swap3A_603, %swap3A_604], %mul3A_602 {strides = array<i32>} : memref<128x128xf32, #tpu.memory_space<vmem>>, vector<16xf32>,
        %get3A_606 = arith.index_cast %add3A_570 : i32 to index
        %get3A_607 = arith.constant 80 : index
        %get3A_608 = tpu.vector_load %arg11[%get3A_606, %get3A_607] {strides = array<i32>} : memref<128x128xf32, #tpu.memory_space<vmem>>, vector<16xf32>,
        %mul3A_609 = arith.mulf %get3A_608, %gather3A_566 : vector<16xf32>
        %swap3A_610 = arith.index_cast %add3A_570 : i32 to index
        %swap3A_611 = arith.constant 80 : index
        %swap3A_612 = tpu.vector_load %arg11[%swap3A_610, %swap3A_611] {strides = array<i32>} : memref<128x128xf32, #tpu.memory_space<vmem>>, vector<16xf32>,
        tpu.vector_store %arg11[%swap3A_610, %swap3A_611], %mul3A_609 {strides = array<i32>} : memref<128x128xf32, #tpu.memory_space<vmem>>, vector<16xf32>,
        %get3A_613 = arith.index_cast %add3A_570 : i32 to index
        %get3A_614 = arith.constant 96 : index
        %get3A_615 = tpu.vector_load %arg11[%get3A_613, %get3A_614] {strides = array<i32>} : memref<128x128xf32, #tpu.memory_space<vmem>>, vector<16xf32>,
        %mul3A_616 = arith.mulf %get3A_615, %gather3A_566 : vector<16xf32>
        %swap3A_617 = arith.index_cast %add3A_570 : i32 to index
        %swap3A_618 = arith.constant 96 : index
        %swap3A_619 = tpu.vector_load %arg11[%swap3A_617, %swap3A_618] {strides = array<i32>} : memref<128x128xf32, #tpu.memory_space<vmem>>, vector<16xf32>,
        tpu.vector_store %arg11[%swap3A_617, %swap3A_618], %mul3A_616 {strides = array<i32>} : memref<128x128xf32, #tpu.memory_space<vmem>>, vector<16xf32>,
        %get3A_620 = arith.index_cast %add3A_570 : i32 to index
        %get3A_621 = arith.constant 112 : index
        %get3A_622 = tpu.vector_load %arg11[%get3A_620, %get3A_621] {strides = array<i32>} : memref<128x128xf32, #tpu.memory_space<vmem>>, vector<16xf32>,
        %mul3A_623 = arith.mulf %get3A_622, %gather3A_566 : vector<16xf32>
        %swap3A_624 = arith.index_cast %add3A_570 : i32 to index
        %swap3A_625 = arith.constant 112 : index
        %swap3A_626 = tpu.vector_load %arg11[%swap3A_624, %swap3A_625] {strides = array<i32>} : memref<128x128xf32, #tpu.memory_space<vmem>>, vector<16xf32>,
        tpu.vector_store %arg11[%swap3A_624, %swap3A_625], %mul3A_623 {strides = array<i32>} : memref<128x128xf32, #tpu.memory_space<vmem>>, vector<16xf32>,
        %mul3A_627 = arith.constant 128 : i32
        %mul3A_628 = arith.muli %scan3A_351, %mul3A_627 : i32
        %add3A_629 = arith.constant 0 : i32
        %add3A_630 = arith.addi %mul3A_628, %add3A_629 : i32
        %add3A_631 = arith.addi %add3A_630, %mul3A_489 : i32
        %add3A_632 = arith.constant 2 : i32
        %add3A_633 = arith.addi %add3A_631, %add3A_632 : i32
        %broadcast_in_dim3A_634 = vector.broadcast %add3A_633 : i32 to vector<16xi32>
        %gather3A_635 = tpu.vector_load_idx %arg10[%broadcast_in_dim3A_634] : memref<10240xf32, #tpu.memory_space<vmem>>[vector<16xi32>], vector<16xf32>,
        %add3A_636 = arith.constant 0 : i32
        %add3A_637 = arith.addi %add3A_636, %mul3A_489 : i32
        %add3A_638 = arith.constant 2 : i32
        %add3A_639 = arith.addi %add3A_637, %add3A_638 : i32
        %get3A_640 = arith.index_cast %add3A_639 : i32 to index
        %get3A_641 = arith.constant 0 : index
        %get3A_642 = tpu.vector_load %arg11[%get3A_640, %get3A_641] {strides = array<i32>} : memref<128x128xf32, #tpu.memory_space<vmem>>, vector<16xf32>,
        %mul3A_643 = arith.mulf %get3A_642, %gather3A_635 : vector<16xf32>
        %swap3A_644 = arith.index_cast %add3A_639 : i32 to index
        %swap3A_645 = arith.constant 0 : index
        %swap3A_646 = tpu.vector_load %arg11[%swap3A_644, %swap3A_645] {strides = array<i32>} : memref<128x128xf32, #tpu.memory_space<vmem>>, vector<16xf32>,
        tpu.vector_store %arg11[%swap3A_644, %swap3A_645], %mul3A_643 {strides = array<i32>} : memref<128x128xf32, #tpu.memory_space<vmem>>, vector<16xf32>,
        %get3A_647 = arith.index_cast %add3A_639 : i32 to index
        %get3A_648 = arith.constant 16 : index
        %get3A_649 = tpu.vector_load %arg11[%get3A_647, %get3A_648] {strides = array<i32>} : memref<128x128xf32, #tpu.memory_space<vmem>>, vector<16xf32>,
        %mul3A_650 = arith.mulf %get3A_649, %gather3A_635 : vector<16xf32>
        %swap3A_651 = arith.index_cast %add3A_639 : i32 to index
        %swap3A_652 = arith.constant 16 : index
        %swap3A_653 = tpu.vector_load %arg11[%swap3A_651, %swap3A_652] {strides = array<i32>} : memref<128x128xf32, #tpu.memory_space<vmem>>, vector<16xf32>,
        tpu.vector_store %arg11[%swap3A_651, %swap3A_652], %mul3A_650 {strides = array<i32>} : memref<128x128xf32, #tpu.memory_space<vmem>>, vector<16xf32>,
        %get3A_654 = arith.index_cast %add3A_639 : i32 to index
        %get3A_655 = arith.constant 32 : index
        %get3A_656 = tpu.vector_load %arg11[%get3A_654, %get3A_655] {strides = array<i32>} : memref<128x128xf32, #tpu.memory_space<vmem>>, vector<16xf32>,
        %mul3A_657 = arith.mulf %get3A_656, %gather3A_635 : vector<16xf32>
        %swap3A_658 = arith.index_cast %add3A_639 : i32 to index
        %swap3A_659 = arith.constant 32 : index
        %swap3A_660 = tpu.vector_load %arg11[%swap3A_658, %swap3A_659] {strides = array<i32>} : memref<128x128xf32, #tpu.memory_space<vmem>>, vector<16xf32>,
        tpu.vector_store %arg11[%swap3A_658, %swap3A_659], %mul3A_657 {strides = array<i32>} : memref<128x128xf32, #tpu.memory_space<vmem>>, vector<16xf32>,
        %get3A_661 = arith.index_cast %add3A_639 : i32 to index
        %get3A_662 = arith.constant 48 : index
        %get3A_663 = tpu.vector_load %arg11[%get3A_661, %get3A_662] {strides = array<i32>} : memref<128x128xf32, #tpu.memory_space<vmem>>, vector<16xf32>,
        %mul3A_664 = arith.mulf %get3A_663, %gather3A_635 : vector<16xf32>
        %swap3A_665 = arith.index_cast %add3A_639 : i32 to index
        %swap3A_666 = arith.constant 48 : index
        %swap3A_667 = tpu.vector_load %arg11[%swap3A_665, %swap3A_666] {strides = array<i32>} : memref<128x128xf32, #tpu.memory_space<vmem>>, vector<16xf32>,
        tpu.vector_store %arg11[%swap3A_665, %swap3A_666], %mul3A_664 {strides = array<i32>} : memref<128x128xf32, #tpu.memory_space<vmem>>, vector<16xf32>,
        %get3A_668 = arith.index_cast %add3A_639 : i32 to index
        %get3A_669 = arith.constant 64 : index
        %get3A_670 = tpu.vector_load %arg11[%get3A_668, %get3A_669] {strides = array<i32>} : memref<128x128xf32, #tpu.memory_space<vmem>>, vector<16xf32>,
        %mul3A_671 = arith.mulf %get3A_670, %gather3A_635 : vector<16xf32>
        %swap3A_672 = arith.index_cast %add3A_639 : i32 to index
        %swap3A_673 = arith.constant 64 : index
        %swap3A_674 = tpu.vector_load %arg11[%swap3A_672, %swap3A_673] {strides = array<i32>} : memref<128x128xf32, #tpu.memory_space<vmem>>, vector<16xf32>,
        tpu.vector_store %arg11[%swap3A_672, %swap3A_673], %mul3A_671 {strides = array<i32>} : memref<128x128xf32, #tpu.memory_space<vmem>>, vector<16xf32>,
        %get3A_675 = arith.index_cast %add3A_639 : i32 to index
        %get3A_676 = arith.constant 80 : index
        %get3A_677 = tpu.vector_load %arg11[%get3A_675, %get3A_676] {strides = array<i32>} : memref<128x128xf32, #tpu.memory_space<vmem>>, vector<16xf32>,
        %mul3A_678 = arith.mulf %get3A_677, %gather3A_635 : vector<16xf32>
        %swap3A_679 = arith.index_cast %add3A_639 : i32 to index
        %swap3A_680 = arith.constant 80 : index
        %swap3A_681 = tpu.vector_load %arg11[%swap3A_679, %swap3A_680] {strides = array<i32>} : memref<128x128xf32, #tpu.memory_space<vmem>>, vector<16xf32>,
        tpu.vector_store %arg11[%swap3A_679, %swap3A_680], %mul3A_678 {strides = array<i32>} : memref<128x128xf32, #tpu.memory_space<vmem>>, vector<16xf32>,
        %get3A_682 = arith.index_cast %add3A_639 : i32 to index
        %get3A_683 = arith.constant 96 : index
        %get3A_684 = tpu.vector_load %arg11[%get3A_682, %get3A_683] {strides = array<i32>} : memref<128x128xf32, #tpu.memory_space<vmem>>, vector<16xf32>,
        %mul3A_685 = arith.mulf %get3A_684, %gather3A_635 : vector<16xf32>
        %swap3A_686 = arith.index_cast %add3A_639 : i32 to index
        %swap3A_687 = arith.constant 96 : index
        %swap3A_688 = tpu.vector_load %arg11[%swap3A_686, %swap3A_687] {strides = array<i32>} : memref<128x128xf32, #tpu.memory_space<vmem>>, vector<16xf32>,
        tpu.vector_store %arg11[%swap3A_686, %swap3A_687], %mul3A_685 {strides = array<i32>} : memref<128x128xf32, #tpu.memory_space<vmem>>, vector<16xf32>,
        %get3A_689 = arith.index_cast %add3A_639 : i32 to index
        %get3A_690 = arith.constant 112 : index
        %get3A_691 = tpu.vector_load %arg11[%get3A_689, %get3A_690] {strides = array<i32>} : memref<128x128xf32, #tpu.memory_space<vmem>>, vector<16xf32>,
        %mul3A_692 = arith.mulf %get3A_691, %gather3A_635 : vector<16xf32>
        %swap3A_693 = arith.index_cast %add3A_639 : i32 to index
        %swap3A_694 = arith.constant 112 : index
        %swap3A_695 = tpu.vector_load %arg11[%swap3A_693, %swap3A_694] {strides = array<i32>} : memref<128x128xf32, #tpu.memory_space<vmem>>, vector<16xf32>,
        tpu.vector_store %arg11[%swap3A_693, %swap3A_694], %mul3A_692 {strides = array<i32>} : memref<128x128xf32, #tpu.memory_space<vmem>>, vector<16xf32>,
        %mul3A_696 = arith.constant 128 : i32
        %mul3A_697 = arith.muli %scan3A_351, %mul3A_696 : i32
        %add3A_698 = arith.constant 0 : i32
        %add3A_699 = arith.addi %mul3A_697, %add3A_698 : i32
        %add3A_700 = arith.addi %add3A_699, %mul3A_489 : i32
        %add3A_701 = arith.constant 3 : i32
        %add3A_702 = arith.addi %add3A_700, %add3A_701 : i32
        %broadcast_in_dim3A_703 = vector.broadcast %add3A_702 : i32 to vector<16xi32>
        %gather3A_704 = tpu.vector_load_idx %arg10[%broadcast_in_dim3A_703] : memref<10240xf32, #tpu.memory_space<vmem>>[vector<16xi32>], vector<16xf32>,
        %add3A_705 = arith.constant 0 : i32
        %add3A_706 = arith.addi %add3A_705, %mul3A_489 : i32
        %add3A_707 = arith.constant 3 : i32
        %add3A_708 = arith.addi %add3A_706, %add3A_707 : i32
        %get3A_709 = arith.index_cast %add3A_708 : i32 to index
        %get3A_710 = arith.constant 0 : index
        %get3A_711 = tpu.vector_load %arg11[%get3A_709, %get3A_710] {strides = array<i32>} : memref<128x128xf32, #tpu.memory_space<vmem>>, vector<16xf32>,
        %mul3A_712 = arith.mulf %get3A_711, %gather3A_704 : vector<16xf32>
        %swap3A_713 = arith.index_cast %add3A_708 : i32 to index
        %swap3A_714 = arith.constant 0 : index
        %swap3A_715 = tpu.vector_load %arg11[%swap3A_713, %swap3A_714] {strides = array<i32>} : memref<128x128xf32, #tpu.memory_space<vmem>>, vector<16xf32>,
        tpu.vector_store %arg11[%swap3A_713, %swap3A_714], %mul3A_712 {strides = array<i32>} : memref<128x128xf32, #tpu.memory_space<vmem>>, vector<16xf32>,
        %get3A_716 = arith.index_cast %add3A_708 : i32 to index
        %get3A_717 = arith.constant 16 : index
        %get3A_718 = tpu.vector_load %arg11[%get3A_716, %get3A_717] {strides = array<i32>} : memref<128x128xf32, #tpu.memory_space<vmem>>, vector<16xf32>,
        %mul3A_719 = arith.mulf %get3A_718, %gather3A_704 : vector<16xf32>
        %swap3A_720 = arith.index_cast %add3A_708 : i32 to index
        %swap3A_721 = arith.constant 16 : index
        %swap3A_722 = tpu.vector_load %arg11[%swap3A_720, %swap3A_721] {strides = array<i32>} : memref<128x128xf32, #tpu.memory_space<vmem>>, vector<16xf32>,
        tpu.vector_store %arg11[%swap3A_720, %swap3A_721], %mul3A_719 {strides = array<i32>} : memref<128x128xf32, #tpu.memory_space<vmem>>, vector<16xf32>,
        %get3A_723 = arith.index_cast %add3A_708 : i32 to index
        %get3A_724 = arith.constant 32 : index
        %get3A_725 = tpu.vector_load %arg11[%get3A_723, %get3A_724] {strides = array<i32>} : memref<128x128xf32, #tpu.memory_space<vmem>>, vector<16xf32>,
        %mul3A_726 = arith.mulf %get3A_725, %gather3A_704 : vector<16xf32>
        %swap3A_727 = arith.index_cast %add3A_708 : i32 to index
        %swap3A_728 = arith.constant 32 : index
        %swap3A_729 = tpu.vector_load %arg11[%swap3A_727, %swap3A_728] {strides = array<i32>} : memref<128x128xf32, #tpu.memory_space<vmem>>, vector<16xf32>,
        tpu.vector_store %arg11[%swap3A_727, %swap3A_728], %mul3A_726 {strides = array<i32>} : memref<128x128xf32, #tpu.memory_space<vmem>>, vector<16xf32>,
        %get3A_730 = arith.index_cast %add3A_708 : i32 to index
        %get3A_731 = arith.constant 48 : index
        %get3A_732 = tpu.vector_load %arg11[%get3A_730, %get3A_731] {strides = array<i32>} : memref<128x128xf32, #tpu.memory_space<vmem>>, vector<16xf32>,
        %mul3A_733 = arith.mulf %get3A_732, %gather3A_704 : vector<16xf32>
        %swap3A_734 = arith.index_cast %add3A_708 : i32 to index
        %swap3A_735 = arith.constant 48 : index
        %swap3A_736 = tpu.vector_load %arg11[%swap3A_734, %swap3A_735] {strides = array<i32>} : memref<128x128xf32, #tpu.memory_space<vmem>>, vector<16xf32>,
        tpu.vector_store %arg11[%swap3A_734, %swap3A_735], %mul3A_733 {strides = array<i32>} : memref<128x128xf32, #tpu.memory_space<vmem>>, vector<16xf32>,
        %get3A_737 = arith.index_cast %add3A_708 : i32 to index
        %get3A_738 = arith.constant 64 : index
        %get3A_739 = tpu.vector_load %arg11[%get3A_737, %get3A_738] {strides = array<i32>} : memref<128x128xf32, #tpu.memory_space<vmem>>, vector<16xf32>,
        %mul3A_740 = arith.mulf %get3A_739, %gather3A_704 : vector<16xf32>
        %swap3A_741 = arith.index_cast %add3A_708 : i32 to index
        %swap3A_742 = arith.constant 64 : index
        %swap3A_743 = tpu.vector_load %arg11[%swap3A_741, %swap3A_742] {strides = array<i32>} : memref<128x128xf32, #tpu.memory_space<vmem>>, vector<16xf32>,
        tpu.vector_store %arg11[%swap3A_741, %swap3A_742], %mul3A_740 {strides = array<i32>} : memref<128x128xf32, #tpu.memory_space<vmem>>, vector<16xf32>,
        %get3A_744 = arith.index_cast %add3A_708 : i32 to index
        %get3A_745 = arith.constant 80 : index
        %get3A_746 = tpu.vector_load %arg11[%get3A_744, %get3A_745] {strides = array<i32>} : memref<128x128xf32, #tpu.memory_space<vmem>>, vector<16xf32>,
        %mul3A_747 = arith.mulf %get3A_746, %gather3A_704 : vector<16xf32>
        %swap3A_748 = arith.index_cast %add3A_708 : i32 to index
        %swap3A_749 = arith.constant 80 : index
        %swap3A_750 = tpu.vector_load %arg11[%swap3A_748, %swap3A_749] {strides = array<i32>} : memref<128x128xf32, #tpu.memory_space<vmem>>, vector<16xf32>,
        tpu.vector_store %arg11[%swap3A_748, %swap3A_749], %mul3A_747 {strides = array<i32>} : memref<128x128xf32, #tpu.memory_space<vmem>>, vector<16xf32>,
        %get3A_751 = arith.index_cast %add3A_708 : i32 to index
        %get3A_752 = arith.constant 96 : index
        %get3A_753 = tpu.vector_load %arg11[%get3A_751, %get3A_752] {strides = array<i32>} : memref<128x128xf32, #tpu.memory_space<vmem>>, vector<16xf32>,
        %mul3A_754 = arith.mulf %get3A_753, %gather3A_704 : vector<16xf32>
        %swap3A_755 = arith.index_cast %add3A_708 : i32 to index
        %swap3A_756 = arith.constant 96 : index
        %swap3A_757 = tpu.vector_load %arg11[%swap3A_755, %swap3A_756] {strides = array<i32>} : memref<128x128xf32, #tpu.memory_space<vmem>>, vector<16xf32>,
        tpu.vector_store %arg11[%swap3A_755, %swap3A_756], %mul3A_754 {strides = array<i32>} : memref<128x128xf32, #tpu.memory_space<vmem>>, vector<16xf32>,
        %get3A_758 = arith.index_cast %add3A_708 : i32 to index
        %get3A_759 = arith.constant 112 : index
        %get3A_760 = tpu.vector_load %arg11[%get3A_758, %get3A_759] {strides = array<i32>} : memref<128x128xf32, #tpu.memory_space<vmem>>, vector<16xf32>,
        %mul3A_761 = arith.mulf %get3A_760, %gather3A_704 : vector<16xf32>
        %swap3A_762 = arith.index_cast %add3A_708 : i32 to index
        %swap3A_763 = arith.constant 112 : index
        %swap3A_764 = tpu.vector_load %arg11[%swap3A_762, %swap3A_763] {strides = array<i32>} : memref<128x128xf32, #tpu.memory_space<vmem>>, vector<16xf32>,
        tpu.vector_store %arg11[%swap3A_762, %swap3A_763], %mul3A_761 {strides = array<i32>} : memref<128x128xf32, #tpu.memory_space<vmem>>, vector<16xf32>,
        %scan3A_765 = arith.constant 0 : i32
        scf.yield %scan3A_765 : i32
      }
      %scan3A_435 = arith.constant 16 : i32
      %dma_start3A_436 = arith.constant 0 : i32
      %dma_start3A_437 = arith.constant 0 : i32
      %dma_start3A_438 = tpu.memref_slice %arg11[%dma_start3A_436, %dma_start3A_437] : memref<128x128xf32, #tpu.memory_space<vmem>> -> memref<64x128xf32, #tpu.memory_space<vmem>>
      %dma_start3A_439 = arith.constant 0 : i32
      %dma_start3A_440 = arith.constant 0 : i32
      %dma_start3A_441 = tpu.memref_slice %arg18[%dma_start3A_439, %dma_start3A_440] : memref<10112x128xf32, #tpu.memory_space<vmem_shared>> -> memref<10112x128xf32, #tpu.memory_space<vmem_shared>>
      tpu.enqueue_indirect_dma source(%dma_start3A_438 : memref<64x128xf32, #tpu.memory_space<vmem>>) target(%dma_start3A_441 : memref<10112x128xf32, #tpu.memory_space<vmem_shared>>) offsets(%arg12 : memref<64xi32, #tpu.memory_space<vmem>>) semaphore(%arg24 : memref<!tpu.dma_semaphore, #tpu.memory_space<semaphore_mem>>) {add = true}
      %dma_wait3A_442 = arith.constant 64 : i32
      %dma_wait3A_443 = arith.constant 0 : i32
      %dma_wait3A_444 = tpu.memref_slice %arg11[%dma_wait3A_442, %dma_wait3A_443] : memref<128x128xf32, #tpu.memory_space<vmem>> -> memref<64x128xf32, #tpu.memory_space<vmem>>
      %dma_wait3A_445 = arith.constant 0 : i32
      %dma_wait3A_446 = arith.constant 0 : i32
      %dma_wait3A_447 = tpu.memref_slice %arg2[%dma_wait3A_445, %dma_wait3A_446] : memref<20000x128xf32, #tpu.memory_space<hbm>> -> memref<64x128xf32, #tpu.memory_space<hbm>>
      %dma_wait3A_448 = arith.constant 64 : i32
      %dma_wait3A_449 = arith.constant 0 : i32
      %dma_wait3A_450 = tpu.memref_slice %arg11[%dma_wait3A_448, %dma_wait3A_449] : memref<128x128xf32, #tpu.memory_space<vmem>> -> memref<64x128xf32, #tpu.memory_space<vmem>>
      %dma_wait3A_451 = arith.constant 0 : i32
      %dma_wait3A_452 = arith.constant 0 : i32
      %dma_wait3A_453 = tpu.memref_slice %arg2[%dma_wait3A_451, %dma_wait3A_452] : memref<20000x128xf32, #tpu.memory_space<hbm>> -> memref<64x128xf32, #tpu.memory_space<hbm>>
      tpu.wait_dma2 semaphore(%arg23 : memref<!tpu.dma_semaphore, #tpu.memory_space<semaphore_mem>>) src(%dma_wait3A_453 : memref<64x128xf32, #tpu.memory_space<hbm>>) dst(%dma_wait3A_450 : memref<64x128xf32, #tpu.memory_space<vmem>>)
      %scan3A_454 = arith.constant 0 : i32
      %scan3A_455 = arith.constant 0 : i32
      %scan3A_456 = arith.constant 16 : i32
      %scan3A_457 = arith.addi %scan3A_455, %scan3A_456 : i32
      %scan3A_458 = arith.constant 1 : i32
      %scan3A_459 = scf.for %scan3A_486 = %scan3A_455 to %scan3A_457 step %scan3A_458 iter_args(%scan3A_487 = %scan3A_454) -> (i32)  : i32 {
        %mul3A_488 = arith.constant 4 : i32
        %mul3A_489 = arith.muli %scan3A_486, %mul3A_488 : i32
        %mul3A_490 = arith.constant 128 : i32
        %mul3A_491 = arith.muli %scan3A_351, %mul3A_490 : i32
        %add3A_492 = arith.constant 64 : i32
        %add3A_493 = arith.addi %mul3A_491, %add3A_492 : i32
        %add3A_494 = arith.addi %add3A_493, %mul3A_489 : i32
        %add3A_495 = arith.constant 0 : i32
        %add3A_496 = arith.addi %add3A_494, %add3A_495 : i32
        %broadcast_in_dim3A_497 = vector.broadcast %add3A_496 : i32 to vector<16xi32>
        %gather3A = tpu.vector_load_idx %arg10[%broadcast_in_dim3A_497] : memref<10240xf32, #tpu.memory_space<vmem>>[vector<16xi32>], vector<16xf32>,
        %add3A_498 = arith.constant 64 : i32
        %add3A_499 = arith.addi %add3A_498, %mul3A_489 : i32
        %add3A_500 = arith.constant 0 : i32
        %add3A_501 = arith.addi %add3A_499, %add3A_500 : i32
        %get3A_502 = arith.index_cast %add3A_501 : i32 to index
        %get3A_503 = arith.constant 0 : index
        %get3A_504 = tpu.vector_load %arg11[%get3A_502, %get3A_503] {strides = array<i32>} : memref<128x128xf32, #tpu.memory_space<vmem>>, vector<16xf32>,
        %mul3A_505 = arith.mulf %get3A_504, %gather3A : vector<16xf32>
        %swap3A_506 = arith.index_cast %add3A_501 : i32 to index
        %swap3A_507 = arith.constant 0 : index
        %swap3A_508 = tpu.vector_load %arg11[%swap3A_506, %swap3A_507] {strides = array<i32>} : memref<128x128xf32, #tpu.memory_space<vmem>>, vector<16xf32>,
        tpu.vector_store %arg11[%swap3A_506, %swap3A_507], %mul3A_505 {strides = array<i32>} : memref<128x128xf32, #tpu.memory_space<vmem>>, vector<16xf32>,
        %get3A_509 = arith.index_cast %add3A_501 : i32 to index
        %get3A_510 = arith.constant 16 : index
        %get3A_511 = tpu.vector_load %arg11[%get3A_509, %get3A_510] {strides = array<i32>} : memref<128x128xf32, #tpu.memory_space<vmem>>, vector<16xf32>,
        %mul3A_512 = arith.mulf %get3A_511, %gather3A : vector<16xf32>
        %swap3A_513 = arith.index_cast %add3A_501 : i32 to index
        %swap3A_514 = arith.constant 16 : index
        %swap3A_515 = tpu.vector_load %arg11[%swap3A_513, %swap3A_514] {strides = array<i32>} : memref<128x128xf32, #tpu.memory_space<vmem>>, vector<16xf32>,
        tpu.vector_store %arg11[%swap3A_513, %swap3A_514], %mul3A_512 {strides = array<i32>} : memref<128x128xf32, #tpu.memory_space<vmem>>, vector<16xf32>,
        %get3A_516 = arith.index_cast %add3A_501 : i32 to index
        %get3A_517 = arith.constant 32 : index
        %get3A_518 = tpu.vector_load %arg11[%get3A_516, %get3A_517] {strides = array<i32>} : memref<128x128xf32, #tpu.memory_space<vmem>>, vector<16xf32>,
        %mul3A_519 = arith.mulf %get3A_518, %gather3A : vector<16xf32>
        %swap3A_520 = arith.index_cast %add3A_501 : i32 to index
        %swap3A_521 = arith.constant 32 : index
        %swap3A_522 = tpu.vector_load %arg11[%swap3A_520, %swap3A_521] {strides = array<i32>} : memref<128x128xf32, #tpu.memory_space<vmem>>, vector<16xf32>,
        tpu.vector_store %arg11[%swap3A_520, %swap3A_521], %mul3A_519 {strides = array<i32>} : memref<128x128xf32, #tpu.memory_space<vmem>>, vector<16xf32>,
        %get3A_523 = arith.index_cast %add3A_501 : i32 to index
        %get3A_524 = arith.constant 48 : index
        %get3A_525 = tpu.vector_load %arg11[%get3A_523, %get3A_524] {strides = array<i32>} : memref<128x128xf32, #tpu.memory_space<vmem>>, vector<16xf32>,
        %mul3A_526 = arith.mulf %get3A_525, %gather3A : vector<16xf32>
        %swap3A_527 = arith.index_cast %add3A_501 : i32 to index
        %swap3A_528 = arith.constant 48 : index
        %swap3A_529 = tpu.vector_load %arg11[%swap3A_527, %swap3A_528] {strides = array<i32>} : memref<128x128xf32, #tpu.memory_space<vmem>>, vector<16xf32>,
        tpu.vector_store %arg11[%swap3A_527, %swap3A_528], %mul3A_526 {strides = array<i32>} : memref<128x128xf32, #tpu.memory_space<vmem>>, vector<16xf32>,
        %get3A_530 = arith.index_cast %add3A_501 : i32 to index
        %get3A_531 = arith.constant 64 : index
        %get3A_532 = tpu.vector_load %arg11[%get3A_530, %get3A_531] {strides = array<i32>} : memref<128x128xf32, #tpu.memory_space<vmem>>, vector<16xf32>,
        %mul3A_533 = arith.mulf %get3A_532, %gather3A : vector<16xf32>
        %swap3A_534 = arith.index_cast %add3A_501 : i32 to index
        %swap3A_535 = arith.constant 64 : index
        %swap3A_536 = tpu.vector_load %arg11[%swap3A_534, %swap3A_535] {strides = array<i32>} : memref<128x128xf32, #tpu.memory_space<vmem>>, vector<16xf32>,
        tpu.vector_store %arg11[%swap3A_534, %swap3A_535], %mul3A_533 {strides = array<i32>} : memref<128x128xf32, #tpu.memory_space<vmem>>, vector<16xf32>,
        %get3A_537 = arith.index_cast %add3A_501 : i32 to index
        %get3A_538 = arith.constant 80 : index
        %get3A_539 = tpu.vector_load %arg11[%get3A_537, %get3A_538] {strides = array<i32>} : memref<128x128xf32, #tpu.memory_space<vmem>>, vector<16xf32>,
        %mul3A_540 = arith.mulf %get3A_539, %gather3A : vector<16xf32>
        %swap3A_541 = arith.index_cast %add3A_501 : i32 to index
        %swap3A_542 = arith.constant 80 : index
        %swap3A_543 = tpu.vector_load %arg11[%swap3A_541, %swap3A_542] {strides = array<i32>} : memref<128x128xf32, #tpu.memory_space<vmem>>, vector<16xf32>,
        tpu.vector_store %arg11[%swap3A_541, %swap3A_542], %mul3A_540 {strides = array<i32>} : memref<128x128xf32, #tpu.memory_space<vmem>>, vector<16xf32>,
        %get3A_544 = arith.index_cast %add3A_501 : i32 to index
        %get3A_545 = arith.constant 96 : index
        %get3A_546 = tpu.vector_load %arg11[%get3A_544, %get3A_545] {strides = array<i32>} : memref<128x128xf32, #tpu.memory_space<vmem>>, vector<16xf32>,
        %mul3A_547 = arith.mulf %get3A_546, %gather3A : vector<16xf32>
        %swap3A_548 = arith.index_cast %add3A_501 : i32 to index
        %swap3A_549 = arith.constant 96 : index
        %swap3A_550 = tpu.vector_load %arg11[%swap3A_548, %swap3A_549] {strides = array<i32>} : memref<128x128xf32, #tpu.memory_space<vmem>>, vector<16xf32>,
        tpu.vector_store %arg11[%swap3A_548, %swap3A_549], %mul3A_547 {strides = array<i32>} : memref<128x128xf32, #tpu.memory_space<vmem>>, vector<16xf32>,
        %get3A_551 = arith.index_cast %add3A_501 : i32 to index
        %get3A_552 = arith.constant 112 : index
        %get3A_553 = tpu.vector_load %arg11[%get3A_551, %get3A_552] {strides = array<i32>} : memref<128x128xf32, #tpu.memory_space<vmem>>, vector<16xf32>,
        %mul3A_554 = arith.mulf %get3A_553, %gather3A : vector<16xf32>
        %swap3A_555 = arith.index_cast %add3A_501 : i32 to index
        %swap3A_556 = arith.constant 112 : index
        %swap3A_557 = tpu.vector_load %arg11[%swap3A_555, %swap3A_556] {strides = array<i32>} : memref<128x128xf32, #tpu.memory_space<vmem>>, vector<16xf32>,
        tpu.vector_store %arg11[%swap3A_555, %swap3A_556], %mul3A_554 {strides = array<i32>} : memref<128x128xf32, #tpu.memory_space<vmem>>, vector<16xf32>,
        %mul3A_558 = arith.constant 128 : i32
        %mul3A_559 = arith.muli %scan3A_351, %mul3A_558 : i32
        %add3A_560 = arith.constant 64 : i32
        %add3A_561 = arith.addi %mul3A_559, %add3A_560 : i32
        %add3A_562 = arith.addi %add3A_561, %mul3A_489 : i32
        %add3A_563 = arith.constant 1 : i32
        %add3A_564 = arith.addi %add3A_562, %add3A_563 : i32
        %broadcast_in_dim3A_565 = vector.broadcast %add3A_564 : i32 to vector<16xi32>
        %gather3A_566 = tpu.vector_load_idx %arg10[%broadcast_in_dim3A_565] : memref<10240xf32, #tpu.memory_space<vmem>>[vector<16xi32>], vector<16xf32>,
        %add3A_567 = arith.constant 64 : i32
        %add3A_568 = arith.addi %add3A_567, %mul3A_489 : i32
        %add3A_569 = arith.constant 1 : i32
        %add3A_570 = arith.addi %add3A_568, %add3A_569 : i32
        %get3A_571 = arith.index_cast %add3A_570 : i32 to index
        %get3A_572 = arith.constant 0 : index
        %get3A_573 = tpu.vector_load %arg11[%get3A_571, %get3A_572] {strides = array<i32>} : memref<128x128xf32, #tpu.memory_space<vmem>>, vector<16xf32>,
        %mul3A_574 = arith.mulf %get3A_573, %gather3A_566 : vector<16xf32>
        %swap3A_575 = arith.index_cast %add3A_570 : i32 to index
        %swap3A_576 = arith.constant 0 : index
        %swap3A_577 = tpu.vector_load %arg11[%swap3A_575, %swap3A_576] {strides = array<i32>} : memref<128x128xf32, #tpu.memory_space<vmem>>, vector<16xf32>,
        tpu.vector_store %arg11[%swap3A_575, %swap3A_576], %mul3A_574 {strides = array<i32>} : memref<128x128xf32, #tpu.memory_space<vmem>>, vector<16xf32>,
        %get3A_578 = arith.index_cast %add3A_570 : i32 to index
        %get3A_579 = arith.constant 16 : index
        %get3A_580 = tpu.vector_load %arg11[%get3A_578, %get3A_579] {strides = array<i32>} : memref<128x128xf32, #tpu.memory_space<vmem>>, vector<16xf32>,
        %mul3A_581 = arith.mulf %get3A_580, %gather3A_566 : vector<16xf32>
        %swap3A_582 = arith.index_cast %add3A_570 : i32 to index
        %swap3A_583 = arith.constant 16 : index
        %swap3A_584 = tpu.vector_load %arg11[%swap3A_582, %swap3A_583] {strides = array<i32>} : memref<128x128xf32, #tpu.memory_space<vmem>>, vector<16xf32>,
        tpu.vector_store %arg11[%swap3A_582, %swap3A_583], %mul3A_581 {strides = array<i32>} : memref<128x128xf32, #tpu.memory_space<vmem>>, vector<16xf32>,
        %get3A_585 = arith.index_cast %add3A_570 : i32 to index
        %get3A_586 = arith.constant 32 : index
        %get3A_587 = tpu.vector_load %arg11[%get3A_585, %get3A_586] {strides = array<i32>} : memref<128x128xf32, #tpu.memory_space<vmem>>, vector<16xf32>,
        %mul3A_588 = arith.mulf %get3A_587, %gather3A_566 : vector<16xf32>
        %swap3A_589 = arith.index_cast %add3A_570 : i32 to index
        %swap3A_590 = arith.constant 32 : index
        %swap3A_591 = tpu.vector_load %arg11[%swap3A_589, %swap3A_590] {strides = array<i32>} : memref<128x128xf32, #tpu.memory_space<vmem>>, vector<16xf32>,
        tpu.vector_store %arg11[%swap3A_589, %swap3A_590], %mul3A_588 {strides = array<i32>} : memref<128x128xf32, #tpu.memory_space<vmem>>, vector<16xf32>,
        %get3A_592 = arith.index_cast %add3A_570 : i32 to index
        %get3A_593 = arith.constant 48 : index
        %get3A_594 = tpu.vector_load %arg11[%get3A_592, %get3A_593] {strides = array<i32>} : memref<128x128xf32, #tpu.memory_space<vmem>>, vector<16xf32>,
        %mul3A_595 = arith.mulf %get3A_594, %gather3A_566 : vector<16xf32>
        %swap3A_596 = arith.index_cast %add3A_570 : i32 to index
        %swap3A_597 = arith.constant 48 : index
        %swap3A_598 = tpu.vector_load %arg11[%swap3A_596, %swap3A_597] {strides = array<i32>} : memref<128x128xf32, #tpu.memory_space<vmem>>, vector<16xf32>,
        tpu.vector_store %arg11[%swap3A_596, %swap3A_597], %mul3A_595 {strides = array<i32>} : memref<128x128xf32, #tpu.memory_space<vmem>>, vector<16xf32>,
        %get3A_599 = arith.index_cast %add3A_570 : i32 to index
        %get3A_600 = arith.constant 64 : index
        %get3A_601 = tpu.vector_load %arg11[%get3A_599, %get3A_600] {strides = array<i32>} : memref<128x128xf32, #tpu.memory_space<vmem>>, vector<16xf32>,
        %mul3A_602 = arith.mulf %get3A_601, %gather3A_566 : vector<16xf32>
        %swap3A_603 = arith.index_cast %add3A_570 : i32 to index
        %swap3A_604 = arith.constant 64 : index
        %swap3A_605 = tpu.vector_load %arg11[%swap3A_603, %swap3A_604] {strides = array<i32>} : memref<128x128xf32, #tpu.memory_space<vmem>>, vector<16xf32>,
        tpu.vector_store %arg11[%swap3A_603, %swap3A_604], %mul3A_602 {strides = array<i32>} : memref<128x128xf32, #tpu.memory_space<vmem>>, vector<16xf32>,
        %get3A_606 = arith.index_cast %add3A_570 : i32 to index
        %get3A_607 = arith.constant 80 : index
        %get3A_608 = tpu.vector_load %arg11[%get3A_606, %get3A_607] {strides = array<i32>} : memref<128x128xf32, #tpu.memory_space<vmem>>, vector<16xf32>,
        %mul3A_609 = arith.mulf %get3A_608, %gather3A_566 : vector<16xf32>
        %swap3A_610 = arith.index_cast %add3A_570 : i32 to index
        %swap3A_611 = arith.constant 80 : index
        %swap3A_612 = tpu.vector_load %arg11[%swap3A_610, %swap3A_611] {strides = array<i32>} : memref<128x128xf32, #tpu.memory_space<vmem>>, vector<16xf32>,
        tpu.vector_store %arg11[%swap3A_610, %swap3A_611], %mul3A_609 {strides = array<i32>} : memref<128x128xf32, #tpu.memory_space<vmem>>, vector<16xf32>,
        %get3A_613 = arith.index_cast %add3A_570 : i32 to index
        %get3A_614 = arith.constant 96 : index
        %get3A_615 = tpu.vector_load %arg11[%get3A_613, %get3A_614] {strides = array<i32>} : memref<128x128xf32, #tpu.memory_space<vmem>>, vector<16xf32>,
        %mul3A_616 = arith.mulf %get3A_615, %gather3A_566 : vector<16xf32>
        %swap3A_617 = arith.index_cast %add3A_570 : i32 to index
        %swap3A_618 = arith.constant 96 : index
        %swap3A_619 = tpu.vector_load %arg11[%swap3A_617, %swap3A_618] {strides = array<i32>} : memref<128x128xf32, #tpu.memory_space<vmem>>, vector<16xf32>,
        tpu.vector_store %arg11[%swap3A_617, %swap3A_618], %mul3A_616 {strides = array<i32>} : memref<128x128xf32, #tpu.memory_space<vmem>>, vector<16xf32>,
        %get3A_620 = arith.index_cast %add3A_570 : i32 to index
        %get3A_621 = arith.constant 112 : index
        %get3A_622 = tpu.vector_load %arg11[%get3A_620, %get3A_621] {strides = array<i32>} : memref<128x128xf32, #tpu.memory_space<vmem>>, vector<16xf32>,
        %mul3A_623 = arith.mulf %get3A_622, %gather3A_566 : vector<16xf32>
        %swap3A_624 = arith.index_cast %add3A_570 : i32 to index
        %swap3A_625 = arith.constant 112 : index
        %swap3A_626 = tpu.vector_load %arg11[%swap3A_624, %swap3A_625] {strides = array<i32>} : memref<128x128xf32, #tpu.memory_space<vmem>>, vector<16xf32>,
        tpu.vector_store %arg11[%swap3A_624, %swap3A_625], %mul3A_623 {strides = array<i32>} : memref<128x128xf32, #tpu.memory_space<vmem>>, vector<16xf32>,
        %mul3A_627 = arith.constant 128 : i32
        %mul3A_628 = arith.muli %scan3A_351, %mul3A_627 : i32
        %add3A_629 = arith.constant 64 : i32
        %add3A_630 = arith.addi %mul3A_628, %add3A_629 : i32
        %add3A_631 = arith.addi %add3A_630, %mul3A_489 : i32
        %add3A_632 = arith.constant 2 : i32
        %add3A_633 = arith.addi %add3A_631, %add3A_632 : i32
        %broadcast_in_dim3A_634 = vector.broadcast %add3A_633 : i32 to vector<16xi32>
        %gather3A_635 = tpu.vector_load_idx %arg10[%broadcast_in_dim3A_634] : memref<10240xf32, #tpu.memory_space<vmem>>[vector<16xi32>], vector<16xf32>,
        %add3A_636 = arith.constant 64 : i32
        %add3A_637 = arith.addi %add3A_636, %mul3A_489 : i32
        %add3A_638 = arith.constant 2 : i32
        %add3A_639 = arith.addi %add3A_637, %add3A_638 : i32
        %get3A_640 = arith.index_cast %add3A_639 : i32 to index
        %get3A_641 = arith.constant 0 : index
        %get3A_642 = tpu.vector_load %arg11[%get3A_640, %get3A_641] {strides = array<i32>} : memref<128x128xf32, #tpu.memory_space<vmem>>, vector<16xf32>,
        %mul3A_643 = arith.mulf %get3A_642, %gather3A_635 : vector<16xf32>
        %swap3A_644 = arith.index_cast %add3A_639 : i32 to index
        %swap3A_645 = arith.constant 0 : index
        %swap3A_646 = tpu.vector_load %arg11[%swap3A_644, %swap3A_645] {strides = array<i32>} : memref<128x128xf32, #tpu.memory_space<vmem>>, vector<16xf32>,
        tpu.vector_store %arg11[%swap3A_644, %swap3A_645], %mul3A_643 {strides = array<i32>} : memref<128x128xf32, #tpu.memory_space<vmem>>, vector<16xf32>,
        %get3A_647 = arith.index_cast %add3A_639 : i32 to index
        %get3A_648 = arith.constant 16 : index
        %get3A_649 = tpu.vector_load %arg11[%get3A_647, %get3A_648] {strides = array<i32>} : memref<128x128xf32, #tpu.memory_space<vmem>>, vector<16xf32>,
        %mul3A_650 = arith.mulf %get3A_649, %gather3A_635 : vector<16xf32>
        %swap3A_651 = arith.index_cast %add3A_639 : i32 to index
        %swap3A_652 = arith.constant 16 : index
        %swap3A_653 = tpu.vector_load %arg11[%swap3A_651, %swap3A_652] {strides = array<i32>} : memref<128x128xf32, #tpu.memory_space<vmem>>, vector<16xf32>,
        tpu.vector_store %arg11[%swap3A_651, %swap3A_652], %mul3A_650 {strides = array<i32>} : memref<128x128xf32, #tpu.memory_space<vmem>>, vector<16xf32>,
        %get3A_654 = arith.index_cast %add3A_639 : i32 to index
        %get3A_655 = arith.constant 32 : index
        %get3A_656 = tpu.vector_load %arg11[%get3A_654, %get3A_655] {strides = array<i32>} : memref<128x128xf32, #tpu.memory_space<vmem>>, vector<16xf32>,
        %mul3A_657 = arith.mulf %get3A_656, %gather3A_635 : vector<16xf32>
        %swap3A_658 = arith.index_cast %add3A_639 : i32 to index
        %swap3A_659 = arith.constant 32 : index
        %swap3A_660 = tpu.vector_load %arg11[%swap3A_658, %swap3A_659] {strides = array<i32>} : memref<128x128xf32, #tpu.memory_space<vmem>>, vector<16xf32>,
        tpu.vector_store %arg11[%swap3A_658, %swap3A_659], %mul3A_657 {strides = array<i32>} : memref<128x128xf32, #tpu.memory_space<vmem>>, vector<16xf32>,
        %get3A_661 = arith.index_cast %add3A_639 : i32 to index
        %get3A_662 = arith.constant 48 : index
        %get3A_663 = tpu.vector_load %arg11[%get3A_661, %get3A_662] {strides = array<i32>} : memref<128x128xf32, #tpu.memory_space<vmem>>, vector<16xf32>,
        %mul3A_664 = arith.mulf %get3A_663, %gather3A_635 : vector<16xf32>
        %swap3A_665 = arith.index_cast %add3A_639 : i32 to index
        %swap3A_666 = arith.constant 48 : index
        %swap3A_667 = tpu.vector_load %arg11[%swap3A_665, %swap3A_666] {strides = array<i32>} : memref<128x128xf32, #tpu.memory_space<vmem>>, vector<16xf32>,
        tpu.vector_store %arg11[%swap3A_665, %swap3A_666], %mul3A_664 {strides = array<i32>} : memref<128x128xf32, #tpu.memory_space<vmem>>, vector<16xf32>,
        %get3A_668 = arith.index_cast %add3A_639 : i32 to index
        %get3A_669 = arith.constant 64 : index
        %get3A_670 = tpu.vector_load %arg11[%get3A_668, %get3A_669] {strides = array<i32>} : memref<128x128xf32, #tpu.memory_space<vmem>>, vector<16xf32>,
        %mul3A_671 = arith.mulf %get3A_670, %gather3A_635 : vector<16xf32>
        %swap3A_672 = arith.index_cast %add3A_639 : i32 to index
        %swap3A_673 = arith.constant 64 : index
        %swap3A_674 = tpu.vector_load %arg11[%swap3A_672, %swap3A_673] {strides = array<i32>} : memref<128x128xf32, #tpu.memory_space<vmem>>, vector<16xf32>,
        tpu.vector_store %arg11[%swap3A_672, %swap3A_673], %mul3A_671 {strides = array<i32>} : memref<128x128xf32, #tpu.memory_space<vmem>>, vector<16xf32>,
        %get3A_675 = arith.index_cast %add3A_639 : i32 to index
        %get3A_676 = arith.constant 80 : index
        %get3A_677 = tpu.vector_load %arg11[%get3A_675, %get3A_676] {strides = array<i32>} : memref<128x128xf32, #tpu.memory_space<vmem>>, vector<16xf32>,
        %mul3A_678 = arith.mulf %get3A_677, %gather3A_635 : vector<16xf32>
        %swap3A_679 = arith.index_cast %add3A_639 : i32 to index
        %swap3A_680 = arith.constant 80 : index
        %swap3A_681 = tpu.vector_load %arg11[%swap3A_679, %swap3A_680] {strides = array<i32>} : memref<128x128xf32, #tpu.memory_space<vmem>>, vector<16xf32>,
        tpu.vector_store %arg11[%swap3A_679, %swap3A_680], %mul3A_678 {strides = array<i32>} : memref<128x128xf32, #tpu.memory_space<vmem>>, vector<16xf32>,
        %get3A_682 = arith.index_cast %add3A_639 : i32 to index
        %get3A_683 = arith.constant 96 : index
        %get3A_684 = tpu.vector_load %arg11[%get3A_682, %get3A_683] {strides = array<i32>} : memref<128x128xf32, #tpu.memory_space<vmem>>, vector<16xf32>,
        %mul3A_685 = arith.mulf %get3A_684, %gather3A_635 : vector<16xf32>
        %swap3A_686 = arith.index_cast %add3A_639 : i32 to index
        %swap3A_687 = arith.constant 96 : index
        %swap3A_688 = tpu.vector_load %arg11[%swap3A_686, %swap3A_687] {strides = array<i32>} : memref<128x128xf32, #tpu.memory_space<vmem>>, vector<16xf32>,
        tpu.vector_store %arg11[%swap3A_686, %swap3A_687], %mul3A_685 {strides = array<i32>} : memref<128x128xf32, #tpu.memory_space<vmem>>, vector<16xf32>,
        %get3A_689 = arith.index_cast %add3A_639 : i32 to index
        %get3A_690 = arith.constant 112 : index
        %get3A_691 = tpu.vector_load %arg11[%get3A_689, %get3A_690] {strides = array<i32>} : memref<128x128xf32, #tpu.memory_space<vmem>>, vector<16xf32>,
        %mul3A_692 = arith.mulf %get3A_691, %gather3A_635 : vector<16xf32>
        %swap3A_693 = arith.index_cast %add3A_639 : i32 to index
        %swap3A_694 = arith.constant 112 : index
        %swap3A_695 = tpu.vector_load %arg11[%swap3A_693, %swap3A_694] {strides = array<i32>} : memref<128x128xf32, #tpu.memory_space<vmem>>, vector<16xf32>,
        tpu.vector_store %arg11[%swap3A_693, %swap3A_694], %mul3A_692 {strides = array<i32>} : memref<128x128xf32, #tpu.memory_space<vmem>>, vector<16xf32>,
        %mul3A_696 = arith.constant 128 : i32
        %mul3A_697 = arith.muli %scan3A_351, %mul3A_696 : i32
        %add3A_698 = arith.constant 64 : i32
        %add3A_699 = arith.addi %mul3A_697, %add3A_698 : i32
        %add3A_700 = arith.addi %add3A_699, %mul3A_489 : i32
        %add3A_701 = arith.constant 3 : i32
        %add3A_702 = arith.addi %add3A_700, %add3A_701 : i32
        %broadcast_in_dim3A_703 = vector.broadcast %add3A_702 : i32 to vector<16xi32>
        %gather3A_704 = tpu.vector_load_idx %arg10[%broadcast_in_dim3A_703] : memref<10240xf32, #tpu.memory_space<vmem>>[vector<16xi32>], vector<16xf32>,
        %add3A_705 = arith.constant 64 : i32
        %add3A_706 = arith.addi %add3A_705, %mul3A_489 : i32
        %add3A_707 = arith.constant 3 : i32
        %add3A_708 = arith.addi %add3A_706, %add3A_707 : i32
        %get3A_709 = arith.index_cast %add3A_708 : i32 to index
        %get3A_710 = arith.constant 0 : index
        %get3A_711 = tpu.vector_load %arg11[%get3A_709, %get3A_710] {strides = array<i32>} : memref<128x128xf32, #tpu.memory_space<vmem>>, vector<16xf32>,
        %mul3A_712 = arith.mulf %get3A_711, %gather3A_704 : vector<16xf32>
        %swap3A_713 = arith.index_cast %add3A_708 : i32 to index
        %swap3A_714 = arith.constant 0 : index
        %swap3A_715 = tpu.vector_load %arg11[%swap3A_713, %swap3A_714] {strides = array<i32>} : memref<128x128xf32, #tpu.memory_space<vmem>>, vector<16xf32>,
        tpu.vector_store %arg11[%swap3A_713, %swap3A_714], %mul3A_712 {strides = array<i32>} : memref<128x128xf32, #tpu.memory_space<vmem>>, vector<16xf32>,
        %get3A_716 = arith.index_cast %add3A_708 : i32 to index
        %get3A_717 = arith.constant 16 : index
        %get3A_718 = tpu.vector_load %arg11[%get3A_716, %get3A_717] {strides = array<i32>} : memref<128x128xf32, #tpu.memory_space<vmem>>, vector<16xf32>,
        %mul3A_719 = arith.mulf %get3A_718, %gather3A_704 : vector<16xf32>
        %swap3A_720 = arith.index_cast %add3A_708 : i32 to index
        %swap3A_721 = arith.constant 16 : index
        %swap3A_722 = tpu.vector_load %arg11[%swap3A_720, %swap3A_721] {strides = array<i32>} : memref<128x128xf32, #tpu.memory_space<vmem>>, vector<16xf32>,
        tpu.vector_store %arg11[%swap3A_720, %swap3A_721], %mul3A_719 {strides = array<i32>} : memref<128x128xf32, #tpu.memory_space<vmem>>, vector<16xf32>,
        %get3A_723 = arith.index_cast %add3A_708 : i32 to index
        %get3A_724 = arith.constant 32 : index
        %get3A_725 = tpu.vector_load %arg11[%get3A_723, %get3A_724] {strides = array<i32>} : memref<128x128xf32, #tpu.memory_space<vmem>>, vector<16xf32>,
        %mul3A_726 = arith.mulf %get3A_725, %gather3A_704 : vector<16xf32>
        %swap3A_727 = arith.index_cast %add3A_708 : i32 to index
        %swap3A_728 = arith.constant 32 : index
        %swap3A_729 = tpu.vector_load %arg11[%swap3A_727, %swap3A_728] {strides = array<i32>} : memref<128x128xf32, #tpu.memory_space<vmem>>, vector<16xf32>,
        tpu.vector_store %arg11[%swap3A_727, %swap3A_728], %mul3A_726 {strides = array<i32>} : memref<128x128xf32, #tpu.memory_space<vmem>>, vector<16xf32>,
        %get3A_730 = arith.index_cast %add3A_708 : i32 to index
        %get3A_731 = arith.constant 48 : index
        %get3A_732 = tpu.vector_load %arg11[%get3A_730, %get3A_731] {strides = array<i32>} : memref<128x128xf32, #tpu.memory_space<vmem>>, vector<16xf32>,
        %mul3A_733 = arith.mulf %get3A_732, %gather3A_704 : vector<16xf32>
        %swap3A_734 = arith.index_cast %add3A_708 : i32 to index
        %swap3A_735 = arith.constant 48 : index
        %swap3A_736 = tpu.vector_load %arg11[%swap3A_734, %swap3A_735] {strides = array<i32>} : memref<128x128xf32, #tpu.memory_space<vmem>>, vector<16xf32>,
        tpu.vector_store %arg11[%swap3A_734, %swap3A_735], %mul3A_733 {strides = array<i32>} : memref<128x128xf32, #tpu.memory_space<vmem>>, vector<16xf32>,
        %get3A_737 = arith.index_cast %add3A_708 : i32 to index
        %get3A_738 = arith.constant 64 : index
        %get3A_739 = tpu.vector_load %arg11[%get3A_737, %get3A_738] {strides = array<i32>} : memref<128x128xf32, #tpu.memory_space<vmem>>, vector<16xf32>,
        %mul3A_740 = arith.mulf %get3A_739, %gather3A_704 : vector<16xf32>
        %swap3A_741 = arith.index_cast %add3A_708 : i32 to index
        %swap3A_742 = arith.constant 64 : index
        %swap3A_743 = tpu.vector_load %arg11[%swap3A_741, %swap3A_742] {strides = array<i32>} : memref<128x128xf32, #tpu.memory_space<vmem>>, vector<16xf32>,
        tpu.vector_store %arg11[%swap3A_741, %swap3A_742], %mul3A_740 {strides = array<i32>} : memref<128x128xf32, #tpu.memory_space<vmem>>, vector<16xf32>,
        %get3A_744 = arith.index_cast %add3A_708 : i32 to index
        %get3A_745 = arith.constant 80 : index
        %get3A_746 = tpu.vector_load %arg11[%get3A_744, %get3A_745] {strides = array<i32>} : memref<128x128xf32, #tpu.memory_space<vmem>>, vector<16xf32>,
        %mul3A_747 = arith.mulf %get3A_746, %gather3A_704 : vector<16xf32>
        %swap3A_748 = arith.index_cast %add3A_708 : i32 to index
        %swap3A_749 = arith.constant 80 : index
        %swap3A_750 = tpu.vector_load %arg11[%swap3A_748, %swap3A_749] {strides = array<i32>} : memref<128x128xf32, #tpu.memory_space<vmem>>, vector<16xf32>,
        tpu.vector_store %arg11[%swap3A_748, %swap3A_749], %mul3A_747 {strides = array<i32>} : memref<128x128xf32, #tpu.memory_space<vmem>>, vector<16xf32>,
        %get3A_751 = arith.index_cast %add3A_708 : i32 to index
        %get3A_752 = arith.constant 96 : index
        %get3A_753 = tpu.vector_load %arg11[%get3A_751, %get3A_752] {strides = array<i32>} : memref<128x128xf32, #tpu.memory_space<vmem>>, vector<16xf32>,
        %mul3A_754 = arith.mulf %get3A_753, %gather3A_704 : vector<16xf32>
        %swap3A_755 = arith.index_cast %add3A_708 : i32 to index
        %swap3A_756 = arith.constant 96 : index
        %swap3A_757 = tpu.vector_load %arg11[%swap3A_755, %swap3A_756] {strides = array<i32>} : memref<128x128xf32, #tpu.memory_space<vmem>>, vector<16xf32>,
        tpu.vector_store %arg11[%swap3A_755, %swap3A_756], %mul3A_754 {strides = array<i32>} : memref<128x128xf32, #tpu.memory_space<vmem>>, vector<16xf32>,
        %get3A_758 = arith.index_cast %add3A_708 : i32 to index
        %get3A_759 = arith.constant 112 : index
        %get3A_760 = tpu.vector_load %arg11[%get3A_758, %get3A_759] {strides = array<i32>} : memref<128x128xf32, #tpu.memory_space<vmem>>, vector<16xf32>,
        %mul3A_761 = arith.mulf %get3A_760, %gather3A_704 : vector<16xf32>
        %swap3A_762 = arith.index_cast %add3A_708 : i32 to index
        %swap3A_763 = arith.constant 112 : index
        %swap3A_764 = tpu.vector_load %arg11[%swap3A_762, %swap3A_763] {strides = array<i32>} : memref<128x128xf32, #tpu.memory_space<vmem>>, vector<16xf32>,
        tpu.vector_store %arg11[%swap3A_762, %swap3A_763], %mul3A_761 {strides = array<i32>} : memref<128x128xf32, #tpu.memory_space<vmem>>, vector<16xf32>,
        %scan3A_765 = arith.constant 0 : i32
        scf.yield %scan3A_765 : i32
      }
      %scan3A_460 = arith.constant 16 : i32
      %dma_start3A_461 = arith.constant 64 : i32
      %dma_start3A_462 = arith.constant 0 : i32
      %dma_start3A_463 = tpu.memref_slice %arg11[%dma_start3A_461, %dma_start3A_462] : memref<128x128xf32, #tpu.memory_space<vmem>> -> memref<64x128xf32, #tpu.memory_space<vmem>>
      %dma_start3A_464 = arith.constant 0 : i32
      %dma_start3A_465 = arith.constant 0 : i32
      %dma_start3A_466 = tpu.memref_slice %arg18[%dma_start3A_464, %dma_start3A_465] : memref<10112x128xf32, #tpu.memory_space<vmem_shared>> -> memref<10112x128xf32, #tpu.memory_space<vmem_shared>>
      tpu.enqueue_indirect_dma source(%dma_start3A_463 : memref<64x128xf32, #tpu.memory_space<vmem>>) target(%dma_start3A_466 : memref<10112x128xf32, #tpu.memory_space<vmem_shared>>) offsets(%arg13 : memref<64xi32, #tpu.memory_space<vmem>>) semaphore(%arg25 : memref<!tpu.dma_semaphore, #tpu.memory_space<semaphore_mem>>) {add = true}
      %dma_wait3A_467 = arith.constant 0 : i32
      %dma_wait3A_468 = arith.constant 0 : i32
      %dma_wait3A_469 = tpu.memref_slice %arg11[%dma_wait3A_467, %dma_wait3A_468] : memref<128x128xf32, #tpu.memory_space<vmem>> -> memref<64x128xf32, #tpu.memory_space<vmem>>
      %dma_wait3A_470 = arith.constant 0 : i32
      %dma_wait3A_471 = arith.constant 0 : i32
      %dma_wait3A_472 = tpu.memref_slice %arg2[%dma_wait3A_470, %dma_wait3A_471] : memref<20000x128xf32, #tpu.memory_space<hbm>> -> memref<64x128xf32, #tpu.memory_space<hbm>>
      %dma_wait3A_473 = arith.constant 0 : i32
      %dma_wait3A_474 = arith.constant 0 : i32
      %dma_wait3A_475 = tpu.memref_slice %arg11[%dma_wait3A_473, %dma_wait3A_474] : memref<128x128xf32, #tpu.memory_space<vmem>> -> memref<64x128xf32, #tpu.memory_space<vmem>>
      %dma_wait3A_476 = arith.constant 0 : i32
      %dma_wait3A_477 = arith.constant 0 : i32
      %dma_wait3A_478 = tpu.memref_slice %arg2[%dma_wait3A_476, %dma_wait3A_477] : memref<20000x128xf32, #tpu.memory_space<hbm>> -> memref<64x128xf32, #tpu.memory_space<hbm>>
      tpu.wait_dma2 semaphore(%arg24 : memref<!tpu.dma_semaphore, #tpu.memory_space<semaphore_mem>>) src(%dma_wait3A_478 : memref<64x128xf32, #tpu.memory_space<hbm>>) dst(%dma_wait3A_475 : memref<64x128xf32, #tpu.memory_space<vmem>>)
      %add3A_479 = arith.constant 1 : i32
      %add3A_480 = arith.addi %scan3A_351, %add3A_479 : i32
      %lt3A = arith.constant 80 : i32
      %lt3A_481 = arith.cmpi slt, %add3A_480, %lt3A : i32
      %convert_element_type3A_482 = arith.extui %lt3A_481 : i1 to i32
      %cond3A_483 = arith.constant 0 : i32
      %cond3A_484 = arith.cmpi ne, %convert_element_type3A_482, %cond3A_483 : i32
      scf.if %cond3A_484 {
        %add3A_486 = arith.constant 1 : i32
        %add3A_487 = arith.addi %scan3A_351, %add3A_486 : i32
        %mul3A_488 = arith.constant 128 : i32
        %mul3A_489 = arith.muli %add3A_487, %mul3A_488 : i32
        %add3A_490 = arith.constant 0 : i32
        %add3A_491 = arith.addi %mul3A_489, %add3A_490 : i32
        %add3A_492 = arith.constant 0 : i32
        %add3A_493 = arith.addi %add3A_491, %add3A_492 : i32
        %get3A_494 = arith.index_cast %add3A_493 : i32 to index
        %get3A_495 = tpu.vector_load %arg8[%get3A_494] {strides = array<i32>} : memref<10240xi32, #tpu.memory_space<vmem>>, vector<16xi32>,
        %swap3A_496 = arith.constant 0 : index
        %swap3A_497 = tpu.vector_load %arg12[%swap3A_496] {strides = array<i32>} : memref<64xi32, #tpu.memory_space<vmem>>, vector<16xi32>,
        tpu.vector_store %arg12[%swap3A_496], %get3A_495 {strides = array<i32>} : memref<64xi32, #tpu.memory_space<vmem>>, vector<16xi32>,
        %get3A_498 = arith.index_cast %add3A_493 : i32 to index
        %get3A_499 = tpu.vector_load %arg9[%get3A_498] {strides = array<i32>} : memref<10240xi32, #tpu.memory_space<vmem>>, vector<16xi32>,
        %swap3A_500 = arith.constant 0 : index
        %swap3A_501 = tpu.vector_load %arg14[%swap3A_500] {strides = array<i32>} : memref<64xi32, #tpu.memory_space<vmem>>, vector<16xi32>,
        tpu.vector_store %arg14[%swap3A_500], %get3A_499 {strides = array<i32>} : memref<64xi32, #tpu.memory_space<vmem>>, vector<16xi32>,
        %mul3A_502 = arith.constant 128 : i32
        %mul3A_503 = arith.muli %add3A_487, %mul3A_502 : i32
        %add3A_504 = arith.constant 0 : i32
        %add3A_505 = arith.addi %mul3A_503, %add3A_504 : i32
        %add3A_506 = arith.constant 16 : i32
        %add3A_507 = arith.addi %add3A_505, %add3A_506 : i32
        %get3A_508 = arith.index_cast %add3A_507 : i32 to index
        %get3A_509 = tpu.vector_load %arg8[%get3A_508] {strides = array<i32>} : memref<10240xi32, #tpu.memory_space<vmem>>, vector<16xi32>,
        %swap3A_510 = arith.constant 16 : index
        %swap3A_511 = tpu.vector_load %arg12[%swap3A_510] {strides = array<i32>} : memref<64xi32, #tpu.memory_space<vmem>>, vector<16xi32>,
        tpu.vector_store %arg12[%swap3A_510], %get3A_509 {strides = array<i32>} : memref<64xi32, #tpu.memory_space<vmem>>, vector<16xi32>,
        %get3A_512 = arith.index_cast %add3A_507 : i32 to index
        %get3A_513 = tpu.vector_load %arg9[%get3A_512] {strides = array<i32>} : memref<10240xi32, #tpu.memory_space<vmem>>, vector<16xi32>,
        %swap3A_514 = arith.constant 16 : index
        %swap3A_515 = tpu.vector_load %arg14[%swap3A_514] {strides = array<i32>} : memref<64xi32, #tpu.memory_space<vmem>>, vector<16xi32>,
        tpu.vector_store %arg14[%swap3A_514], %get3A_513 {strides = array<i32>} : memref<64xi32, #tpu.memory_space<vmem>>, vector<16xi32>,
        %mul3A_516 = arith.constant 128 : i32
        %mul3A_517 = arith.muli %add3A_487, %mul3A_516 : i32
        %add3A_518 = arith.constant 0 : i32
        %add3A_519 = arith.addi %mul3A_517, %add3A_518 : i32
        %add3A_520 = arith.constant 32 : i32
        %add3A_521 = arith.addi %add3A_519, %add3A_520 : i32
        %get3A_522 = arith.index_cast %add3A_521 : i32 to index
        %get3A_523 = tpu.vector_load %arg8[%get3A_522] {strides = array<i32>} : memref<10240xi32, #tpu.memory_space<vmem>>, vector<16xi32>,
        %swap3A_524 = arith.constant 32 : index
        %swap3A_525 = tpu.vector_load %arg12[%swap3A_524] {strides = array<i32>} : memref<64xi32, #tpu.memory_space<vmem>>, vector<16xi32>,
        tpu.vector_store %arg12[%swap3A_524], %get3A_523 {strides = array<i32>} : memref<64xi32, #tpu.memory_space<vmem>>, vector<16xi32>,
        %get3A_526 = arith.index_cast %add3A_521 : i32 to index
        %get3A_527 = tpu.vector_load %arg9[%get3A_526] {strides = array<i32>} : memref<10240xi32, #tpu.memory_space<vmem>>, vector<16xi32>,
        %swap3A_528 = arith.constant 32 : index
        %swap3A_529 = tpu.vector_load %arg14[%swap3A_528] {strides = array<i32>} : memref<64xi32, #tpu.memory_space<vmem>>, vector<16xi32>,
        tpu.vector_store %arg14[%swap3A_528], %get3A_527 {strides = array<i32>} : memref<64xi32, #tpu.memory_space<vmem>>, vector<16xi32>,
        %mul3A_530 = arith.constant 128 : i32
        %mul3A_531 = arith.muli %add3A_487, %mul3A_530 : i32
        %add3A_532 = arith.constant 0 : i32
        %add3A_533 = arith.addi %mul3A_531, %add3A_532 : i32
        %add3A_534 = arith.constant 48 : i32
        %add3A_535 = arith.addi %add3A_533, %add3A_534 : i32
        %get3A_536 = arith.index_cast %add3A_535 : i32 to index
        %get3A_537 = tpu.vector_load %arg8[%get3A_536] {strides = array<i32>} : memref<10240xi32, #tpu.memory_space<vmem>>, vector<16xi32>,
        %swap3A_538 = arith.constant 48 : index
        %swap3A_539 = tpu.vector_load %arg12[%swap3A_538] {strides = array<i32>} : memref<64xi32, #tpu.memory_space<vmem>>, vector<16xi32>,
        tpu.vector_store %arg12[%swap3A_538], %get3A_537 {strides = array<i32>} : memref<64xi32, #tpu.memory_space<vmem>>, vector<16xi32>,
        %get3A_540 = arith.index_cast %add3A_535 : i32 to index
        %get3A_541 = tpu.vector_load %arg9[%get3A_540] {strides = array<i32>} : memref<10240xi32, #tpu.memory_space<vmem>>, vector<16xi32>,
        %swap3A_542 = arith.constant 48 : index
        %swap3A_543 = tpu.vector_load %arg14[%swap3A_542] {strides = array<i32>} : memref<64xi32, #tpu.memory_space<vmem>>, vector<16xi32>,
        tpu.vector_store %arg14[%swap3A_542], %get3A_541 {strides = array<i32>} : memref<64xi32, #tpu.memory_space<vmem>>, vector<16xi32>,
        %dma_start3A_544 = arith.constant 0 : i32
        %dma_start3A_545 = arith.constant 0 : i32
        %dma_start3A_546 = tpu.memref_slice %arg11[%dma_start3A_544, %dma_start3A_545] : memref<128x128xf32, #tpu.memory_space<vmem>> -> memref<64x128xf32, #tpu.memory_space<vmem>>
        %dma_start3A_547 = arith.constant 0 : i32
        %dma_start3A_548 = arith.constant 0 : i32
        %dma_start3A_549 = tpu.memref_slice %arg2[%dma_start3A_547, %dma_start3A_548] : memref<20000x128xf32, #tpu.memory_space<hbm>> -> memref<20000x128xf32, #tpu.memory_space<hbm>>
        tpu.enqueue_indirect_dma source(%dma_start3A_549 : memref<20000x128xf32, #tpu.memory_space<hbm>>) target(%dma_start3A_546 : memref<64x128xf32, #tpu.memory_space<vmem>>) offsets(%arg14 : memref<64xi32, #tpu.memory_space<vmem>>) semaphore(%arg22 : memref<!tpu.dma_semaphore, #tpu.memory_space<semaphore_mem>>)
      } else {
      }
      %scan3A_485 = arith.constant 0 : i32
      scf.yield %scan3A_485 : i32
    }
    %scan3A_335 = arith.constant 80 : i32
    %dma_wait3A = arith.constant 0 : i32
    %dma_wait3A_336 = arith.constant 0 : i32
    %dma_wait3A_337 = tpu.memref_slice %arg11[%dma_wait3A, %dma_wait3A_336] : memref<128x128xf32, #tpu.memory_space<vmem>> -> memref<64x128xf32, #tpu.memory_space<vmem>>
    %dma_wait3A_338 = arith.constant 0 : i32
    %dma_wait3A_339 = arith.constant 0 : i32
    %dma_wait3A_340 = tpu.memref_slice %arg2[%dma_wait3A_338, %dma_wait3A_339] : memref<20000x128xf32, #tpu.memory_space<hbm>> -> memref<64x128xf32, #tpu.memory_space<hbm>>
    %dma_wait3A_341 = arith.constant 0 : i32
    %dma_wait3A_342 = arith.constant 0 : i32
    %dma_wait3A_343 = tpu.memref_slice %arg11[%dma_wait3A_341, %dma_wait3A_342] : memref<128x128xf32, #tpu.memory_space<vmem>> -> memref<64x128xf32, #tpu.memory_space<vmem>>
    %dma_wait3A_344 = arith.constant 0 : i32
    %dma_wait3A_345 = arith.constant 0 : i32
    %dma_wait3A_346 = tpu.memref_slice %arg2[%dma_wait3A_344, %dma_wait3A_345] : memref<20000x128xf32, #tpu.memory_space<hbm>> -> memref<64x128xf32, #tpu.memory_space<hbm>>
    tpu.wait_dma2 semaphore(%arg25 : memref<!tpu.dma_semaphore, #tpu.memory_space<semaphore_mem>>) src(%dma_wait3A_346 : memref<64x128xf32, #tpu.memory_space<hbm>>) dst(%dma_wait3A_343 : memref<64x128xf32, #tpu.memory_space<vmem>>)
    %barrier3A_347 = arith.constant 0 : index
    tpu.barrier barrier_id(%barrier3A_347)
    %min3A = arith.constant 9368 : i32
    %min3A_348 = arith.minsi %mul3A_130, %min3A : i32
    %mul3A_349 = arith.constant 128 : i32
    %mul3A_350 = arith.muli %arg0, %mul3A_349 : i32
    "tpu.region"() ({
      %run_scoped3A = tpu.sem_alloc : memref<!tpu.dma_semaphore, #tpu.memory_space<semaphore_mem>>
      %dma_start3A_351 = tpu.memref_slice %arg7[%min3A_348, %mul3A_350] : memref<10000x256xf32, #tpu.memory_space<hbm>> -> memref<632x128xf32, #tpu.memory_space<hbm>>
      %dma_start3A_352 = arith.constant 0 : i32
      %dma_start3A_353 = tpu.memref_slice %arg18[%min3A_348, %dma_start3A_352] : memref<10112x128xf32, #tpu.memory_space<vmem_shared>> -> memref<632x128xf32, #tpu.memory_space<vmem_shared>>
      tpu.enqueue_dma source(%dma_start3A_353 : memref<632x128xf32, #tpu.memory_space<vmem_shared>>) target(%dma_start3A_351 : memref<632x128xf32, #tpu.memory_space<hbm>>) target_semaphore(%run_scoped3A : memref<!tpu.dma_semaphore, #tpu.memory_space<semaphore_mem>>)
      %dma_wait3A_354 = tpu.memref_slice %arg7[%min3A_348, %mul3A_350] : memref<10000x256xf32, #tpu.memory_space<hbm>> -> memref<632x128xf32, #tpu.memory_space<hbm>>
      %dma_wait3A_355 = arith.constant 0 : i32
      %dma_wait3A_356 = tpu.memref_slice %arg18[%min3A_348, %dma_wait3A_355] : memref<10112x128xf32, #tpu.memory_space<vmem_shared>> -> memref<632x128xf32, #tpu.memory_space<vmem_shared>>
      tpu.wait_dma2 semaphore(%run_scoped3A : memref<!tpu.dma_semaphore, #tpu.memory_space<semaphore_mem>>) src(%dma_wait3A_356 : memref<632x128xf32, #tpu.memory_space<vmem_shared>>) dst(%dma_wait3A_354 : memref<632x128xf32, #tpu.memory_space<hbm>>)
      tpu.yield
    }) : () -> ()
    return
  }
}

module attributes {stable_mosaic.version = 14 : i64} {
  func.func @_tc_body(%arg0: i32, %arg1: memref<1000x256xf32, #tpu.memory_space<vmem>>, %arg2: memref<256x256xf32, #tpu.memory_space<vmem>>, %arg3: memref<256x128xf32, #tpu.memory_space<vmem>>, %arg4: memref<2x1000x128xf32, #tpu.memory_space<vmem>>, %arg5: memref<1000x128xf32, #tpu.memory_space<vmem>>) attributes {dimension_semantics = [#tpu.dimension_semantics<arbitrary>], iteration_bounds = array<i64: 10>, scalar_prefetch = 0 : i64, scratch_operands = 0 : i64, tpu.core_type = #tpu.core_type<tc>, window_params = [{transform_indices = @transform_0, window_bounds = array<i64: 1000, 256>}, {pipeline_mode = #tpu.pipeline_mode<synchronous>, transform_indices = @transform_1, window_bounds = array<i64: 256, 256>}, {pipeline_mode = #tpu.pipeline_mode<synchronous>, transform_indices = @transform_2, window_bounds = array<i64: 256, 128>}, {transform_indices = @transform_3, window_bounds = array<i64: 2, 1000, 128>}, {transform_indices = @transform_4, window_bounds = array<i64: 1000, 128>}]} {
    %get3A = arith.constant 0 : index
    %get3A_0 = arith.constant 0 : index
    %get3A_1 = vector.load %arg1[%get3A, %get3A_0] : memref<1000x256xf32, #tpu.memory_space<vmem>>, vector<1000x256xf32>
    %get3A_2 = arith.constant 0 : index
    %get3A_3 = arith.constant 0 : index
    %get3A_4 = vector.load %arg2[%get3A_2, %get3A_3] : memref<256x256xf32, #tpu.memory_space<vmem>>, vector<256x256xf32>
    %dot_general3A = arith.constant dense<0.000000e+00> : vector<1000x256xf32>
    %dot_general3A_5 = tpu.matmul %get3A_1, %get3A_4, %dot_general3A {dimension_numbers = #tpu.dot_dimension_numbers<[1], [0], [0], [1], [0, 0, 1, 1], [], []>, precision = #tpu.contract_precision<fp32>, transpose_lhs_hint = false} : vector<1000x256xf32>, vector<256x256xf32>, vector<1000x256xf32> -> vector<1000x256xf32>
    %slice3A = vector.extract_strided_slice %dot_general3A_5 {offsets = [0, 0], sizes = [1000, 128], strides = [1, 1]} : vector<1000x256xf32> to vector<1000x128xf32>
    %swap3A = arith.constant 0 : index
    %swap3A_6 = arith.constant 0 : index
    %swap3A_7 = arith.constant 0 : index
    %swap3A_8 = vector.load %arg4[%swap3A, %swap3A_6, %swap3A_7] : memref<2x1000x128xf32, #tpu.memory_space<vmem>>, vector<1x1000x128xf32>
    %swap3A_9 = vector.shape_cast %swap3A_8 : vector<1x1000x128xf32> to vector<1000x128xf32>
    %swap3A_10 = vector.shape_cast %slice3A : vector<1000x128xf32> to vector<1x1000x128xf32>
    tpu.vector_store %arg4[%swap3A, %swap3A_6, %swap3A_7], %swap3A_10 {strides = array<i32>} : memref<2x1000x128xf32, #tpu.memory_space<vmem>>, vector<1x1000x128xf32>,
    %slice3A_11 = vector.extract_strided_slice %dot_general3A_5 {offsets = [0, 128], sizes = [1000, 128], strides = [1, 1]} : vector<1000x256xf32> to vector<1000x128xf32>
    %swap3A_12 = arith.constant 1 : index
    %swap3A_13 = arith.constant 0 : index
    %swap3A_14 = arith.constant 0 : index
    %swap3A_15 = vector.load %arg4[%swap3A_12, %swap3A_13, %swap3A_14] : memref<2x1000x128xf32, #tpu.memory_space<vmem>>, vector<1x1000x128xf32>
    %swap3A_16 = vector.shape_cast %swap3A_15 : vector<1x1000x128xf32> to vector<1000x128xf32>
    %swap3A_17 = vector.shape_cast %slice3A_11 : vector<1000x128xf32> to vector<1x1000x128xf32>
    tpu.vector_store %arg4[%swap3A_12, %swap3A_13, %swap3A_14], %swap3A_17 {strides = array<i32>} : memref<2x1000x128xf32, #tpu.memory_space<vmem>>, vector<1x1000x128xf32>,
    %get3A_18 = arith.constant 0 : index
    %get3A_19 = arith.constant 0 : index
    %get3A_20 = vector.load %arg3[%get3A_18, %get3A_19] : memref<256x128xf32, #tpu.memory_space<vmem>>, vector<256x128xf32>
    %dot_general3A_21 = arith.constant dense<0.000000e+00> : vector<256x128xf32>
    %dot_general3A_22 = tpu.matmul %get3A_4, %get3A_20, %dot_general3A_21 {dimension_numbers = #tpu.dot_dimension_numbers<[1], [0], [0], [1], [0, 0, 1, 1], [], []>, precision = #tpu.contract_precision<fp32>, transpose_lhs_hint = false} : vector<256x256xf32>, vector<256x128xf32>, vector<256x128xf32> -> vector<256x128xf32>
    %dot_general3A_23 = arith.constant dense<0.000000e+00> : vector<1000x128xf32>
    %dot_general3A_24 = tpu.matmul %get3A_1, %dot_general3A_22, %dot_general3A_23 {dimension_numbers = #tpu.dot_dimension_numbers<[1], [0], [0], [1], [0, 0, 1, 1], [], []>, precision = #tpu.contract_precision<fp32>, transpose_lhs_hint = false} : vector<1000x256xf32>, vector<256x128xf32>, vector<1000x128xf32> -> vector<1000x128xf32>
    %swap3A_25 = arith.constant 0 : index
    %swap3A_26 = arith.constant 0 : index
    %swap3A_27 = vector.load %arg5[%swap3A_25, %swap3A_26] : memref<1000x128xf32, #tpu.memory_space<vmem>>, vector<1000x128xf32>
    tpu.vector_store %arg5[%swap3A_25, %swap3A_26], %dot_general3A_24 {strides = array<i32>} : memref<1000x128xf32, #tpu.memory_space<vmem>>, vector<1000x128xf32>,
    return
  }
  func.func @transform_0(%arg0: i32) -> (i32, i32) {
    %c0_i32 = arith.constant 0 : i32
    %c0_i32_0 = arith.constant 0 : i32
    return %arg0, %c0_i32 : i32, i32
  }
  func.func @transform_1(%arg0: i32) -> (i32, i32) {
    %c0_i32 = arith.constant 0 : i32
    %c0_i32_0 = arith.constant 0 : i32
    %c0_i32_1 = arith.constant 0 : i32
    return %c0_i32, %c0_i32_0 : i32, i32
  }
  func.func @transform_2(%arg0: i32) -> (i32, i32) {
    %c0_i32 = arith.constant 0 : i32
    %c0_i32_0 = arith.constant 0 : i32
    %c0_i32_1 = arith.constant 0 : i32
    return %c0_i32, %c0_i32_0 : i32, i32
  }
  func.func @transform_3(%arg0: i32) -> (i32, i32, i32) {
    %c0_i32 = arith.constant 0 : i32
    %c0_i32_0 = arith.constant 0 : i32
    %c0_i32_1 = arith.constant 0 : i32
    return %c0_i32, %arg0, %c0_i32_0 : i32, i32, i32
  }
  func.func @transform_4(%arg0: i32) -> (i32, i32) {
    %c0_i32 = arith.constant 0 : i32
    %c0_i32_0 = arith.constant 0 : i32
    return %arg0, %c0_i32 : i32, i32
  }
}

</mosaic_0001>

<sc_bundles>
// kernel: kernel.4.cloned.1.call-start
scs
__scs_entry_jumppad:
0x0: {  	(pc) =	sbr.rel $0x88, $3  }
0x1: {  	(tag) =	ssettag $0x0;
	lr =	simm.s32 $0x1  }
0x2: {  	[smem:$0x3F9D] =	sst lr;
	_ =	strace $0xD0000000  }
0x3: {  	_ = 	snop  }
0x4: {  	_ = 	snop  }
0x5: {  	_ = 	snop  }
0x6: {  	_ = 	snop  }
0x7: {  	_ = 	snop  }
__scs_overlays_trampoline_lowered:
0x8: {  	[smem:$0x3FAC] =	sst s0  }
0x9: {  	[smem:$0x3FAD] =	sst s1  }
0xa: {  	[smem:$0x3FAE] =	sst s2  }
0xb: {  	[smem:$0x3FAF] =	sst s3  }
0xc: {  	[smem:$0x3FB0] =	sst s4  }
0xd: {  	[smem:$0x3FB1] =	sst s5  }
0xe: {  	[smem:$0x3FB2] =	sst s6  }
0xf: {  	[smem:$0x3FB3] =	sst s7  }
0x10: {  	[smem:$0x3FB4] =	sst s8  }
0x11: {  	[smem:$0x3FB5] =	sst s9;
	s0 =	simm.s32 @!p0 $0x0  }
0x12: {  	s1 =	sld [smem:$0x3F9B];
	s0 =	simm.s32 @p0 $0x1  }
0x13: {  	[smem:$0x3FB6] =	sst s0;
	s0 =	simm.s32 @!p1 $0x0  }
0x14: {  	s2 =	sld [smem:$0x3F9A];
	s0 =	simm.s32 @p1 $0x1  }
0x15: {  	[smem:$0x3FB7] =	sst s0;
	s0 =	simm.s32 @!p2 $0x0  }
0x16: {  	s3 =	sld [smem:$0x3FDB];
	s0 =	simm.s32 @p2 $0x1  }
0x17: {  	s4 =	simm.s32 $0x1BF5;
	[smem:$0x3FB9] =	sst s0  }
0x18: {  	s0 =	sld [smem:$0x3F9C];
	_ =	swait.ge [sflag:s4], $0x0  }
0x19: {  	s7 =	sld [smem:$0x3F9D]  }
0x1a: {  	s8 =	sadd.s32 $0xFFFFE003, lr  }
0x1b: {  	s9 =	sadd.s32 $0xFFFFFEF7, lr;
	s5 =	simm.s32 $0xFFFFFFFF;
	p2 =	slt.u32 s8, $0xFFFFF086  }
0x1c: {  	p1 =	slt.u32 s9, $0xF7A;
	s5 =	simm.s32 @!p2 $0x0  }
0x1d: {  	s5 =	simm.s32 @p1 $0x1;
	p0 =	seq.s32 s7, s2  }
0x1e: {  	s7 =	smul.u32 @!p0 $0xF7A, s2;
	p2 =	seq.s32 @!p0 s5, $0x0  }
0x1f: {  	s9 =	smul.u32 $0xF7A, s1;
	s8 =	simm.s32 @!p0 $0x1BF5;
	p2 =	por !p2, p0  }
0x20: {  	[sflag:s8] =	ssyncset.s32 @!p0 $0xFFFFF086;
	s6 =	sadd.s32 @!p0 s3, s7;
	s7 =	simm.s32 @!p0 $0x108  }
0x21: {  	s3 =	sadd.s32 s3, s9;
	s6 =	sadd.s32 @!p0 $0x88, s6;
	s7 =	simm.s32 @p2 $0x1082  }
0x22: {  	[simem:s7], [sflag:s8] =	dma.local @!p0 [hbm:s6], $0xF7A  }
0x23: {  	s9 =	sor.u32 $0xD0000000, s2;
	s6 =	simm.s32 $0x108;
	_ =	swait.ge @!p0 [sflag:s8], $0x0  }
0x24: {  	s3 =	sadd.s32 $0x88, s3;
	s6 =	simm.s32 @!p1 $0x1082;
	[sflag:s4] =	ssyncset.s32 $0xFFFFF086  }
0x25: {  	[simem:s6], [sflag:s4] =	dma.local [hbm:s3], $0xF7A  }
0x26: {  	[smem:$0x3F9D] =	sst s1;
	(tag) =	ssettag s2;
	_ =	strace s9  }
0x27: {  	s1 =	sld [smem:$0x3FAD]  }
0x28: {  	s2 =	sld [smem:$0x3FAE]  }
0x29: {  	s4 =	sld [smem:$0x3FB0]  }
0x2a: {  	p0 =	seq.s32 s5, $0x0;
	s5 =	sld [smem:$0x3FB1]  }
0x2b: {  	s6 =	sld [smem:$0x3FB2]  }
0x2c: {  	s7 =	sld [smem:$0x3FB3]  }
0x2d: {  	s3 =	simm.s32 $0x108;
	s8 =	sld [smem:$0x3FB4]  }
0x2e: {  	s3 =	simm.s32 @!p0 $0x1082;
	s9 =	sld [smem:$0x3FB5]  }
0x2f: {  	lr =	sadd.s32 s0, s3;
	s0 =	sld [smem:$0x3FAC]  }
0x30: {  	s3 =	sld [smem:$0x3FAF]  }
0x31: {  	[smem:$0x3FB8] =	sst s10  }
0x32: {  	s10 =	sld [smem:$0x3FB6];
	_ =	sdelay $0x3  }
0x33: {  	p0 =	seq.s32 s10, $0x1;
	s10 =	sld [smem:$0x3FB8];
	_ =	sdelay $0x3  }
0x34: {  	[smem:$0x3FB8] =	sst s10  }
0x35: {  	s10 =	sld [smem:$0x3FB7];
	_ =	sdelay $0x3  }
0x36: {  	p1 =	seq.s32 s10, $0x1;
	s10 =	sld [smem:$0x3FB8];
	_ =	sdelay $0x3  }
0x37: {  	[smem:$0x3FB8] =	sst s10  }
0x38: {  	s10 =	sld [smem:$0x3FB9]  }
0x39: {  	_ = 	snop;
	(pc) =	sbr.ind lr, $3  }
0x3a: {  	_ = 	snop  }
0x3b: {  	_ = 	snop  }
0x3c: {  	p2 =	seq.s32 s10, $0x1;
	s10 =	sld [smem:$0x3FB8]  }
0x3d: {  	_ =	shalt  }
0x3e: {  	_ =	shalt  }
0x3f: {  	_ =	shalt  }
0x40: {  	_ =	shalt  }
0x41: {  	_ =	shalt  }
0x42: {  	_ =	shalt  }
0x43: {  	_ =	shalt  }
0x44: {  	_ =	shalt  }
0x45: {  	_ =	shalt  }
0x46: {  	_ =	shalt  }
0x47: {  	_ =	shalt  }
0x48: {  	_ =	shalt  }
0x49: {  	_ =	shalt  }
0x4a: {  	_ =	shalt  }
0x4b: {  	_ =	shalt  }
0x4c: {  	_ =	shalt  }
0x4d: {  	_ =	shalt  }
0x4e: {  	_ =	shalt  }
0x4f: {  	_ =	shalt  }
0x50: {  	_ =	shalt  }
0x51: {  	_ =	shalt  }
0x52: {  	_ =	shalt  }
0x53: {  	_ =	shalt  }
0x54: {  	_ =	shalt  }
0x55: {  	_ =	shalt  }
0x56: {  	_ =	shalt  }
0x57: {  	_ =	shalt  }
0x58: {  	_ =	shalt  }
0x59: {  	_ =	shalt  }
0x5a: {  	_ =	shalt  }
0x5b: {  	_ =	shalt  }
0x5c: {  	_ =	shalt  }
0x5d: {  	_ =	shalt  }
0x5e: {  	_ =	shalt  }
0x5f: {  	_ =	shalt  }
0x60: {  	_ =	shalt  }
0x61: {  	_ =	shalt  }
0x62: {  	_ =	shalt  }
0x63: {  	_ =	shalt  }
0x64: {  	_ =	shalt  }
0x65: {  	_ =	shalt  }
0x66: {  	_ =	shalt  }
0x67: {  	_ =	shalt  }
0x68: {  	_ =	shalt  }
0x69: {  	_ =	shalt  }
0x6a: {  	_ =	shalt  }
0x6b: {  	_ =	shalt  }
0x6c: {  	_ =	shalt  }
0x6d: {  	_ =	shalt  }
0x6e: {  	_ =	shalt  }
0x6f: {  	_ =	shalt  }
0x70: {  	_ =	shalt  }
0x71: {  	_ =	shalt  }
0x72: {  	_ =	shalt  }
0x73: {  	_ =	shalt  }
0x74: {  	_ =	shalt  }
0x75: {  	_ =	shalt  }
0x76: {  	_ =	shalt  }
0x77: {  	_ =	shalt  }
0x78: {  	_ =	shalt  }
0x79: {  	_ =	shalt  }
0x7a: {  	_ =	shalt  }
0x7b: {  	_ =	shalt  }
0x7c: {  	_ =	shalt  }
0x7d: {  	_ =	shalt  }
0x7e: {  	_ =	shalt  }
0x7f: {  	_ =	shalt  }
0x80: {  	_ =	shalt  }
0x81: {  	_ =	shalt  }
0x82: {  	_ =	shalt  }
0x83: {  	_ =	shalt  }
0x84: {  	_ =	shalt  }
0x85: {  	_ =	shalt  }
0x86: {  	_ =	shalt  }
0x87: {  	_ =	shalt  }
.Lfunc_end0:
.L_simem_size_0:
called_computation_lowered:
.L_overlay_start_0:
0x88: {  	s2 =	sld [smem:$0x3FD9]  }
0x89: {  	s3 =	sld [smem:$0x3FFE];
	_ =	sdelay $0x1  }
0x8a: {  	s1 =	srdreg.scid  }
0x8b: {  	s0 =	sand.u32 $0x1, s1  }
0x8c: {  	s17 =	sshll.u32 s0, $0xA;
	s2 =	sadd.s32 s3, s2  }
0x8d: {  	s2 =	sadd.s32 s2, s17  }
0x8e: {  	[smem:$0x3FC4] =	sst s2  }
0x8f: {  	_ = 	snop  }
0x90: {  	s2 =	sld [smem:$0x3FD0];
	(tm) =	ssettm $0x1  }
0x91: {  	s18 =	sld [smem:$0x3FFB];
	_ =	sdelay $0x3  }
0x92: {  	_ =	strace s18  }
0x93: {  	s3 =	sld [smem:$0x3FFC];
	_ =	sdelay $0x3  }
0x94: {  	_ =	strace s3  }
0x95: {  	s3 =	sld [smem:$0x3FFD];
	_ =	sdelay $0x3  }
0x96: {  	_ =	strace s3  }
0x97: {  	_ =	strace $0x8FFFFFFF  }
0x98: {  	s19 =	sld [smem:$0x3FDB];
	_ =	sdelay $0x1  }
0x99: {  	s4 =	simm.s32 $_scs_section_size  }
0x9a: {  	s5 =	simm.s32 $_size__tile_overlayer_lowered;
	s6 =	simm.s32 $_tile_overlayer_lowered  }
0x9b: {  	s22 =	simm.s32 $0x1BFF;
	s21 =	sshll.u32 s6, $0x1;
	s3 =	sadd.s32 s4, s19  }
0x9c: {  	s7 =	simm.s32 $0x0;
	s20 =	sshll.u32 s5, $0x1;
	s5 =	sadd.s32 s21, s3  }
0x9d: {  	[timem:s7], [sflag:s22] =	dma.local [hbm:s5], s20  }
0x9e: {  	_ =	swait.ge [sflag:s22], s20  }
0x9f: {  	s4 =	ssub.s32 $0x0, s20;
	[sflag:s22] =	ssyncset.done $0x0  }
0xa0: {  	[sflag:s22] =	ssyncadd.s32 s4;
	_ =	sdelay $0x1  }
0xa1: {  	s23 =	simm.s32 $0x1B8B  }
0xa2: {  	_ =	swait.ge [sflag:s23], $0x1  }
0xa3: {  	[sflag:s23] =	ssyncset.done $0x0  }
0xa4: {  	s25 =	simm.s32 $0x1B8E;
	s24 =	sld [smem:$0x3FFE];
	[sflag:s23] =	ssyncadd.s32 $0xFFFFFFFF  }
0xa5: {  	s26 =	simm.s32 $execute0_lowered;
	[smem:$0x3FD2] =	sst s25  }
0xa6: {  	s5 =	sshll.u32 s26, $0x1;
	_ =	strace $0x80000046;
	[dreg:$0x1] =	wrdreg $0xFFFFFFFF  }
0xa7: {  	s28 =	simm.s32 $_size_execute0_lowered;
	s3 =	sadd.s32 s3, s5;
	[dreg:$0x0] =	wrdreg $0x0  }
0xa8: {  	s5 =	sshll.u32 s28, $0x1;
	[dreg:$0x2] =	wrdreg s3  }
0xa9: {  	[dreg:$0x3] =	wrdreg s5  }
0xaa: {  	[dreg:$0x4] =	wrdreg $0xC0  }
0xab: {  	_ =	task [dreg:s7], $0x5FFFF  }
0xac: {  	[dreg:$0x1] =	wrdreg $0xFFFFFFFF  }
0xad: {  	[dreg:$0x0] =	wrdreg $0x60  }
0xae: {  	[dreg:$0x2] =	wrdreg s24  }
0xaf: {  	[dreg:$0x3] =	wrdreg s2  }
0xb0: {  	[dreg:$0x4] =	wrdreg $0xBB800  }
0xb1: {  	[dreg:$0x5] =	wrdreg $0x1F7800  }
0xb2: {  	[dreg:$0x6] =	wrdreg $0x1F7900  }
0xb3: {  	[dreg:$0x7] =	wrdreg $0x9  }
0xb4: {  	_ =	task.clear_ibuf [dreg:s7], $0x8FFFF;
	_ =	strace $0x90000046  }
0xb5: {  	s29 =	simm.s32 $0x9;
	_ =	strace $0x80000048  }
0xb6: {  	_ =	swait.ge [sflag:s29], $0x1  }
0xb7: {  	[sflag:s29] =	ssyncadd.s32 $0xFFFFFFFF  }
0xb8: {  	_ =	strace $0x90000048  }
0xb9: {  	_ =	sfence  }
0xba: {  	s30 =	sld [smem:$0x0];
	_ =	sdelay $0x2  }
0xbb: {  	s31 =	sshll.u32 s1, $0xD;
	s1 =	sshrl.u32 s1, $0x2  }
0xbc: {  	s3 =	sand.u32 $0x4000, s31;
	s1 =	sadd.s32 s1, s30  }
0xbd: {  	s0 =	sor.u32 s3, s0;
	s1 =	sshll.u32 s1, $0x11  }
0xbe: {  	s0 =	sor.u32 s1, s0  }
0xbf: {  	s0 =	sadd.s32 $0x8F2B, s0  }
0xc0: {  	[sflag:s0] =	ssyncadd.remote.s32 $0x1  }
0xc1: {  	_ =	sfence.sel $0xFFFF  }
0xc2: {  	[dreg:$0x0] =	wrdreg $0xFFFFFFFF;
	(pc) =	sbr.abs _section_cstart, $3  }
0xc3: {  	[dreg:$0x1] =	wrdreg $0xFFFFFFFF  }
0xc4: {  	_ =	task.clear_ibuf [dreg:s7], $0x2FFFF;
	_ =	strace $0x9FFFFFFF  }
0xc5: {  	(tm) =	ssettm $0x7FFFFFFF  }
tec
execute0_lowered:
.L_overlay_start_1:
0x0: {  	(tag) =	ssettag $0x1  }
0x1: {  	s0 =	rddreg [dreg:$0x0]  }
0x2: {  	s2 =	rddreg [dreg:$0x1]  }
0x3: {  	s1 =	rddreg [dreg:$0x2]  }
0x4: {  	s11 =	rddreg [dreg:$0x3]  }
0x5: {  	s12 =	rddreg [dreg:$0x4];
	s3 =	simm.s32 $0x0;
	s14 =	srdreg.scid  }
0x6: {  	s13 =	stileid.u32;
	s20 =	simm.s32 $0x6;
	s29 =	simm.s32 $0x40  }
0x7: {  	s31 =	simm.s32 $0xB980;
	s21 =	simm.s32 $0x2;
	s30 =	simm.s32 $0x5000  }
0x8: {  	s28 =	simm.s32 $0x0;
	[smem:$0x7FF] =	sst s3;
	s5 =	smul.u32 $0x4F000, s13  }
0x9: {  	s3 =	sand.u32 $0x1, s14;
	s6 =	sadd.s32 $0xA000, s0;
	s10 =	smul.u32 $0x4E2, s13  }
0xa: {  	s7 =	sadd.s32 $0x58800, s0;
	s8 =	sadd.s32 $0x58200, s0;
	s15 =	smul.u32 $0x278, s13  }
0xb: {  	s18 =	sshll.u32 s13, $0x4;
	_ =	strace $0x80000047;
	s4 =	ssub.s32 $0x2, s3  }
0xc: {  	s11 =	sadd.s32 s18, s11;
	s19 =	smul.u32 $0x2710, s3;
	s3 =	sshll.u32 s3, $0x7  }
0xd: {  	s9 =	sshrl.u32 s4, $0x1;
	s5 =	sshrl.u32 s5, $0x2;
	[dreg:$0x8] =	wrdreg s11  }
0xe: {  	s2 =	sadd.s32 s2, s3;
	s3 =	simm.s32 $0x3;
	s4 =	ssub.s32 s4, s9  }
0xf: {  	s9 =	sadd.s32 s0, s10;
	s10 =	sadd.s32 s5, s1;
	s5 =	sadd.s32 s18, s12  }
0x10: {  	s0 =	smin.u32 s15, $0x2498;
	s16 =	sadd.s32 $0x5000, s9;
	[dreg:$0x9] =	wrdreg s5  }
0x11: {  	s18 =	simm.s32 $0xBA80;
	s17 =	sadd.s32 $0x10000, s10;
	[dreg:$0x6] =	wrdreg s16  }
0x12: {  	s22 =	sshll.u32 s0, $0x7;
	s23 =	smax.u32 s4, $0x1;
	[dreg:$0x7] =	wrdreg s17  }
0x13: {  	s0 =	sshll.u32 s0, $0x5;
	s24 =	sadd.s32 $0x4000, s10;
	[dreg:$0xb] =	wrdreg s23  }
0x14: {  	s25 =	sadd.s32 $0x8000, s10;
	s26 =	sadd.s32 $0xC000, s10;
	[dreg:$0xc] =	wrdreg s24  }
0x15: {  	s4 =	simm.s32 $0xB880;
	s5 =	simm.s32 $0x4;
	[dreg:$0xd] =	wrdreg s25  }
0x16: {  	s11 =	sadd.s32 s22, s1;
	s0 =	sadd.s32 s0, s2;
	[dreg:$0xe] =	wrdreg s26  }
0x17: {  	s22 =	simm.s32 $0x7800;
	s23 =	simm.s32 $0x80;
	s25 =	simm.s32 $0x1  }
0x18: {  	v1 =	vimm.s32 $0x277F;
	s17 =	simm.s32 $0xBA00;
	s2 =	simm.s32 $0xB800;
	s26 =	simm.s32 $0x5  }
0x19: {  	v2 =	vimm.s32 $0x0;
	v3 =	vimm.f32 $0.0e+00;
	v0 =	vmov s19;
	[dreg:$0xa] =	wrdreg s0;
	s24 =	sshrl.u32 s11, $0x3;
	s0 =	simm.s32 $0x9800  }
.LBB2_1:
0x1a: {  	s11 =	simm.s32 $0x0;
	s12 =	rddreg [dreg:$0x6]  }
0x1b: {  	[tilespmem:s11], [sflag:$0x6] =	stream.linear.gather [hbm4b:s12+s11], $0x2710, $0x38;
	[tilespmem:$0x1F7A0] =	vst v63  }
0x1c: {  	_ =	swait.ge [sflag:s20], $0x2710  }
0x1d: {  	[sflag:s20] =	ssyncset.done $0x0  }
0x1e: {  	s19 =	simm.s32 $0x2800;
	[sflag:s20] =	ssyncadd.s32 $0xFFFFD8F0  }
0x1f: {  	[tilespmem:s19], [sflag:$0x6] =	stream.linear.gather [hbm4b:s9+s11], $0x2710, $0x38;
	[tilespmem:$0x1F7A0] =	vst v63  }
0x20: {  	_ =	swait.ge [sflag:s20], $0x2710  }
0x21: {  	[sflag:s20] =	ssyncset.done $0x0  }
0x22: {  	[sflag:s20] =	ssyncadd.s32 $0xFFFFD8F0  }
0x23: {  	[tilespmem:$0x2710] =	vst v1  }
0x24: {  	[tilespmem:$0x4F10] =	vst v2  }
0x25: {  	[tilespmem:$0x2720] =	vst v1  }
0x26: {  	[tilespmem:$0x4F20] =	vst v2  }
0x27: {  	[tilespmem:$0x2730] =	vst v1  }
0x28: {  	[tilespmem:$0x4F30] =	vst v2  }
0x29: {  	[tilespmem:$0x2740] =	vst v1  }
0x2a: {  	[tilespmem:$0x4F40] =	vst v2  }
0x2b: {  	[tilespmem:$0x2750] =	vst v1  }
0x2c: {  	[tilespmem:$0x4F50] =	vst v2  }
0x2d: {  	[tilespmem:$0x2760] =	vst v1  }
0x2e: {  	[tilespmem:$0x4F60] =	vst v2  }
0x2f: {  	[tilespmem:$0x2770] =	vst v1  }
0x30: {  	[tilespmem:$0x4F70] =	vst v2  }
0x31: {  	[tilespmem:$0x2780] =	vst v1  }
0x32: {  	[tilespmem:$0x4F80] =	vst v2  }
0x33: {  	[tilespmem:$0x2790] =	vst v1  }
0x34: {  	[tilespmem:$0x4F90] =	vst v2  }
0x35: {  	[tilespmem:$0x27A0] =	vst v1  }
0x36: {  	[tilespmem:$0x4FA0] =	vst v2  }
0x37: {  	[tilespmem:$0x27B0] =	vst v1  }
0x38: {  	[tilespmem:$0x4FB0] =	vst v2  }
0x39: {  	[tilespmem:$0x27C0] =	vst v1  }
0x3a: {  	[tilespmem:$0x4FC0] =	vst v2  }
0x3b: {  	[tilespmem:$0x27D0] =	vst v1  }
0x3c: {  	[tilespmem:$0x4FD0] =	vst v2  }
0x3d: {  	[tilespmem:$0x27E0] =	vst v1  }
0x3e: {  	[tilespmem:$0x4FE0] =	vst v2  }
0x3f: {  	[tilespmem:$0x27F0] =	vst v1  }
0x40: {  	s12 =	simm.s32 $0x200;
	s11 =	simm.s32 $0x0;
	[tilespmem:$0x4FF0] =	vst v2  }
.LBB2_2:
0x41: {  	p0 =	sne.s32 s12, $0xFE00;
	[tilespmem:s11+$0x7870] =	vst v3  }
0x42: {  	[tilespmem:s11+$0x7800] =	vst v3  }
0x43: {  	[tilespmem:s11+$0x7810] =	vst v3  }
.Ltmp0:
0x44: {  	[tilespmem:s11+$0x7820] =	vst v3;
	(pc) =	sbr.rel @p0 .LBB2_2-.Ltmp0, $4  }
0x45: {  	[tilespmem:s11+$0x7830] =	vst v3  }
0x46: {  	[tilespmem:s11+$0x7840] =	vst v3  }
0x47: {  	[tilespmem:s11+$0x7850] =	vst v3  }
0x48: {  	[tilespmem:s11+$0x7860] =	vst v3;
	s11 =	sshra.s32 s12, $0x2;
	s12 =	sadd.s32 $0x200, s12  }
0x49: {  	[tilespmem:s11+$0x7870] =	vst v3  }
0x4a: {  	[tilespmem:s11+$0x7800] =	vst v3  }
0x4b: {  	[tilespmem:s11+$0x7810] =	vst v3  }
0x4c: {  	[tilespmem:s11+$0x7820] =	vst v3  }
0x4d: {  	[tilespmem:s11+$0x7830] =	vst v3  }
0x4e: {  	[tilespmem:s11+$0x7840] =	vst v3  }
0x4f: {  	[tilespmem:s11+$0x7850] =	vst v3  }
0x50: {  	[tilespmem:s11+$0x7860] =	vst v3  }
0x51: {  	[spmem:s10] =	stream.linear.scatter [tilespmem:s22], [sflag:$0x6], $0x4000, $0x38;
	[tilespmem:$0x1F7A0] =	vst v63  }
0x52: {  	_ =	swait.ge [sflag:s20], $0x4000  }
0x53: {  	[sflag:s20] =	ssyncset.done $0x0  }
0x54: {  	s13 =	rddreg [dreg:$0xc];
	[sflag:s20] =	ssyncadd.s32 $0xFFFFC000  }
0x55: {  	[spmem:s13] =	stream.linear.scatter [tilespmem:s22], [sflag:$0x6], $0x4000, $0x38;
	[tilespmem:$0x1F7A0] =	vst v63  }
0x56: {  	_ =	swait.ge [sflag:s20], $0x4000  }
0x57: {  	[sflag:s20] =	ssyncset.done $0x0  }
0x58: {  	s14 =	rddreg [dreg:$0xd];
	[sflag:s20] =	ssyncadd.s32 $0xFFFFC000  }
0x59: {  	[spmem:s14] =	stream.linear.scatter [tilespmem:s22], [sflag:$0x6], $0x4000, $0x38;
	[tilespmem:$0x1F7A0] =	vst v63  }
0x5a: {  	_ =	swait.ge [sflag:s20], $0x4000  }
0x5b: {  	[sflag:s20] =	ssyncset.done $0x0  }
0x5c: {  	s15 =	rddreg [dreg:$0xe];
	[sflag:s20] =	ssyncadd.s32 $0xFFFFC000  }
0x5d: {  	[spmem:s15] =	stream.linear.scatter [tilespmem:s22], [sflag:$0x6], $0x4000, $0x38;
	[tilespmem:$0x1F7A0] =	vst v63  }
0x5e: {  	_ =	swait.ge [sflag:s20], $0x4000  }
0x5f: {  	[sflag:s20] =	ssyncset.done $0x0  }
0x60: {  	s16 =	rddreg [dreg:$0x7];
	[sflag:s20] =	ssyncadd.s32 $0xFFFFC000  }
0x61: {  	[spmem:s16] =	stream.linear.scatter [tilespmem:s22], [sflag:$0x6], $0x3C00, $0x38;
	[tilespmem:$0x1F7A0] =	vst v63  }
0x62: {  	_ =	swait.ge [sflag:s20], $0x3C00  }
0x63: {  	[sflag:s20] =	ssyncset.done $0x0  }
0x64: {  	s19 =	simm.s32 $0x0;
	s12 =	simm.s32 $0x5000;
	[sflag:s20] =	ssyncadd.s32 $0xFFFFC400  }
0x65: {  	[tilespmem:s12], [sflag:$0x1] =	stream.indirect.gather [hbm4b:s7+s23], $0x1, s19, s23, $0xb8;
	[tilespmem:$0x1F7A0] =	vst v63  }
0x66: {  	s11 =	simm.s32 $0x200;
	s13 =	simm.s32 $0x2800;
	s12 =	simm.s32 $0x7800  }
.LBB2_4:
0x67: {  	[tilespmem:s12], [sflag:$0x1] =	stream.indirect.gather [hbm4b:s8+s23], $0x1, s13, s23, $0xb8;
	[tilespmem:$0x1F7A0] =	vst v63  }
0x68: {  	s12 =	smov.u32 s11;
	p0 =	sne.s32 s11, $0x9E00  }
.Ltmp1:
0x69: {  	s11 =	sadd.s32 $0x200, s11;
	(pc) =	sbr.rel @p0 .LBB2_4-.Ltmp1, $4  }
0x6a: {  	s13 =	sshra.s32 s12, $0x2  }
0x6b: {  	s12 =	sadd.s32 $0x5000, s13  }
0x6c: {  	[tilespmem:s12], [sflag:$0x1] =	stream.indirect.gather [hbm4b:s7+s23], $0x1, s13, s23, $0xb8;
	[tilespmem:$0x1F7A0] =	vst v63  }
0x6d: {  	s12 =	sadd.s32 $0x7800, s13;
	s13 =	sadd.s32 $0x2800, s13  }
0x6e: {  	[tilespmem:s12], [sflag:$0x1] =	stream.indirect.gather [hbm4b:s8+s23], $0x1, s13, s23, $0xb8;
	[tilespmem:$0x1F7A0] =	vst v63  }
0x6f: {  	_ =	swait.ge [sflag:s25], $0x80  }
0x70: {  	[sflag:s25] =	ssyncset.done $0x0  }
0x71: {  	[sflag:s25] =	ssyncadd.s32 $0xFFFFFF80  }
0x72: {  	_ =	swait.ge [sflag:s25], $0x80  }
0x73: {  	s11 =	simm.s32 $0x4F;
	[sflag:s25] =	ssyncset.done $0x0  }
.LBB2_6:
0x74: {  	p0 =	sne.s32 s11, $0x1;
	s11 =	sadd.s32 $0xFFFFFFFF, s11;
	[sflag:s25] =	ssyncadd.s32 $0xFFFFFF80  }
.Ltmp2:
0x75: {  	_ =	swait.ge [sflag:s25], $0x80;
	(pc) =	sbr.rel @p0 .LBB2_6-.Ltmp2, $4  }
0x76: {  	[sflag:s25] =	ssyncset.done $0x0  }
0x77: {  	[sflag:s25] =	ssyncadd.s32 $0xFFFFFF80  }
0x78: {  	_ =	swait.ge [sflag:s25], $0x80  }
0x79: {  	[sflag:s25] =	ssyncset.done $0x0  }
0x7a: {  	[sflag:s25] =	ssyncadd.s32 $0xFFFFFF80;
	s12 =	simm.s32 $0x5040  }
0x7b: {  	s11 =	simm.s32 $0x7840;
	v4 =	vld [tilespmem:s12+$0xFFFFFFC0]  }
0x7c: {  	v5 =	vld [tilespmem:s11+$0xFFFFFFC0];
	_ =	sdelay $0x4  }
0x7d: {  	v4 =	vadd.f32 v5, v4;
	_ =	sdelay $0x1  }
0x7e: {  	v5 =	vmul.f32 $2.000000030e-01, v4  }
0x7f: {  	vm0 =	vge.f32 v4, $0.0e+00  }
0x80: {  	p0 =	por $0x1, $0x1;
	v4 =	vsel vm0, v4, v5  }
0x81: {  	v4 =	vpsel !p0, $0xF149F2CA, v4  }
0x82: {  	v5 =	vld [tilespmem:s12+$0xFFFFFFD0];
	[tilespmem:s12+$0xFFFFFFC0] =	vst v4  }
0x83: {  	v6 =	vld [tilespmem:s11+$0xFFFFFFD0];
	_ =	sdelay $0x4  }
0x84: {  	v5 =	vadd.f32 v6, v5;
	_ =	sdelay $0x1  }
0x85: {  	v6 =	vmul.f32 $2.000000030e-01, v5  }
0x86: {  	vm9 =	vge.f32 v5, $0.0e+00  }
0x87: {  	p6 =	por $0x1, $0x1;
	v5 =	vsel vm9, v5, v6  }
0x88: {  	v5 =	vpsel !p6, $0xF149F2CA, v5  }
0x89: {  	v6 =	vld [tilespmem:s12+$0xFFFFFFE0];
	[tilespmem:s12+$0xFFFFFFD0] =	vst v5  }
0x8a: {  	v7 =	vld [tilespmem:s11+$0xFFFFFFE0];
	_ =	sdelay $0x4  }
0x8b: {  	v6 =	vadd.f32 v7, v6;
	_ =	sdelay $0x1  }
0x8c: {  	v7 =	vmul.f32 $2.000000030e-01, v6  }
0x8d: {  	vm10 =	vge.f32 v6, $0.0e+00  }
0x8e: {  	p1 =	por $0x1, $0x1;
	v6 =	vsel vm10, v6, v7  }
0x8f: {  	v6 =	vpsel !p1, $0xF149F2CA, v6  }
0x90: {  	v7 =	vld [tilespmem:s12+$0xFFFFFFF0];
	[tilespmem:s12+$0xFFFFFFE0] =	vst v6  }
0x91: {  	v8 =	vld [tilespmem:s11+$0xFFFFFFF0];
	_ =	sdelay $0x4  }
0x92: {  	v7 =	vadd.f32 v8, v7;
	_ =	sdelay $0x1  }
0x93: {  	v8 =	vmul.f32 $2.000000030e-01, v7  }
0x94: {  	vm11 =	vge.f32 v7, $0.0e+00  }
0x95: {  	p2 =	por $0x1, $0x1;
	v7 =	vsel vm11, v7, v8  }
0x96: {  	v7 =	vpsel !p2, $0xF149F2CA, v7  }
0x97: {  	v60 =	vld [tilespmem:s12+$0x0];
	[tilespmem:s12+$0xFFFFFFF0] =	vst v7  }
0x98: {  	v9 =	vld [tilespmem:s11+$0x0];
	_ =	sdelay $0x4  }
0x99: {  	v8 =	vadd.f32 v9, v60;
	_ =	sdelay $0x1  }
0x9a: {  	v9 =	vmul.f32 $2.000000030e-01, v8  }
0x9b: {  	vm12 =	vge.f32 v8, $0.0e+00  }
0x9c: {  	p3 =	por $0x1, $0x1;
	v8 =	vsel vm12, v8, v9  }
0x9d: {  	v8 =	vpsel !p3, $0xF149F2CA, v8  }
0x9e: {  	v61 =	vld [tilespmem:s12+$0x10];
	[tilespmem:s12+$0x0] =	vst v8  }
0x9f: {  	v10 =	vld [tilespmem:s11+$0x10];
	_ =	sdelay $0x4  }
0xa0: {  	v9 =	vadd.f32 v10, v61;
	_ =	sdelay $0x1  }
0xa1: {  	v10 =	vmul.f32 $2.000000030e-01, v9  }
0xa2: {  	vm13 =	vge.f32 v9, $0.0e+00  }
0xa3: {  	p4 =	por $0x1, $0x1;
	v9 =	vsel vm13, v9, v10  }
0xa4: {  	v9 =	vpsel !p4, $0xF149F2CA, v9  }
0xa5: {  	v62 =	vld [tilespmem:s12+$0x20];
	[tilespmem:s12+$0x10] =	vst v9  }
0xa6: {  	v11 =	vld [tilespmem:s11+$0x20];
	_ =	sdelay $0x4  }
0xa7: {  	v10 =	vadd.f32 v11, v62;
	_ =	sdelay $0x1  }
0xa8: {  	v11 =	vmul.f32 $2.000000030e-01, v10  }
0xa9: {  	vm14 =	vge.f32 v10, $0.0e+00  }
0xaa: {  	p5 =	por $0x1, $0x1;
	v10 =	vsel vm14, v10, v11  }
0xab: {  	v10 =	vpsel !p5, $0xF149F2CA, v10  }
0xac: {  	v63 =	vld [tilespmem:s12+$0x30];
	[tilespmem:s12+$0x20] =	vst v10  }
0xad: {  	v12 =	vld [tilespmem:s11+$0x30];
	_ =	sdelay $0x2  }
0xae: {  	v13 =	vimm.f32 $-1.000000020e+30  }
0xaf: {  	v4 =	vmax.f32 v13, v4  }
0xb0: {  	v4 =	vmax.f32 v4, v5;
	v5 =	vadd.f32 v12, v63  }
0xb1: {  	v4 =	vmax.f32 v4, v6  }
0xb2: {  	v4 =	vmax.f32 v4, v7;
	v6 =	vmul.f32 $2.000000030e-01, v5  }
0xb3: {  	v4 =	vmax.f32 v4, v8;
	vm15 =	vge.f32 v5, $0.0e+00  }
0xb4: {  	p6 =	por $0x1, $0x1;
	v4 =	vmax.f32 v4, v9;
	v5 =	vsel vm15, v5, v6  }
0xb5: {  	s13 =	simm.s32 $0xF0;
	s14 =	simm.s32 $0x50C0;
	v4 =	vmax.f32 v4, v10;
	v5 =	vpsel !p6, $0xF149F2CA, v5  }
.LBB2_8:
0xb6: {  	p0 =	sne.s32 s13, $0x27F0;
	s11 =	sadd.s32 $0x80, s11  }
0xb7: {  	v6 =	vld [tilespmem:s14+$0xFFFFFFC0];
	[tilespmem:s12+$0x30] =	vst v5;
	v4 =	vmax.f32 v4, v5;
	s15 =	smov.u32 s13;
	s13 =	sadd.s32 $0x80, s13;
	s12 =	smov.u32 s14  }
0xb8: {  	v5 =	vld [tilespmem:s11+$0xFFFFFFC0];
	_ =	sdelay $0x4  }
0xb9: {  	v5 =	vadd.f32 v5, v6;
	_ =	sdelay $0x1  }
0xba: {  	v6 =	vmul.f32 $2.000000030e-01, v5  }
0xbb: {  	s16 =	sadd.s32 $0xFFFFFF90, s15;
	vm0 =	vge.f32 v5, $0.0e+00  }
0xbc: {  	p1 =	slt.u32 s16, $0x2710;
	v5 =	vsel vm0, v5, v6  }
0xbd: {  	v5 =	vpsel !p1, $0xF149F2CA, v5  }
0xbe: {  	[tilespmem:s14+$0xFFFFFFC0] =	vst v5;
	v6 =	vld [tilespmem:s14+$0xFFFFFFD0]  }
0xbf: {  	v7 =	vld [tilespmem:s11+$0xFFFFFFD0];
	_ =	sdelay $0x4  }
0xc0: {  	v6 =	vadd.f32 v7, v6;
	_ =	sdelay $0x1  }
0xc1: {  	v7 =	vmul.f32 $2.000000030e-01, v6  }
0xc2: {  	s16 =	sadd.s32 $0xFFFFFFA0, s15;
	vm0 =	vge.f32 v6, $0.0e+00  }
0xc3: {  	p1 =	slt.u32 s16, $0x2710;
	v6 =	vsel vm0, v6, v7  }
0xc4: {  	v6 =	vpsel !p1, $0xF149F2CA, v6  }
0xc5: {  	[tilespmem:s14+$0xFFFFFFD0] =	vst v6;
	v7 =	vld [tilespmem:s14+$0xFFFFFFE0]  }
0xc6: {  	v8 =	vld [tilespmem:s11+$0xFFFFFFE0];
	_ =	sdelay $0x4  }
0xc7: {  	v7 =	vadd.f32 v8, v7;
	_ =	sdelay $0x1  }
0xc8: {  	v8 =	vmul.f32 $2.000000030e-01, v7  }
0xc9: {  	s16 =	sadd.s32 $0xFFFFFFB0, s15;
	vm0 =	vge.f32 v7, $0.0e+00  }
0xca: {  	p1 =	slt.u32 s16, $0x2710;
	v7 =	vsel vm0, v7, v8  }
0xcb: {  	v7 =	vpsel !p1, $0xF149F2CA, v7  }
0xcc: {  	[tilespmem:s14+$0xFFFFFFE0] =	vst v7;
	v8 =	vld [tilespmem:s14+$0xFFFFFFF0]  }
0xcd: {  	v9 =	vld [tilespmem:s11+$0xFFFFFFF0];
	_ =	sdelay $0x4  }
0xce: {  	v8 =	vadd.f32 v9, v8;
	_ =	sdelay $0x1  }
0xcf: {  	v9 =	vmul.f32 $2.000000030e-01, v8  }
0xd0: {  	s16 =	sadd.s32 $0xFFFFFFC0, s15;
	vm0 =	vge.f32 v8, $0.0e+00  }
0xd1: {  	p1 =	slt.u32 s16, $0x2710;
	v8 =	vsel vm0, v8, v9  }
0xd2: {  	v8 =	vpsel !p1, $0xF149F2CA, v8  }
0xd3: {  	[tilespmem:s14+$0xFFFFFFF0] =	vst v8;
	v9 =	vld [tilespmem:s14+$0x0]  }
0xd4: {  	v10 =	vld [tilespmem:s11+$0x0];
	_ =	sdelay $0x4  }
0xd5: {  	v9 =	vadd.f32 v10, v9;
	_ =	sdelay $0x1  }
0xd6: {  	v10 =	vmul.f32 $2.000000030e-01, v9  }
0xd7: {  	s16 =	sadd.s32 $0xFFFFFFD0, s15;
	vm0 =	vge.f32 v9, $0.0e+00  }
0xd8: {  	p1 =	slt.u32 s16, $0x2710;
	v9 =	vsel vm0, v9, v10  }
0xd9: {  	v9 =	vpsel !p1, $0xF149F2CA, v9  }
0xda: {  	[tilespmem:s14+$0x0] =	vst v9;
	v10 =	vld [tilespmem:s14+$0x10]  }
0xdb: {  	v11 =	vld [tilespmem:s11+$0x10];
	_ =	sdelay $0x4  }
0xdc: {  	v10 =	vadd.f32 v11, v10;
	_ =	sdelay $0x1  }
0xdd: {  	v11 =	vmul.f32 $2.000000030e-01, v10  }
0xde: {  	s16 =	sadd.s32 $0xFFFFFFE0, s15;
	vm0 =	vge.f32 v10, $0.0e+00  }
0xdf: {  	p1 =	slt.u32 s16, $0x2710;
	v10 =	vsel vm0, v10, v11  }
0xe0: {  	v10 =	vpsel !p1, $0xF149F2CA, v10  }
0xe1: {  	[tilespmem:s14+$0x10] =	vst v10;
	v11 =	vld [tilespmem:s14+$0x20]  }
0xe2: {  	v12 =	vld [tilespmem:s11+$0x20];
	_ =	sdelay $0x4  }
0xe3: {  	v11 =	vadd.f32 v12, v11;
	_ =	sdelay $0x1  }
0xe4: {  	v12 =	vmul.f32 $2.000000030e-01, v11  }
0xe5: {  	s16 =	sadd.s32 $0xFFFFFFF0, s15;
	vm0 =	vge.f32 v11, $0.0e+00  }
0xe6: {  	p1 =	slt.u32 s16, $0x2710;
	v11 =	vsel vm0, v11, v12  }
0xe7: {  	v11 =	vpsel !p1, $0xF149F2CA, v11  }
0xe8: {  	[tilespmem:s14+$0x20] =	vst v11;
	v12 =	vld [tilespmem:s14+$0x30]  }
0xe9: {  	v13 =	vld [tilespmem:s11+$0x30];
	_ =	sdelay $0x3  }
0xea: {  	v4 =	vmax.f32 v4, v5  }
0xeb: {  	v4 =	vmax.f32 v4, v6;
	v5 =	vadd.f32 v13, v12  }
.Ltmp3:
0xec: {  	v4 =	vmax.f32 v4, v7;
	(pc) =	sbr.rel @p0 .LBB2_8-.Ltmp3, $4  }
0xed: {  	v4 =	vmax.f32 v4, v8;
	v6 =	vmul.f32 $2.000000030e-01, v5  }
0xee: {  	v4 =	vmax.f32 v4, v9;
	vm0 =	vge.f32 v5, $0.0e+00  }
0xef: {  	v4 =	vmax.f32 v4, v10;
	p1 =	slt.u32 s15, $0x2710;
	v5 =	vsel vm0, v5, v6  }
0xf0: {  	v4 =	vmax.f32 v4, v11;
	s14 =	sadd.s32 $0x80, s14;
	v5 =	vpsel !p1, $0xF149F2CA, v5  }
0xf1: {  	[tilespmem:s12+$0x30] =	vst v5;
	v4 =	vmax.f32 v4, v5  }
0xf2: {  	s11 =	rddreg [dreg:$0x8];
	[tilespmem:$0xBA00] =	vst v4  }
0xf3: {  	[spmem:s11] =	stream.linear.scatter [tilespmem:s17], [sflag:$0x6], $0x10, $0x38;
	[tilespmem:$0x1F7A0] =	vst v63  }
0xf4: {  	_ =	swait.ge [sflag:s20], $0x10  }
0xf5: {  	[sflag:s20] =	ssyncset.done $0x0  }
0xf6: {  	[sflag:s20] =	ssyncadd.s32 $0xFFFFFFF0  }
0xf7: {  	[bflag:$0x0] =	sbarrier.arrive $0xFFFF  }
0xf8: {  	s16 =	rddreg [dreg:$0x3]  }
0xf9: {  	[tilespmem:s18], [sflag:$0x6] =	stream.linear.gather [spmem:s16], $0x100, $0x38;
	[tilespmem:$0x1F7A0] =	vst v63  }
0xfa: {  	_ =	swait.ge [sflag:s20], $0x100  }
0xfb: {  	[sflag:s20] =	ssyncset.done $0x0  }
0xfc: {  	[sflag:s20] =	ssyncadd.s32 $0xFFFFFF00  }
0xfd: {  	v4 =	vld [tilespmem:$0xBA80]  }
0xfe: {  	v5 =	vld [tilespmem:$0xBA90]  }
0xff: {  	v6 =	vld [tilespmem:$0xBAA0]  }
0x100: {  	v7 =	vld [tilespmem:$0xBAB0]  }
0x101: {  	v8 =	vld [tilespmem:$0xBAC0]  }
0x102: {  	v9 =	vld [tilespmem:$0xBAD0]  }
0x103: {  	v4 =	vmax.f32 v4, v5;
	v5 =	vld [tilespmem:$0xBAE0]  }
0x104: {  	v4 =	vmax.f32 v4, v6;
	v6 =	vld [tilespmem:$0xBAF0]  }
0x105: {  	v4 =	vmax.f32 v4, v7;
	v7 =	vld [tilespmem:$0xBB00]  }
0x106: {  	v4 =	vmax.f32 v4, v8;
	v8 =	vld [tilespmem:$0xBB10]  }
0x107: {  	v4 =	vmax.f32 v4, v9;
	v9 =	vld [tilespmem:$0xBB20]  }
0x108: {  	v4 =	vmax.f32 v4, v5;
	v5 =	vld [tilespmem:$0xBB30]  }
0x109: {  	v4 =	vmax.f32 v4, v6;
	v6 =	vld [tilespmem:$0xBB40]  }
0x10a: {  	v4 =	vmax.f32 v4, v7;
	v7 =	vld [tilespmem:$0xBB50]  }
0x10b: {  	v4 =	vmax.f32 v4, v8;
	v8 =	vld [tilespmem:$0xBB60]  }
0x10c: {  	v4 =	vmax.f32 v4, v9;
	v9 =	vld [tilespmem:$0xBB70]  }
0x10d: {  	v4 =	vmax.f32 v4, v5  }
0x10e: {  	v4 =	vmax.f32 v4, v6  }
0x10f: {  	v4 =	vmax.f32 v4, v7  }
0x110: {  	v4 =	vmax.f32 v4, v8  }
0x111: {  	v4 =	vmax.f32 v4, v9  }
0x112: {  	(xrf0) =	vmax.scan.msk.f32 $0xffff, v4;
	_ =	sdelay $0x2  }
0x113: {  	s19 =	simm.s32 $0x0  }
0x114: {  	v5 =	vld [tilespmem:s19+$0x5000];
	_ =	sdelay $0x1  }
0x115: {  	v6 =	vld [tilespmem:s19+$0x5010];
	v4, _, _ =	vpop (xrf0)  }
0x116: {  	v4 =	vbroadcast v4, $0xF  }
0x117: {  	v7 =	vld [tilespmem:s19+$0x5020]  }
0x118: {  	v5 =	vsub.f32 v5, v4;
	_ =	sdelay $0x1  }
0x119: {  	v8 =	vld [tilespmem:s19+$0x5030];
	v6 =	vsub.f32 v6, v4;
	v5 =	vmul.f32 $1.442695020e+00, v5  }
0x11a: {  	v9 =	vld [tilespmem:s19+$0x5050]  }
0x11b: {  	v7 =	vsub.f32 v7, v4;
	v6 =	vmul.f32 $1.442695020e+00, v6;
	(erf) = vpow2.f32 v5;
	v5 =	vld [tilespmem:s19+$0x5060];
	_ =	sdelay $0x1  }
0x11c: {  	v7 =	vmul.f32 $1.442695020e+00, v7;
	(erf) = vpow2.f32 v6;
	v6 =	vld [tilespmem:s19+$0x5070]  }
0x11d: {  	v8 =	vsub.f32 v8, v4  }
0x11e: {  	v9 =	vsub.f32 v9, v4;
	(erf) = vpow2.f32 v7;
	v7 =	vld [tilespmem:s19+$0x5040]  }
0x11f: {  	v8 =	vmul.f32 $1.442695020e+00, v8;
	v5 =	vsub.f32 v5, v4  }
0x120: {  	v9 =	vmul.f32 $1.442695020e+00, v9  }
0x121: {  	(erf) = vpow2.f32 v8;
	v6 =	vsub.f32 v6, v4;
	v5 =	vmul.f32 $1.442695020e+00, v5  }
0x122: {  	(erf) = vpow2.f32 v9  }
0x123: {  	v6 =	vmul.f32 $1.442695020e+00, v6;
	v8 =	vpop (erf);
	(erf) = vpow2.f32 v5;
	v5 =	vsub.f32 v7, v4;
	_ =	sdelay $0x1  }
0x124: {  	v5 =	vmul.f32 $1.442695020e+00, v5  }
0x125: {  	v7 =	vpop (erf);
	(erf) = vpow2.f32 v6  }
0x126: {  	v6 =	vpop (erf);
	(erf) = vpow2.f32 v5  }
0x127: {  	s11 =	simm.s32 $0x80;
	[tilespmem:s19+$0x5000] =	vst v8;
	v5 =	vimm.f32 $0.0e+00  }
0x128: {  	v9 =	vld [tilespmem:s11+$0x5000];
	[tilespmem:s19+$0x5010] =	vst v7;
	v5 =	vadd.f32 v8, v5  }
0x129: {  	v10 =	vld [tilespmem:s11+$0x5010]  }
0x12a: {  	v7 =	vadd.f32 v7, v5  }
0x12b: {  	[tilespmem:s19+$0x5020] =	vst v6;
	v11 =	vpop (erf)  }
0x12c: {  	v12 =	vld [tilespmem:s11+$0x5020];
	[tilespmem:s19+$0x5030] =	vst v11;
	v13 =	vpop (erf);
	v7 =	vadd.f32 v6, v7  }
0x12d: {  	v8 =	vld [tilespmem:s11+$0x5030];
	[tilespmem:s19+$0x5050] =	vst v13;
	v9 =	vsub.f32 v9, v4;
	v5 =	vpop (erf)  }
0x12e: {  	v14 =	vld [tilespmem:s11+$0x5050];
	v10 =	vsub.f32 v10, v4;
	[tilespmem:s19+$0x5060] =	vst v5;
	v6 =	vpop (erf);
	v7 =	vadd.f32 v11, v7  }
0x12f: {  	v9 =	vmul.f32 $1.442695020e+00, v9;
	v15 =	vld [tilespmem:s11+$0x5060];
	[tilespmem:s19+$0x5070] =	vst v6;
	v16 =	vpop (erf)  }
0x130: {  	v11 =	vld [tilespmem:s11+$0x5070];
	v17 =	vadd.f32 v16, v7;
	v7 =	vmul.f32 $1.442695020e+00, v10  }
0x131: {  	v12 =	vsub.f32 v12, v4;
	(erf) = vpow2.f32 v9;
	[tilespmem:s19+$0x5040] =	vst v16  }
0x132: {  	v8 =	vsub.f32 v8, v4;
	(erf) = vpow2.f32 v7;
	v7 =	vld [tilespmem:s11+$0x5040]  }
0x133: {  	v62 =	vsub.f32 v14, v4;
	v10 =	vmul.f32 $1.442695020e+00, v12  }
0x134: {  	v63 =	vmul.f32 $1.442695020e+00, v8;
	v15 =	vsub.f32 v15, v4  }
0x135: {  	v8 =	vmul.f32 $1.442695020e+00, v62;
	v9 =	vsub.f32 v11, v4;
	(erf) = vpow2.f32 v10  }
0x136: {  	s12 =	simm.s32 $0x400;
	v11 =	vadd.f32 v13, v17;
	v10 =	vmul.f32 $1.442695020e+00, v15;
	(erf) = vpow2.f32 v63  }
.LBB2_10:
0x137: {  	p0 =	sne.s32 s12, $0x9E00;
	v7 =	vsub.f32 v7, v4;
	v9 =	vmul.f32 $1.442695020e+00, v9;
	(erf) = vpow2.f32 v8;
	s13 =	smov.u32 s12;
	s12 =	sadd.s32 $0x200, s12  }
0x138: {  	(erf) = vpow2.f32 v10;
	v5 =	vadd.f32 v5, v11  }
0x139: {  	v7 =	vmul.f32 $1.442695020e+00, v7;
	(erf) = vpow2.f32 v9  }
0x13a: {  	v5 =	vadd.f32 v6, v5  }
0x13b: {  	(erf) = vpow2.f32 v7  }
0x13c: {  	v6 =	vpop (erf)  }
0x13d: {  	s13 =	sshra.s32 s13, $0x2;
	[tilespmem:s11+$0x5000] =	vst v6;
	v5 =	vadd.f32 v6, v5;
	v6 =	vpop (erf)  }
0x13e: {  	v7 =	vld [tilespmem:s13+$0x5000];
	[tilespmem:s11+$0x5010] =	vst v6;
	v8 =	vpop (erf)  }
0x13f: {  	v9 =	vld [tilespmem:s13+$0x5010];
	v15 =	vadd.f32 v6, v5;
	[tilespmem:s11+$0x5020] =	vst v8;
	v10 =	vpop (erf)  }
0x140: {  	v11 =	vld [tilespmem:s13+$0x5020];
	[tilespmem:s11+$0x5030] =	vst v10;
	v12 =	vpop (erf)  }
0x141: {  	v13 =	vld [tilespmem:s13+$0x5030];
	v8 =	vadd.f32 v8, v15;
	[tilespmem:s11+$0x5050] =	vst v12;
	v5 =	vpop (erf)  }
0x142: {  	v14 =	vld [tilespmem:s13+$0x5050];
	[tilespmem:s11+$0x5060] =	vst v5;
	v6 =	vpop (erf)  }
0x143: {  	v7 =	vsub.f32 v7, v4;
	v15 =	vld [tilespmem:s13+$0x5060];
	v8 =	vadd.f32 v10, v8;
	[tilespmem:s11+$0x5070] =	vst v6  }
0x144: {  	v9 =	vsub.f32 v9, v4;
	v10 =	vld [tilespmem:s13+$0x5070];
	v16 =	vpop (erf)  }
0x145: {  	v17 =	vmul.f32 $1.442695020e+00, v7;
	v11 =	vsub.f32 v11, v4;
	[tilespmem:s11+$0x5040] =	vst v16;
	v16 =	vadd.f32 v16, v8;
	s11 =	smov.u32 s13  }
.Ltmp4:
0x146: {  	v8 =	vmul.f32 $1.442695020e+00, v9;
	v9 =	vsub.f32 v13, v4;
	v7 =	vld [tilespmem:s11+$0x5040];
	(pc) =	sbr.rel @p0 .LBB2_10-.Ltmp4, $4  }
0x147: {  	v11 =	vmul.f32 $1.442695020e+00, v11;
	v13 =	vsub.f32 v14, v4;
	(erf) = vpow2.f32 v17  }
0x148: {  	v14 =	vmul.f32 $1.442695020e+00, v9;
	v15 =	vsub.f32 v15, v4;
	(erf) = vpow2.f32 v8  }
0x149: {  	v8 =	vmul.f32 $1.442695020e+00, v13;
	v9 =	vsub.f32 v10, v4;
	(erf) = vpow2.f32 v11  }
0x14a: {  	v11 =	vadd.f32 v12, v16;
	v10 =	vmul.f32 $1.442695020e+00, v15;
	(erf) = vpow2.f32 v14  }
0x14b: {  	v4 =	vsub.f32 v7, v4  }
0x14c: {  	v7 =	vmul.f32 $1.442695020e+00, v9  }
0x14d: {  	(erf) = vpow2.f32 v8;
	v4 =	vmul.f32 $1.442695020e+00, v4  }
0x14e: {  	(erf) = vpow2.f32 v10;
	v5 =	vadd.f32 v5, v11  }
0x14f: {  	(erf) = vpow2.f32 v7  }
0x150: {  	v5 =	vadd.f32 v6, v5;
	(erf) = vpow2.f32 v4  }
0x151: {  	v4 =	vpop (erf)  }
0x152: {  	v5 =	vadd.f32 v4, v5  }
0x153: {  	v6 =	vpop (erf)  }
0x154: {  	v7 =	vpop (erf);
	v5 =	vadd.f32 v6, v5  }
0x155: {  	v8 =	vpop (erf)  }
0x156: {  	v9 =	vpop (erf);
	v5 =	vadd.f32 v7, v5  }
0x157: {  	v10 =	vpop (erf)  }
0x158: {  	v11 =	vpop (erf);
	v5 =	vadd.f32 v8, v5  }
0x159: {  	v12 =	vpop (erf)  }
0x15a: {  	[tilespmem:s11+$0x5000] =	vst v4;
	v4 =	vadd.f32 v12, v5  }
0x15b: {  	[tilespmem:s11+$0x5010] =	vst v6  }
0x15c: {  	[tilespmem:s11+$0x5020] =	vst v7;
	v4 =	vadd.f32 v9, v4  }
0x15d: {  	[tilespmem:s11+$0x5030] =	vst v8  }
0x15e: {  	[tilespmem:s11+$0x5050] =	vst v9;
	v4 =	vadd.f32 v10, v4  }
0x15f: {  	[tilespmem:s11+$0x5060] =	vst v10  }
0x160: {  	[tilespmem:s11+$0x5070] =	vst v11;
	v4 =	vadd.f32 v11, v4  }
0x161: {  	[tilespmem:s11+$0x5040] =	vst v12  }
0x162: {  	s16 =	rddreg [dreg:$0x9];
	[tilespmem:$0xBA00] =	vst v4  }
0x163: {  	[spmem:s16] =	stream.linear.scatter [tilespmem:s17], [sflag:$0x6], $0x10, $0x38;
	[tilespmem:$0x1F7A0] =	vst v63  }
0x164: {  	_ =	swait.ge [sflag:s20], $0x10  }
0x165: {  	[sflag:s20] =	ssyncset.done $0x0  }
0x166: {  	[sflag:s20] =	ssyncadd.s32 $0xFFFFFFF0  }
0x167: {  	[bflag:$0x0] =	sbarrier.arrive $0xFFFF  }
0x168: {  	s19 =	rddreg [dreg:$0x4]  }
0x169: {  	[tilespmem:s18], [sflag:$0x6] =	stream.linear.gather [spmem:s19], $0x100, $0x38;
	[tilespmem:$0x1F7A0] =	vst v63  }
0x16a: {  	_ =	swait.ge [sflag:s20], $0x100  }
0x16b: {  	[sflag:s20] =	ssyncset.done $0x0  }
0x16c: {  	[sflag:s20] =	ssyncadd.s32 $0xFFFFFF00  }
0x16d: {  	v4 =	vld [tilespmem:$0xBA80]  }
0x16e: {  	v5 =	vld [tilespmem:$0xBA90];
	_ =	sdelay $0x1  }
0x16f: {  	v6 =	vld [tilespmem:$0xBAA0];
	_ =	sdelay $0x1  }
0x170: {  	v7 =	vld [tilespmem:$0xBAB0]  }
0x171: {  	v4 =	vadd.f32 v5, v4  }
0x172: {  	v5 =	vld [tilespmem:$0xBAC0]  }
0x173: {  	v4 =	vadd.f32 v6, v4  }
0x174: {  	v6 =	vld [tilespmem:$0xBAD0]  }
0x175: {  	v4 =	vadd.f32 v7, v4  }
0x176: {  	v7 =	vld [tilespmem:$0xBAE0]  }
0x177: {  	v4 =	vadd.f32 v5, v4  }
0x178: {  	v5 =	vld [tilespmem:$0xBAF0]  }
0x179: {  	v4 =	vadd.f32 v6, v4  }
0x17a: {  	v6 =	vld [tilespmem:$0xBB00]  }
0x17b: {  	v4 =	vadd.f32 v7, v4  }
0x17c: {  	v7 =	vld [tilespmem:$0xBB10]  }
0x17d: {  	v4 =	vadd.f32 v5, v4  }
0x17e: {  	v5 =	vld [tilespmem:$0xBB20]  }
0x17f: {  	v4 =	vadd.f32 v6, v4  }
0x180: {  	v6 =	vld [tilespmem:$0xBB30]  }
0x181: {  	v4 =	vadd.f32 v7, v4  }
0x182: {  	v7 =	vld [tilespmem:$0xBB40]  }
0x183: {  	v4 =	vadd.f32 v5, v4  }
0x184: {  	v5 =	vld [tilespmem:$0xBB50]  }
0x185: {  	v4 =	vadd.f32 v6, v4  }
0x186: {  	v6 =	vld [tilespmem:$0xBB60]  }
0x187: {  	v4 =	vadd.f32 v7, v4  }
0x188: {  	v7 =	vld [tilespmem:$0xBB70]  }
0x189: {  	v4 =	vadd.f32 v5, v4;
	_ =	sdelay $0x1  }
0x18a: {  	v4 =	vadd.f32 v6, v4;
	_ =	sdelay $0x1  }
0x18b: {  	v4 =	vadd.f32 v7, v4;
	_ =	sdelay $0x1  }
0x18c: {  	(xrf2) =	vadd.scan.msk.f32 $0xffff, v4;
	_ =	sdelay $0x9  }
0x18d: {  	v5, _, _ =	vpop (xrf2)  }
0x18e: {  	s11 =	simm.s32 $0x0;
	v5 =	vbroadcast v5, $0xF  }
0x18f: {  	v8 =	vld [tilespmem:s11+$0x2860]  }
0x190: {  	v4 =	vld [tilespmem:s11+$0x2870];
	(erf) = vrcp.f32 v5  }
0x191: {  	v10 =	vld [tilespmem:s11+$0x2840]  }
0x192: {  	v13 =	vld [tilespmem:s11+$0x2800]  }
0x193: {  	v11 =	vld [tilespmem:s11+$0x5050]  }
0x194: {  	v15 =	vld [tilespmem:s11+$0x2810]  }
0x195: {  	v16 =	vld [tilespmem:s11+$0x5020];
	v4 =	vadd.s32 v0, v4  }
0x196: {  	v7 =	vld [tilespmem:s11+$0x5060];
	[tilespmem:s11+$0x2870] =	vst v4;
	v4 =	vadd.s32 v0, v8  }
0x197: {  	v9 =	vld [tilespmem:s11+$0x5000]  }
0x198: {  	v12 =	vld [tilespmem:s11+$0x2850]  }
0x199: {  	v6 =	vld [tilespmem:s11+$0x5010];
	[tilespmem:s11+$0x2860] =	vst v4;
	v4 =	vpop (erf)  }
0x19a: {  	v10 =	vadd.s32 v0, v10;
	v8 =	vld [tilespmem:s11+$0x2820];
	v11 =	vmul.f32 v11, v4  }
0x19b: {  	[tilespmem:s11+$0x2840] =	vst v10;
	v10 =	vld [tilespmem:s11+$0x5030];
	v17 =	vmul.f32 v7, v4  }
0x19c: {  	v5 =	vld [tilespmem:s11+$0x5070];
	[tilespmem:s11+$0x5050] =	vst v11  }
0x19d: {  	s12 =	simm.s32 $0x200;
	v14 =	vadd.s32 v0, v13;
	v7 =	vadd.s32 v0, v15;
	v13 =	vmul.f32 v16, v4;
	v11 =	vld [tilespmem:s11+$0x2830];
	[tilespmem:s11+$0x5060] =	vst v17  }
.LBB2_12:
0x19e: {  	s13 =	sshra.s32 s12, $0x2;
	p0 =	sne.s32 s12, $0x9E00;
	s12 =	sadd.s32 $0x200, s12;
	v9 =	vmul.f32 v9, v4;
	[tilespmem:s11+$0x2800] =	vst v14;
	v6 =	vmul.f32 v6, v4;
	v14 =	vld [tilespmem:s11+$0x5040]  }
0x19f: {  	v15 =	vld [tilespmem:s13+$0x5060];
	[tilespmem:s11+$0x5020] =	vst v13;
	v8 =	vadd.s32 v0, v8  }
0x1a0: {  	v13 =	vld [tilespmem:s13+$0x2870];
	[tilespmem:s11+$0x5000] =	vst v9;
	v9 =	vadd.s32 v0, v12  }
0x1a1: {  	v12 =	vld [tilespmem:s13+$0x2860];
	[tilespmem:s11+$0x2820] =	vst v8;
	v8 =	vmul.f32 v10, v4  }
0x1a2: {  	v5 =	vmul.f32 v5, v4;
	v10 =	vld [tilespmem:s13+$0x2840];
	v11 =	vadd.s32 v0, v11;
	[tilespmem:s11+$0x2850] =	vst v9  }
0x1a3: {  	v16 =	vld [tilespmem:s13+$0x2800];
	[tilespmem:s11+$0x5030] =	vst v8;
	v8 =	vmul.f32 v14, v4  }
0x1a4: {  	v14 =	vld [tilespmem:s13+$0x5050];
	[tilespmem:s11+$0x2810] =	vst v7  }
0x1a5: {  	v7 =	vld [tilespmem:s13+$0x2810];
	v13 =	vadd.s32 v0, v13;
	[tilespmem:s11+$0x2830] =	vst v11  }
0x1a6: {  	v11 =	vld [tilespmem:s13+$0x5020];
	v12 =	vadd.s32 v0, v12;
	[tilespmem:s11+$0x5010] =	vst v6  }
0x1a7: {  	v6 =	vld [tilespmem:s13+$0x5010];
	v10 =	vadd.s32 v0, v10;
	[tilespmem:s11+$0x5070] =	vst v5  }
0x1a8: {  	v5 =	vld [tilespmem:s13+$0x5070];
	[tilespmem:s11+$0x5040] =	vst v8;
	s11 =	smov.u32 s13  }
.Ltmp5:
0x1a9: {  	v9 =	vld [tilespmem:s11+$0x5000];
	[tilespmem:s11+$0x2870] =	vst v13;
	(pc) =	sbr.rel @p0 .LBB2_12-.Ltmp5, $4  }
0x1aa: {  	v15 =	vmul.f32 v15, v4;
	v13 =	vmul.f32 v14, v4;
	v8 =	vld [tilespmem:s11+$0x2820];
	[tilespmem:s11+$0x2860] =	vst v12  }
0x1ab: {  	[tilespmem:s11+$0x2840] =	vst v10;
	v12 =	vld [tilespmem:s11+$0x2850]  }
0x1ac: {  	v14 =	vadd.s32 v0, v16;
	v10 =	vld [tilespmem:s11+$0x5030];
	[tilespmem:s11+$0x5050] =	vst v13  }
0x1ad: {  	v7 =	vadd.s32 v0, v7;
	v13 =	vmul.f32 v11, v4;
	v11 =	vld [tilespmem:s11+$0x2830];
	[tilespmem:s11+$0x5060] =	vst v15  }
0x1ae: {  	[tilespmem:s11+$0x2800] =	vst v14  }
0x1af: {  	v9 =	vmul.f32 v9, v4;
	[tilespmem:s11+$0x2810] =	vst v7  }
0x1b0: {  	[tilespmem:s11+$0x5020] =	vst v13  }
0x1b1: {  	v59 =	vld [tilespmem:s11+$0x5040];
	v6 =	vmul.f32 v6, v4;
	v8 =	vadd.s32 v0, v8;
	[tilespmem:s11+$0x5000] =	vst v9  }
0x1b2: {  	v5 =	vmul.f32 v5, v4;
	[tilespmem:s11+$0x2820] =	vst v8  }
0x1b3: {  	[tilespmem:s11+$0x5010] =	vst v6  }
0x1b4: {  	v60 =	vadd.s32 v0, v12;
	[tilespmem:s11+$0x5070] =	vst v5;
	v61 =	vmul.f32 v10, v4  }
0x1b5: {  	[tilespmem:s11+$0x2850] =	vst v60  }
0x1b6: {  	v62 =	vadd.s32 v0, v11;
	[tilespmem:s11+$0x5030] =	vst v61;
	v4 =	vmul.f32 v59, v4  }
0x1b7: {  	[tilespmem:s11+$0x2830] =	vst v62  }
0x1b8: {  	[tilespmem:s11+$0x5040] =	vst v4  }
0x1b9: {  	v4 =	vld [tilespmem:$0x0]  }
0x1ba: {  	v5 =	vld [tilespmem:$0x2800]  }
0x1bb: {  	v6 =	vld [tilespmem:$0x10]  }
0x1bc: {  	v7 =	vld [tilespmem:$0x2810]  }
0x1bd: {  	v8 =	vld [tilespmem:$0x20]  }
0x1be: {  	v63 =	vld [tilespmem:$0x2830];
	[tilespmem:$0xB800] =	vst v4  }
0x1bf: {  	v4 =	vld [tilespmem:$0x2820];
	[tilespmem:$0xB900] =	vst v5  }
0x1c0: {  	v5 =	vld [tilespmem:$0x30];
	[tilespmem:$0xB810] =	vst v6  }
0x1c1: {  	[tilespmem:$0xB910] =	vst v7  }
0x1c2: {  	[tilespmem:$0xB820] =	vst v8  }
0x1c3: {  	[tilespmem:$0xB930] =	vst v63  }
0x1c4: {  	[tilespmem:$0xB920] =	vst v4  }
0x1c5: {  	s19 =	simm.s32 $0xB900;
	s12 =	simm.s32 $0x0;
	s11 =	simm.s32 $0x0;
	[tilespmem:$0xB830] =	vst v5  }
0x1c6: {  	[tilespmem:s22], [sflag:$0x2] =	stream.indirect.gather [hbm4b:s6+s29], $0x80, s19, s29, $0xb8;
	[tilespmem:$0x1F7A0] =	vst v63  }
.LBB2_14:
0x1c7: {  	p0 =	seq.s32 s12, $0x0  }
0x1c8: {  	s13 =	simm.s32 @!p0 $0x5  }
0x1c9: {  	_ =	swait.ge @!p0 [sflag:s13], $0x2000  }
0x1ca: {  	[sflag:s13] =	ssyncset.done @!p0 $0x0  }
0x1cb: {  	s18 =	sshll.u32 s12, $0x7;
	[sflag:s13] =	ssyncadd.s32 @!p0 $0xFFFFE000  }
0x1cc: {  	v4 =	vld [tilespmem:s18+$0x40];
	_ =	sdelay $0x4  }
0x1cd: {  	[tilespmem:$0xB880] =	vst v4  }
0x1ce: {  	v4 =	vld [tilespmem:s18+$0x2840];
	_ =	sdelay $0x4  }
0x1cf: {  	[tilespmem:$0xB980] =	vst v4  }
0x1d0: {  	v4 =	vld [tilespmem:s18+$0x50];
	_ =	sdelay $0x4  }
0x1d1: {  	[tilespmem:$0xB890] =	vst v4  }
0x1d2: {  	v4 =	vld [tilespmem:s18+$0x2850];
	_ =	sdelay $0x4  }
0x1d3: {  	[tilespmem:$0xB990] =	vst v4  }
0x1d4: {  	v4 =	vld [tilespmem:s18+$0x60];
	_ =	sdelay $0x4  }
0x1d5: {  	[tilespmem:$0xB8A0] =	vst v4  }
0x1d6: {  	v4 =	vld [tilespmem:s18+$0x2860];
	_ =	sdelay $0x4  }
0x1d7: {  	[tilespmem:$0xB9A0] =	vst v4  }
0x1d8: {  	v4 =	vld [tilespmem:s18+$0x70];
	_ =	sdelay $0x4  }
0x1d9: {  	[tilespmem:$0xB8B0] =	vst v4  }
0x1da: {  	v4 =	vld [tilespmem:s18+$0x2870];
	_ =	sdelay $0x1  }
0x1db: {  	s15 =	sadd.s32 $0x0, s11  }
0x1dc: {  	v5 =	vmov s15  }
0x1dd: {  	v5 =	vand.u32 $0xFFFFFFFC, v5  }
0x1de: {  	[tilespmem:$0xB9B0] =	vst v4;
	v4 =	vbroadcast v5, $0x0  }
0x1df: {  	[tilespmem:s0], [sflag:$0x3] =	stream.indirect.gather [hbm4b:s6+s29], $0x80, s31, s29, $0xb8;
	[tilespmem:$0x1F7A0] =	vst v63  }
0x1e0: {  	_ =	swait.ge [sflag:s21], $0x2000  }
0x1e1: {  	[sflag:s21] =	ssyncset.done $0x0  }
0x1e2: {  	s13 =	simm.s32 $0x7900;
	[sflag:s21] =	ssyncadd.s32 $0xFFFFE000  }
0x1e3: {  	v5 =	vld [tilespmem:s13+$0xFFFFFF70]  }
0x1e4: {  	v4 =	vld.idx.msk [tilespmem:v4+s30+$0x0], $0xffff  }
0x1e5: {  	v6 =	vld [tilespmem:s13+$0xFFFFFF00]  }
0x1e6: {  	v7 =	vld [tilespmem:s13+$0xFFFFFF20]  }
0x1e7: {  	v8 =	vld [tilespmem:s13+$0xFFFFFF50]  }
0x1e8: {  	v9 =	vld [tilespmem:s13+$0xFFFFFF40]  }
0x1e9: {  	v10 =	vld [tilespmem:s13+$0xFFFFFF60];
	v5 =	vmul.f32 v5, v4  }
0x1ea: {  	s14 =	sadd.s32 $0x1, s15;
	v11 =	vld [tilespmem:s13+$0xFFFFFF30];
	v6 =	vmul.f32 v6, v4  }
0x1eb: {  	v12 =	vmov s14;
	v13 =	vld [tilespmem:s13+$0xFFFFFF10];
	v7 =	vmul.f32 v7, v4;
	[tilespmem:s13+$0xFFFFFF70] =	vst v5  }
0x1ec: {  	v8 =	vmul.f32 v8, v4;
	v5 =	vand.u32 $0xFFFFFFFD, v12;
	[tilespmem:s13+$0xFFFFFF00] =	vst v6  }
0x1ed: {  	v6 =	vmul.f32 v9, v4;
	[tilespmem:s13+$0xFFFFFF20] =	vst v7;
	v5 =	vbroadcast v5, $0x0  }
0x1ee: {  	v7 =	vmul.f32 v10, v4;
	[tilespmem:s13+$0xFFFFFF50] =	vst v8  }
0x1ef: {  	v8 =	vmul.f32 v11, v4;
	[tilespmem:s13+$0xFFFFFF40] =	vst v6  }
0x1f0: {  	v4 =	vmul.f32 v13, v4;
	[tilespmem:s13+$0xFFFFFF60] =	vst v7  }
0x1f1: {  	[tilespmem:s13+$0xFFFFFF30] =	vst v8  }
0x1f2: {  	[tilespmem:s13+$0xFFFFFF10] =	vst v4;
	v4 =	vld [tilespmem:s13+$0xFFFFFF90]  }
0x1f3: {  	v6 =	vld.idx.msk [tilespmem:v5+s30+$0x0], $0xffff  }
0x1f4: {  	v5 =	vld [tilespmem:s13+$0xFFFFFFA0]  }
0x1f5: {  	v7 =	vld [tilespmem:s13+$0xFFFFFF80]  }
0x1f6: {  	v8 =	vld [tilespmem:s13+$0xFFFFFFB0]  }
0x1f7: {  	v9 =	vld [tilespmem:s13+$0xFFFFFFC0]  }
0x1f8: {  	v10 =	vld [tilespmem:s13+$0xFFFFFFD0];
	v4 =	vmul.f32 v4, v6  }
0x1f9: {  	s19 =	sadd.s32 $0x2, s15;
	v11 =	vld [tilespmem:s13+$0xFFFFFFF0];
	v5 =	vmul.f32 v5, v6  }
0x1fa: {  	v62 =	vmov s19;
	v63 =	vld [tilespmem:s13+$0xFFFFFFE0];
	v7 =	vmul.f32 v7, v6;
	[tilespmem:s13+$0xFFFFFF90] =	vst v4  }
0x1fb: {  	v8 =	vmul.f32 v8, v6;
	v4 =	vand.u32 $0xFFFFFFFE, v62;
	[tilespmem:s13+$0xFFFFFFA0] =	vst v5  }
0x1fc: {  	v5 =	vmul.f32 v9, v6;
	[tilespmem:s13+$0xFFFFFF80] =	vst v7;
	v9 =	vld [tilespmem:s13+$0x60];
	v12 =	vbroadcast v4, $0x0  }
0x1fd: {  	v7 =	vmul.f32 v10, v6;
	[tilespmem:s13+$0xFFFFFFB0] =	vst v8;
	v10 =	vld [tilespmem:s13+$0x0]  }
0x1fe: {  	v8 =	vmul.f32 v11, v6;
	v4 =	vld [tilespmem:s13+$0x20];
	[tilespmem:s13+$0xFFFFFFC0] =	vst v5  }
0x1ff: {  	v6 =	vmul.f32 v63, v6;
	v5 =	vld [tilespmem:s13+$0x30];
	[tilespmem:s13+$0xFFFFFFD0] =	vst v7  }
0x200: {  	[tilespmem:s13+$0xFFFFFFF0] =	vst v8;
	v7 =	vld [tilespmem:s13+$0x40]  }
0x201: {  	[tilespmem:s13+$0xFFFFFFE0] =	vst v6;
	v8 =	vld [tilespmem:s13+$0x10]  }
0x202: {  	s16 =	sadd.s32 $0x3, s15;
	s15 =	simm.s32 $0x7900;
	s14 =	simm.s32 $0x4;
	v6 =	vld.idx.msk [tilespmem:v12+s30+$0x0], $0xffff  }
.LBB2_15:
0x203: {  	p0 =	sne.s32 s14, $0x3C  }
0x204: {  	v11 =	vld [tilespmem:s13+$0x50];
	s15 =	sadd.s32 $0x200, s15;
	s17 =	smov.u32 s14;
	s14 =	sadd.s32 $0x4, s14  }
0x205: {  	v12 =	vld [tilespmem:s13+$0x70];
	_ =	sdelay $0x1  }
0x206: {  	v9 =	vmul.f32 v9, v6;
	v10 =	vmul.f32 v10, v6  }
0x207: {  	v7 =	vmul.f32 v7, v6;
	v8 =	vmul.f32 v8, v6  }
0x208: {  	v4 =	vmul.f32 v4, v6;
	v5 =	vmul.f32 v5, v6;
	[tilespmem:s13+$0x60] =	vst v9  }
0x209: {  	[tilespmem:s13+$0x40] =	vst v7;
	v7 =	vmul.f32 v11, v6;
	v6 =	vmul.f32 v12, v6  }
0x20a: {  	[tilespmem:s13+$0x20] =	vst v4;
	v9 =	vld [tilespmem:s13+$0x80]  }
0x20b: {  	v4 =	vld [tilespmem:s15+$0x20];
	[tilespmem:s13+$0x0] =	vst v10;
	v10 =	vmov s16  }
0x20c: {  	[tilespmem:s13+$0x50] =	vst v7;
	v7 =	vld [tilespmem:s13+$0xE0]  }
0x20d: {  	[tilespmem:s13+$0x30] =	vst v5;
	v11 =	vld [tilespmem:s13+$0xC0]  }
0x20e: {  	v5 =	vld [tilespmem:s15+$0x30];
	[tilespmem:s13+$0x10] =	vst v8  }
0x20f: {  	[tilespmem:s13+$0x70] =	vst v6;
	v6 =	vld [tilespmem:s13+$0xA0]  }
0x210: {  	v8 =	vld.idx.msk [tilespmem:v10+s30+$0x0], $0xffff  }
0x211: {  	v10 =	vld [tilespmem:s13+$0x90]  }
0x212: {  	v12 =	vld [tilespmem:s13+$0xB0]  }
0x213: {  	v13 =	vld [tilespmem:s13+$0xD0]  }
0x214: {  	v14 =	vld [tilespmem:s13+$0xF0];
	_ =	sdelay $0x1  }
0x215: {  	v9 =	vmul.f32 v9, v8;
	v10 =	vmul.f32 v10, v8  }
0x216: {  	s16 =	sadd.s32 s17, s11;
	v6 =	vmul.f32 v6, v8;
	v12 =	vmul.f32 v12, v8  }
0x217: {  	v15 =	vmov s16;
	s17 =	sadd.s32 $0x1, s16;
	s18 =	sadd.s32 $0x2, s16;
	s16 =	sadd.s32 $0x3, s16;
	[tilespmem:s13+$0x80] =	vst v9;
	v9 =	vmul.f32 v11, v8;
	v11 =	vmul.f32 v13, v8  }
0x218: {  	v13 =	vand.u32 $0xFFFFFFFC, v15;
	[tilespmem:s13+$0xA0] =	vst v6;
	v6 =	vmul.f32 v7, v8;
	v7 =	vmul.f32 v14, v8  }
0x219: {  	v8 =	vbroadcast v13, $0x0;
	v13 =	vmov s17;
	v14 =	vmov s18;
	[tilespmem:s13+$0xC0] =	vst v9  }
0x21a: {  	v9 =	vand.u32 $0xFFFFFFFD, v13;
	v13 =	vand.u32 $0xFFFFFFFE, v14;
	[tilespmem:s13+$0xF0] =	vst v7  }
0x21b: {  	v7 =	vld [tilespmem:s15+$0xFFFFFF40];
	[tilespmem:s13+$0xE0] =	vst v6  }
0x21c: {  	v6 =	vld [tilespmem:s15+$0xFFFFFF50];
	[tilespmem:s13+$0x90] =	vst v10  }
0x21d: {  	v10 =	vld [tilespmem:s15+$0xFFFFFF60];
	[tilespmem:s13+$0xB0] =	vst v12  }
0x21e: {  	v12 =	vld [tilespmem:s15+$0xFFFFFF70];
	[tilespmem:s13+$0xD0] =	vst v11;
	s13 =	smov.u32 s15  }
0x21f: {  	v8 =	vld.idx.msk [tilespmem:v8+s30+$0x0], $0xffff  }
0x220: {  	v11 =	vld [tilespmem:s15+$0xFFFFFF00]  }
0x221: {  	v14 =	vld [tilespmem:s15+$0xFFFFFF20]  }
0x222: {  	v15 =	vld [tilespmem:s15+$0xFFFFFF10]  }
0x223: {  	v16 =	vld [tilespmem:s15+$0xFFFFFF30];
	_ =	sdelay $0x1  }
0x224: {  	v12 =	vmul.f32 v12, v8;
	v11 =	vmul.f32 v11, v8  }
0x225: {  	v10 =	vmul.f32 v10, v8;
	v14 =	vmul.f32 v14, v8  }
0x226: {  	v6 =	vmul.f32 v6, v8;
	v15 =	vmul.f32 v15, v8;
	[tilespmem:s15+$0xFFFFFF70] =	vst v12  }
0x227: {  	v7 =	vmul.f32 v7, v8;
	[tilespmem:s15+$0xFFFFFF00] =	vst v11;
	v11 =	vmul.f32 v16, v8  }
0x228: {  	v8 =	vbroadcast v9, $0x0;
	[tilespmem:s15+$0xFFFFFF20] =	vst v14  }
0x229: {  	[tilespmem:s15+$0xFFFFFF50] =	vst v6  }
0x22a: {  	[tilespmem:s15+$0xFFFFFF40] =	vst v7;
	v6 =	vld [tilespmem:s15+$0xFFFFFFF0]  }
0x22b: {  	[tilespmem:s15+$0xFFFFFF60] =	vst v10;
	v7 =	vld [tilespmem:s15+$0xFFFFFFC0]  }
0x22c: {  	[tilespmem:s15+$0xFFFFFF30] =	vst v11;
	v9 =	vld [tilespmem:s15+$0xFFFFFFD0]  }
0x22d: {  	[tilespmem:s15+$0xFFFFFF10] =	vst v15;
	v10 =	vld [tilespmem:s15+$0xFFFFFF90]  }
0x22e: {  	v8 =	vld.idx.msk [tilespmem:v8+s30+$0x0], $0xffff  }
0x22f: {  	v11 =	vld [tilespmem:s15+$0xFFFFFF80]  }
0x230: {  	v12 =	vld [tilespmem:s15+$0xFFFFFFA0]  }
0x231: {  	v14 =	vld [tilespmem:s15+$0xFFFFFFB0]  }
0x232: {  	v15 =	vld [tilespmem:s15+$0xFFFFFFE0];
	_ =	sdelay $0x1  }
0x233: {  	v10 =	vmul.f32 v10, v8;
	v11 =	vmul.f32 v11, v8  }
0x234: {  	v9 =	vmul.f32 v9, v8;
	v12 =	vmul.f32 v12, v8  }
0x235: {  	v7 =	vmul.f32 v7, v8;
	[tilespmem:s15+$0xFFFFFF90] =	vst v10;
	v10 =	vmul.f32 v14, v8  }
0x236: {  	v6 =	vmul.f32 v6, v8;
	[tilespmem:s15+$0xFFFFFFA0] =	vst v12;
	v12 =	vmul.f32 v15, v8  }
0x237: {  	v8 =	vbroadcast v13, $0x0;
	[tilespmem:s15+$0xFFFFFF80] =	vst v11  }
0x238: {  	[tilespmem:s15+$0xFFFFFFB0] =	vst v10  }
0x239: {  	[tilespmem:s15+$0xFFFFFFC0] =	vst v7  }
0x23a: {  	[tilespmem:s15+$0xFFFFFFD0] =	vst v9  }
.Ltmp6:
0x23b: {  	[tilespmem:s15+$0xFFFFFFF0] =	vst v6;
	v7 =	vld [tilespmem:s15+$0x40];
	(pc) =	sbr.rel @p0 .LBB2_15-.Ltmp6, $4  }
0x23c: {  	[tilespmem:s15+$0xFFFFFFE0] =	vst v12;
	v9 =	vld [tilespmem:s15+$0x60]  }
0x23d: {  	v6 =	vld.idx.msk [tilespmem:v8+s30+$0x0], $0xffff  }
0x23e: {  	v10 =	vld [tilespmem:s15+$0x0]  }
0x23f: {  	v8 =	vld [tilespmem:s15+$0x10]  }
0x240: {  	_ =	sdelay $0x1  }
0x241: {  	v9 =	vmul.f32 v9, v6  }
0x242: {  	v11 =	vld [tilespmem:s13+$0x50];
	v7 =	vmul.f32 v7, v6  }
0x243: {  	v12 =	vld [tilespmem:s13+$0x70];
	v4 =	vmul.f32 v4, v6;
	[tilespmem:s13+$0x60] =	vst v9  }
0x244: {  	v9 =	vmul.f32 v10, v6;
	[tilespmem:s13+$0x40] =	vst v7  }
0x245: {  	[tilespmem:s13+$0x20] =	vst v4;
	v4 =	vmul.f32 v5, v6  }
0x246: {  	v8 =	vmul.f32 v8, v6;
	[tilespmem:s13+$0x0] =	vst v9;
	v9 =	vmov s16  }
0x247: {  	v7 =	vmul.f32 v11, v6;
	[tilespmem:s13+$0x30] =	vst v4  }
0x248: {  	v6 =	vmul.f32 v12, v6;
	[tilespmem:s13+$0x10] =	vst v8  }
0x249: {  	[tilespmem:s13+$0x50] =	vst v7  }
0x24a: {  	v5 =	vld [tilespmem:s13+$0x80];
	[tilespmem:s13+$0x70] =	vst v6  }
0x24b: {  	v4 =	vld.idx.msk [tilespmem:v9+s30+$0x0], $0xffff  }
0x24c: {  	v6 =	vld [tilespmem:s13+$0xA0]  }
0x24d: {  	v7 =	vld [tilespmem:s13+$0xC0]  }
0x24e: {  	v8 =	vld [tilespmem:s13+$0xF0]  }
0x24f: {  	v9 =	vld [tilespmem:s13+$0xE0]  }
0x250: {  	v10 =	vld [tilespmem:s13+$0x90];
	v5 =	vmul.f32 v5, v4  }
0x251: {  	v11 =	vld [tilespmem:s13+$0xB0];
	v6 =	vmul.f32 v6, v4  }
0x252: {  	v60 =	vld [tilespmem:s13+$0xD0];
	[tilespmem:s13+$0x80] =	vst v5;
	v5 =	vmul.f32 v7, v4  }
0x253: {  	[tilespmem:s13+$0xA0] =	vst v6;
	v6 =	vmul.f32 v8, v4  }
0x254: {  	v7 =	vmul.f32 v9, v4;
	[tilespmem:s13+$0xC0] =	vst v5  }
0x255: {  	s15 =	sadd.s32 $0xFFFFFFC0, s11;
	v5 =	vmul.f32 v10, v4;
	[tilespmem:s13+$0xF0] =	vst v6  }
0x256: {  	s14 =	sadd.s32 $0x80, s15;
	v6 =	vmul.f32 v11, v4;
	[tilespmem:s13+$0xE0] =	vst v7  }
0x257: {  	v4 =	vmul.f32 v60, v4;
	[tilespmem:s13+$0x90] =	vst v5;
	v5 =	vmov s14  }
0x258: {  	[tilespmem:s13+$0xB0] =	vst v6;
	v5 =	vand.u32 $0xFFFFFFFC, v5  }
0x259: {  	[tilespmem:s13+$0xD0] =	vst v4;
	v4 =	vbroadcast v5, $0x0  }
0x25a: {  	[spmem:s1] =	stream.indirect.scatter.add.f32 [tilespmem:s22], [sflag:$0x4], $0x80, s2, s29, $0xb8;
	[tilespmem:$0x1F7A0] =	vst v63  }
0x25b: {  	_ =	swait.ge [sflag:s3], $0x2000  }
0x25c: {  	[sflag:s3] =	ssyncset.done $0x0  }
0x25d: {  	s13 =	simm.s32 $0x99F0;
	[sflag:s3] =	ssyncadd.s32 $0xFFFFE000  }
0x25e: {  	v5 =	vld [tilespmem:s13+$0xFFFFFE80]  }
0x25f: {  	v4 =	vld.idx.msk [tilespmem:v4+s30+$0x0], $0xffff  }
0x260: {  	v6 =	vld [tilespmem:s13+$0xFFFFFE10]  }
0x261: {  	v7 =	vld [tilespmem:s13+$0xFFFFFE30]  }
0x262: {  	v8 =	vld [tilespmem:s13+$0xFFFFFE60]  }
0x263: {  	v9 =	vld [tilespmem:s13+$0xFFFFFE50]  }
0x264: {  	v10 =	vld [tilespmem:s13+$0xFFFFFE70];
	v5 =	vmul.f32 v5, v4  }
0x265: {  	s18 =	sadd.s32 $0x81, s15;
	v11 =	vld [tilespmem:s13+$0xFFFFFE40];
	v6 =	vmul.f32 v6, v4  }
0x266: {  	v61 =	vmov s18;
	v13 =	vld [tilespmem:s13+$0xFFFFFE20];
	v7 =	vmul.f32 v7, v4;
	[tilespmem:s13+$0xFFFFFE80] =	vst v5  }
0x267: {  	v8 =	vmul.f32 v8, v4;
	v5 =	vand.u32 $0xFFFFFFFD, v61;
	[tilespmem:s13+$0xFFFFFE10] =	vst v6  }
0x268: {  	v6 =	vmul.f32 v9, v4;
	[tilespmem:s13+$0xFFFFFE30] =	vst v7;
	v5 =	vbroadcast v5, $0x0  }
0x269: {  	v7 =	vmul.f32 v10, v4;
	[tilespmem:s13+$0xFFFFFE60] =	vst v8  }
0x26a: {  	v8 =	vmul.f32 v11, v4;
	[tilespmem:s13+$0xFFFFFE50] =	vst v6  }
0x26b: {  	v4 =	vmul.f32 v13, v4;
	[tilespmem:s13+$0xFFFFFE70] =	vst v7  }
0x26c: {  	[tilespmem:s13+$0xFFFFFE40] =	vst v8  }
0x26d: {  	[tilespmem:s13+$0xFFFFFE20] =	vst v4;
	v4 =	vld [tilespmem:s13+$0xFFFFFEA0]  }
0x26e: {  	v6 =	vld.idx.msk [tilespmem:v5+s30+$0x0], $0xffff  }
0x26f: {  	v5 =	vld [tilespmem:s13+$0xFFFFFEB0]  }
0x270: {  	v7 =	vld [tilespmem:s13+$0xFFFFFE90]  }
0x271: {  	v8 =	vld [tilespmem:s13+$0xFFFFFEC0]  }
0x272: {  	v9 =	vld [tilespmem:s13+$0xFFFFFED0]  }
0x273: {  	v10 =	vld [tilespmem:s13+$0xFFFFFEE0];
	v4 =	vmul.f32 v4, v6  }
0x274: {  	s19 =	sadd.s32 $0x82, s15;
	v11 =	vld [tilespmem:s13+$0xFFFFFF00];
	v5 =	vmul.f32 v5, v6  }
0x275: {  	v62 =	vmov s19;
	v63 =	vld [tilespmem:s13+$0xFFFFFEF0];
	v7 =	vmul.f32 v7, v6;
	[tilespmem:s13+$0xFFFFFEA0] =	vst v4  }
0x276: {  	v8 =	vmul.f32 v8, v6;
	v4 =	vand.u32 $0xFFFFFFFE, v62;
	[tilespmem:s13+$0xFFFFFEB0] =	vst v5  }
0x277: {  	v5 =	vmul.f32 v9, v6;
	[tilespmem:s13+$0xFFFFFE90] =	vst v7;
	v9 =	vld [tilespmem:s13+$0xFFFFFF70];
	v12 =	vbroadcast v4, $0x0  }
0x278: {  	v7 =	vmul.f32 v10, v6;
	[tilespmem:s13+$0xFFFFFEC0] =	vst v8;
	v10 =	vld [tilespmem:s13+$0xFFFFFF10]  }
0x279: {  	v8 =	vmul.f32 v11, v6;
	v4 =	vld [tilespmem:s13+$0xFFFFFF30];
	[tilespmem:s13+$0xFFFFFED0] =	vst v5  }
0x27a: {  	v6 =	vmul.f32 v63, v6;
	v5 =	vld [tilespmem:s13+$0xFFFFFF40];
	[tilespmem:s13+$0xFFFFFEE0] =	vst v7  }
0x27b: {  	[tilespmem:s13+$0xFFFFFF00] =	vst v8;
	v7 =	vld [tilespmem:s13+$0xFFFFFF50]  }
0x27c: {  	[tilespmem:s13+$0xFFFFFEF0] =	vst v6;
	v8 =	vld [tilespmem:s13+$0xFFFFFF20]  }
0x27d: {  	s16 =	sadd.s32 $0x83, s15;
	s15 =	simm.s32 $0x99F0;
	s14 =	simm.s32 $0xFFFFFFC4;
	v6 =	vld.idx.msk [tilespmem:v12+s30+$0x0], $0xffff  }
.LBB2_17:
0x27e: {  	p0 =	sne.s32 s14, $0xFFFFFFFC  }
0x27f: {  	v11 =	vld [tilespmem:s13+$0xFFFFFF60];
	s15 =	sadd.s32 $0x200, s15;
	s17 =	smov.u32 s14;
	s14 =	sadd.s32 $0x4, s14  }
0x280: {  	v12 =	vld [tilespmem:s13+$0xFFFFFF80];
	_ =	sdelay $0x1  }
0x281: {  	v9 =	vmul.f32 v9, v6;
	v10 =	vmul.f32 v10, v6  }
0x282: {  	v7 =	vmul.f32 v7, v6;
	v8 =	vmul.f32 v8, v6  }
0x283: {  	v4 =	vmul.f32 v4, v6;
	v5 =	vmul.f32 v5, v6;
	[tilespmem:s13+$0xFFFFFF70] =	vst v9  }
0x284: {  	[tilespmem:s13+$0xFFFFFF50] =	vst v7;
	v7 =	vmul.f32 v11, v6;
	v6 =	vmul.f32 v12, v6  }
0x285: {  	[tilespmem:s13+$0xFFFFFF30] =	vst v4;
	v9 =	vld [tilespmem:s13+$0xFFFFFFF0]  }
0x286: {  	v4 =	vld [tilespmem:s15+$0xFFFFFF30];
	[tilespmem:s13+$0xFFFFFF10] =	vst v10;
	v10 =	vmov s16  }
0x287: {  	[tilespmem:s13+$0xFFFFFF60] =	vst v7;
	v7 =	vld [tilespmem:s13+$0xFFFFFF90]  }
0x288: {  	[tilespmem:s13+$0xFFFFFF40] =	vst v5;
	v11 =	vld [tilespmem:s13+$0xFFFFFFD0]  }
0x289: {  	v5 =	vld [tilespmem:s15+$0xFFFFFF40];
	[tilespmem:s13+$0xFFFFFF20] =	vst v8  }
0x28a: {  	[tilespmem:s13+$0xFFFFFF80] =	vst v6;
	v6 =	vld [tilespmem:s13+$0xFFFFFFB0]  }
0x28b: {  	v8 =	vld.idx.msk [tilespmem:v10+s30+$0x0], $0xffff  }
0x28c: {  	v10 =	vld [tilespmem:s13+$0xFFFFFFA0]  }
0x28d: {  	v12 =	vld [tilespmem:s13+$0xFFFFFFC0]  }
0x28e: {  	v13 =	vld [tilespmem:s13+$0xFFFFFFE0]  }
0x28f: {  	v14 =	vld [tilespmem:s13+$0x0];
	_ =	sdelay $0x1  }
0x290: {  	s16 =	sadd.s32 s17, s11;
	v7 =	vmul.f32 v7, v8;
	v10 =	vmul.f32 v10, v8  }
0x291: {  	s17 =	sadd.s32 $0x80, s16;
	s18 =	sadd.s32 $0x81, s16;
	s19 =	sadd.s32 $0x82, s16;
	v6 =	vmul.f32 v6, v8;
	v12 =	vmul.f32 v12, v8  }
0x292: {  	s16 =	sadd.s32 $0x83, s16;
	v15 =	vmov s17;
	[tilespmem:s13+$0xFFFFFF90] =	vst v7;
	v7 =	vmul.f32 v11, v8;
	v11 =	vmul.f32 v13, v8  }
0x293: {  	v13 =	vand.u32 $0xFFFFFFFC, v15;
	[tilespmem:s13+$0xFFFFFFB0] =	vst v6;
	v6 =	vmul.f32 v9, v8;
	v8 =	vmul.f32 v14, v8  }
0x294: {  	v9 =	vbroadcast v13, $0x0;
	v13 =	vmov s18;
	v14 =	vmov s19;
	[tilespmem:s13+$0xFFFFFFD0] =	vst v7  }
0x295: {  	v7 =	vand.u32 $0xFFFFFFFD, v13;
	v13 =	vand.u32 $0xFFFFFFFE, v14;
	[tilespmem:s13+$0x0] =	vst v8  }
0x296: {  	v8 =	vld [tilespmem:s15+$0xFFFFFE50];
	[tilespmem:s13+$0xFFFFFFF0] =	vst v6  }
0x297: {  	v6 =	vld [tilespmem:s15+$0xFFFFFE60];
	[tilespmem:s13+$0xFFFFFFA0] =	vst v10  }
0x298: {  	v10 =	vld [tilespmem:s15+$0xFFFFFE70];
	[tilespmem:s13+$0xFFFFFFC0] =	vst v12  }
0x299: {  	v12 =	vld [tilespmem:s15+$0xFFFFFE80];
	[tilespmem:s13+$0xFFFFFFE0] =	vst v11;
	s13 =	smov.u32 s15  }
0x29a: {  	v9 =	vld.idx.msk [tilespmem:v9+s30+$0x0], $0xffff  }
0x29b: {  	v11 =	vld [tilespmem:s15+$0xFFFFFE10]  }
0x29c: {  	v14 =	vld [tilespmem:s15+$0xFFFFFE30]  }
0x29d: {  	v15 =	vld [tilespmem:s15+$0xFFFFFE20]  }
0x29e: {  	v16 =	vld [tilespmem:s15+$0xFFFFFE40];
	_ =	sdelay $0x1  }
0x29f: {  	v12 =	vmul.f32 v12, v9;
	v11 =	vmul.f32 v11, v9  }
0x2a0: {  	v10 =	vmul.f32 v10, v9;
	v14 =	vmul.f32 v14, v9  }
0x2a1: {  	v6 =	vmul.f32 v6, v9;
	v15 =	vmul.f32 v15, v9;
	[tilespmem:s15+$0xFFFFFE80] =	vst v12  }
0x2a2: {  	v8 =	vmul.f32 v8, v9;
	[tilespmem:s15+$0xFFFFFE10] =	vst v11;
	v11 =	vmul.f32 v16, v9  }
0x2a3: {  	v7 =	vbroadcast v7, $0x0;
	[tilespmem:s15+$0xFFFFFE30] =	vst v14  }
0x2a4: {  	[tilespmem:s15+$0xFFFFFE60] =	vst v6  }
0x2a5: {  	[tilespmem:s15+$0xFFFFFE50] =	vst v8;
	v6 =	vld [tilespmem:s15+$0xFFFFFF00]  }
0x2a6: {  	[tilespmem:s15+$0xFFFFFE70] =	vst v10;
	v8 =	vld [tilespmem:s15+$0xFFFFFED0]  }
0x2a7: {  	[tilespmem:s15+$0xFFFFFE40] =	vst v11;
	v9 =	vld [tilespmem:s15+$0xFFFFFEE0]  }
0x2a8: {  	[tilespmem:s15+$0xFFFFFE20] =	vst v15;
	v10 =	vld [tilespmem:s15+$0xFFFFFEA0]  }
0x2a9: {  	v7 =	vld.idx.msk [tilespmem:v7+s30+$0x0], $0xffff  }
0x2aa: {  	v11 =	vld [tilespmem:s15+$0xFFFFFE90]  }
0x2ab: {  	v12 =	vld [tilespmem:s15+$0xFFFFFEB0]  }
0x2ac: {  	v14 =	vld [tilespmem:s15+$0xFFFFFEC0]  }
0x2ad: {  	v15 =	vld [tilespmem:s15+$0xFFFFFEF0];
	_ =	sdelay $0x1  }
0x2ae: {  	v10 =	vmul.f32 v10, v7;
	v11 =	vmul.f32 v11, v7  }
0x2af: {  	v9 =	vmul.f32 v9, v7;
	v12 =	vmul.f32 v12, v7  }
0x2b0: {  	v8 =	vmul.f32 v8, v7;
	[tilespmem:s15+$0xFFFFFEA0] =	vst v10;
	v10 =	vmul.f32 v14, v7  }
0x2b1: {  	v6 =	vmul.f32 v6, v7;
	[tilespmem:s15+$0xFFFFFEB0] =	vst v12;
	v12 =	vmul.f32 v15, v7  }
0x2b2: {  	[tilespmem:s15+$0xFFFFFE90] =	vst v11;
	v11 =	vbroadcast v13, $0x0  }
0x2b3: {  	[tilespmem:s15+$0xFFFFFEC0] =	vst v10  }
0x2b4: {  	[tilespmem:s15+$0xFFFFFED0] =	vst v8  }
0x2b5: {  	[tilespmem:s15+$0xFFFFFEE0] =	vst v9  }
.Ltmp7:
0x2b6: {  	[tilespmem:s15+$0xFFFFFF00] =	vst v6;
	v7 =	vld [tilespmem:s15+$0xFFFFFF50];
	(pc) =	sbr.rel @p0 .LBB2_17-.Ltmp7, $4  }
0x2b7: {  	[tilespmem:s15+$0xFFFFFEF0] =	vst v12;
	v9 =	vld [tilespmem:s15+$0xFFFFFF70]  }
0x2b8: {  	v6 =	vld.idx.msk [tilespmem:v11+s30+$0x0], $0xffff  }
0x2b9: {  	v10 =	vld [tilespmem:s15+$0xFFFFFF10]  }
0x2ba: {  	v8 =	vld [tilespmem:s15+$0xFFFFFF20]  }
0x2bb: {  	_ =	sdelay $0x1  }
0x2bc: {  	v9 =	vmul.f32 v9, v6  }
0x2bd: {  	v11 =	vld [tilespmem:s13+$0xFFFFFF60];
	v7 =	vmul.f32 v7, v6  }
0x2be: {  	v12 =	vld [tilespmem:s13+$0xFFFFFF80];
	v4 =	vmul.f32 v4, v6;
	[tilespmem:s13+$0xFFFFFF70] =	vst v9  }
0x2bf: {  	v51 =	vmul.f32 v10, v6;
	[tilespmem:s13+$0xFFFFFF50] =	vst v7  }
0x2c0: {  	[tilespmem:s13+$0xFFFFFF30] =	vst v4;
	v4 =	vmul.f32 v5, v6  }
0x2c1: {  	v5 =	vmov s16;
	v8 =	vmul.f32 v8, v6;
	[tilespmem:s13+$0xFFFFFF10] =	vst v51  }
0x2c2: {  	v52 =	vmul.f32 v11, v6;
	[tilespmem:s13+$0xFFFFFF40] =	vst v4  }
0x2c3: {  	v53 =	vmul.f32 v12, v6;
	[tilespmem:s13+$0xFFFFFF20] =	vst v8  }
0x2c4: {  	[tilespmem:s13+$0xFFFFFF60] =	vst v52  }
0x2c5: {  	v4 =	vld [tilespmem:s13+$0xFFFFFF90];
	[tilespmem:s13+$0xFFFFFF80] =	vst v53  }
0x2c6: {  	v5 =	vld.idx.msk [tilespmem:v5+s30+$0x0], $0xffff  }
0x2c7: {  	v54 =	vld [tilespmem:s13+$0xFFFFFFB0]  }
0x2c8: {  	v56 =	vld [tilespmem:s13+$0x0]  }
0x2c9: {  	v57 =	vld [tilespmem:s13+$0xFFFFFFF0]  }
0x2ca: {  	v55 =	vld [tilespmem:s13+$0xFFFFFFD0]  }
0x2cb: {  	v59 =	vld [tilespmem:s13+$0xFFFFFFC0];
	v4 =	vmul.f32 v4, v5  }
0x2cc: {  	v58 =	vld [tilespmem:s13+$0xFFFFFFA0];
	v6 =	vmul.f32 v54, v5  }
0x2cd: {  	v60 =	vld [tilespmem:s13+$0xFFFFFFE0];
	v61 =	vmul.f32 v56, v5;
	[tilespmem:s13+$0xFFFFFF90] =	vst v4  }
0x2ce: {  	v62 =	vmul.f32 v57, v5;
	[tilespmem:s13+$0xFFFFFFB0] =	vst v6  }
0x2cf: {  	v4 =	vmul.f32 v55, v5;
	[tilespmem:s13+$0x0] =	vst v61  }
0x2d0: {  	v63 =	vmul.f32 v59, v5;
	[tilespmem:s13+$0xFFFFFFF0] =	vst v62  }
0x2d1: {  	[tilespmem:s13+$0xFFFFFFD0] =	vst v4;
	v4 =	vmul.f32 v58, v5  }
0x2d2: {  	[tilespmem:s13+$0xFFFFFFC0] =	vst v63;
	v5 =	vmul.f32 v60, v5  }
0x2d3: {  	[tilespmem:s13+$0xFFFFFFA0] =	vst v4  }
0x2d4: {  	[tilespmem:s13+$0xFFFFFFE0] =	vst v5  }
0x2d5: {  	[spmem:s1] =	stream.indirect.scatter.add.f32 [tilespmem:s0], [sflag:$0x5], $0x80, s4, s29, $0xb8;
	[tilespmem:$0x1F7A0] =	vst v63  }
0x2d6: {  	p0 =	seq.s32 s12, $0x4F;
	_ =	swait.ge [sflag:s5], $0x2000  }
0x2d7: {  	s12 =	sadd.s32 @!p0 $0x1, s12;
	[sflag:s5] =	ssyncset.done $0x0  }
0x2d8: {  	s13 =	sshll.u32 @!p0 s12, $0x7;
	[sflag:s5] =	ssyncadd.s32 $0xFFFFE000  }
0x2d9: {  	v4 =	vld @!p0 [tilespmem:s13+$0x0];
	_ =	sdelay $0x4  }
0x2da: {  	[tilespmem:$0xB800] =	vst @!p0 v4  }
0x2db: {  	v4 =	vld @!p0 [tilespmem:s13+$0x2800];
	_ =	sdelay $0x4  }
0x2dc: {  	[tilespmem:$0xB900] =	vst @!p0 v4  }
0x2dd: {  	v4 =	vld @!p0 [tilespmem:s13+$0x10];
	_ =	sdelay $0x4  }
0x2de: {  	[tilespmem:$0xB810] =	vst @!p0 v4  }
0x2df: {  	v4 =	vld @!p0 [tilespmem:s13+$0x2810];
	_ =	sdelay $0x4  }
0x2e0: {  	[tilespmem:$0xB910] =	vst @!p0 v4  }
0x2e1: {  	v4 =	vld @!p0 [tilespmem:s13+$0x20];
	_ =	sdelay $0x4  }
0x2e2: {  	[tilespmem:$0xB820] =	vst @!p0 v4  }
0x2e3: {  	v4 =	vld @!p0 [tilespmem:s13+$0x2820];
	_ =	sdelay $0x4  }
0x2e4: {  	[tilespmem:$0xB920] =	vst @!p0 v4  }
0x2e5: {  	v4 =	vld @!p0 [tilespmem:s13+$0x30];
	_ =	sdelay $0x4  }
0x2e6: {  	[tilespmem:$0xB830] =	vst @!p0 v4  }
0x2e7: {  	p1 =	sne.s32 @!p0 s12, $0x50;
	v4 =	vld @!p0 [tilespmem:s13+$0x2830]  }
0x2e8: {  	p1 =	por p0, !p1  }
.Ltmp8:
0x2e9: {  	_ = 	snop;
	(pc) =	sbr.rel @!p1 .LBB2_14-.Ltmp8, $4  }
0x2ea: {  	_ = 	snop  }
0x2eb: {  	s14 =	simm.s32 @!p0 $0xB900  }
0x2ec: {  	s15 =	simm.s32 @!p0 $0x7800;
	s11 =	sadd.s32 @!p0 $0x80, s11;
	s13 =	simm.s32 @!p0 $0x40;
	[tilespmem:$0xB930] =	vst @!p0 v4  }
0x2ed: {  	[tilespmem:s15], [sflag:$0x2] =	stream.indirect.gather @!p0 [hbm4b:s6+s13], $0x80, s14, s13, $0xb8;
	[tilespmem:$0x1F7A0] =	vst v63  }
0x2ee: {  	_ =	swait.ge [sflag:s26], $0x2000  }
0x2ef: {  	[sflag:s26] =	ssyncset.done $0x0  }
0x2f0: {  	s11 =	stileid.u32;
	[sflag:s26] =	ssyncadd.s32 $0xFFFFE000  }
0x2f1: {  	s13 =	simm.s32 $0x8;
	s11 =	sshll.u32 s11, $0x6;
	[bflag:$0x0] =	sbarrier.arrive $0xFFFF  }
0x2f2: {  	s14 =	simm.s32 $0x100;
	s11 =	sor.u32 $0x1C06, s11;
	s12 =	rddreg [dreg:$0xa]  }
0x2f3: {  	[hbm:s12@s14], [sflag:s11] =	dma.strided [spmem:s24@s23], $0x2780, s13, $0x10   }
0x2f4: {  	_ =	swait.ge [sflag:s20], $0x2780  }
0x2f5: {  	s28 =	sadd.s32 $0x1, s28;
	s19 =	rddreg [dreg:$0xb]  }
0x2f6: {  	p0 =	sne.s32 s28, s19  }
.Ltmp9:
0x2f7: {  	_ = 	snop;
	(pc) =	sbr.rel @p0 .LBB2_1-.Ltmp9, $3  }
0x2f8: {  	_ =	sdelay $0x1  }
0x2f9: {  	[sflag:s20] =	ssyncset.done $0x0  }
0x2fa: {  	s17 =	simm.s32 $0xBA00;
	s18 =	simm.s32 $0xBA80;
	[sflag:s20] =	ssyncadd.s32 $0xFFFFD880  }
0x2fb: {  	_ =	sfence.sel $0x180000  }
0x2fc: {  	[bflag:$0x0] =	sbarrier.arrive $0xFFFF  }
0x2fd: {  	_ =	strace $0x90000047  }
0x2fe: {  	s0 =	stileid.u32;
	[bflag:$0x2] =	sbarrier.arrive $0xFFFF  }
0x2ff: {  	p0 =	sne.s32 s0, $0x0;
	s0 =	rddreg [dreg:$0x5]  }
0x300: {  	s0 =	sadd.s32 @!p0 $0x100000, s0  }
0x301: {  	[sflag:s0] =	ssyncadd.tile.s32 @!p0 $0x1;
	_ =	shalt  }
.Lfunc_end2:
_tile_overlayer_lowered:
.L_overlay_start_2:
0x302: {  	(tag) =	ssettag $0x2  }
0x303: {  	s0 =	rddreg [dreg:$0x0];
	s2 =	stileid.u32  }
0x304: {  	s1 =	rddreg [dreg:$0x1];
	p0 =	sne.s32 s2, $0x0  }
0x305: {  	s3 =	rddreg [dreg:$0x2];
	[bflag:$0x3] =	sbarrier.arrive $0xFFFF;
	s2 =	simm.s32 @!p0 $0x1C06  }
0x306: {  	[timem:s3], [sflag:s2] =	dma.local @!p0 [hbm:s0], s1  }
0x307: {  	s0 =	simm.s32 @!p0 $0x6  }
0x308: {  	_ =	swait.ge @!p0 [sflag:s0], s1  }
0x309: {  	s1 =	ssub.s32 @!p0 $0x0, s1;
	[sflag:s0] =	ssyncset.done @!p0 $0x0  }
0x30a: {  	[sflag:s0] =	ssyncadd.s32 @!p0 s1  }
0x30b: {  	[bflag:$0x3] =	sbarrier.arrive $0xFFFF  }
0x30c: {  	_ =	shalt  }

</sc_bundles>
